<compile_context>
chip_gen: v7x
topology: tpu7x:2x2x1
jax: 0.10.2.dev20260603
libtpu: 0.0.44.dev20260713+nightly
codegen_flags: <defaults>
</compile_context>

<pallas_src>
import jax
import jax.numpy as jnp
from jax import lax
from jax.experimental import pallas as pl
from jax.experimental.pallas import tpu as pltpu
from jax.experimental.pallas import tpu_sc as plsc

_NC, _NS = 2, 16
_NW = _NC * _NS
_G = 128
_GPC = 1
_NB = 4


def _gather_sc(table, slic, num_rows):
    B, S, dim = table.shape
    per_w = num_rows // _NW
    CHUNK = _GPC * _G
    K = per_w // CHUNK
    G_GROUPS = K // _NB
    w_per_b = _NW // B
    mesh = plsc.VectorSubcoreMesh(core_axis_name="core", subcore_axis_name="subcore")

    @pl.kernel(
        out_type=jax.ShapeDtypeStruct((num_rows, dim), jnp.float32),
        mesh=mesh,
        scratch_types=[
            pltpu.VMEM((K * _GPC, _G), jnp.int32),
            pltpu.VMEM((_NB, CHUNK, dim), jnp.float32),
            pltpu.VMEM((1, dim), jnp.float32),
            *[pltpu.VMEM_SHARED((S + 1, dim), jnp.float32) for _ in range(B)],
            pltpu.SemaphoreType.DMA,
            pltpu.SemaphoreType.DMA,
            pltpu.SemaphoreType.DMA,
        ],
    )
    def k(x_hbm, i_hbm, o_hbm, idx_v, rows_v, zrow_v, *tabs_and_sems):
        tabs, (gsem, wsem, tsem) = tabs_and_sems[:B], tabs_and_sems[B:]
        sid = lax.axis_index("subcore")
        wid = sid * _NC + lax.axis_index("core")
        base = wid * per_w
        batch = wid // w_per_b

        pltpu.async_copy(i_hbm.at[wid], idx_v, gsem)

        for b in range(B):

            @pl.when(sid == b)
            def _(b=b):
                for c in range(dim // 16):
                    zrow_v[0, pl.ds(c * 16, 16)] = jnp.zeros((16,), jnp.float32)
                pltpu.async_copy(x_hbm.at[b], tabs[b].at[pl.ds(1, S)], tsem)
                pltpu.async_copy(zrow_v, tabs[b].at[pl.ds(0, 1)], tsem)
                pltpu.make_async_copy(x_hbm.at[b], tabs[b].at[pl.ds(1, S)], tsem).wait()
                pltpu.make_async_copy(zrow_v, tabs[b].at[pl.ds(0, 1)], tsem).wait()

        pltpu.make_async_copy(i_hbm.at[wid], idx_v, gsem).wait()
        plsc.subcore_barrier()

        def ring(tab):
            def gathers(c, j):
                return [
                    pltpu.make_async_copy(
                        tab.at[idx_v.at[c * _GPC + p]],
                        rows_v.at[j, pl.ds(p * _G, _G)],
                        gsem,
                    )
                    for p in range(_GPC)
                ]

            def write(c, j):
                return pltpu.make_async_copy(
                    rows_v.at[j], o_hbm.at[pl.ds(base + c * CHUNK, CHUNK)], wsem
                )

            for j in range(_NB):
                for cp in gathers(j, j):
                    cp.start()

            @pl.loop(0, G_GROUPS - 1)
            def _(g):
                c0 = g * _NB
                for j in range(_NB):
                    for cp in gathers(c0 + j, j):
                        cp.wait()
                    write(c0 + j, j).start()
                for j in range(_NB):
                    write(c0 + j, j).wait()
                    for cp in gathers(c0 + _NB + j, j):
                        cp.start()

            c0 = (G_GROUPS - 1) * _NB
            for j in range(_NB):
                for cp in gathers(c0 + j, j):
                    cp.wait()
                write(c0 + j, j).start()
            for j in range(_NB):
                write(c0 + j, j).wait()

        for b in range(B):
            pl.when(batch == b)(lambda tab=tabs[b]: ring(tab))

    return k(table, slic)


def kernel(graph_lstm_output, slic_output):
    B, S, D = graph_lstm_output.shape
    _, H, W = slic_output.shape
    n = B * H * W
    slic = slic_output.reshape(_NW, n // (_NW * _G), _G)
    out = _gather_sc(graph_lstm_output, slic, n)
    return out.reshape(B, H, W, D)

# --- scband reference (transcript-rebuilt; emitter-appended) ---
"""Pipeline reference for scband-convert2-image-33543694582286 (READ-ONLY COPY).

The authoritative reference and input builder live on the scoring server;
editing this copy changes nothing except your own understanding.
"""

import jax, jax.numpy as jnp
import numpy as np


def setup_inputs(seed: int = 0) -> dict:
    key = jax.random.key(seed)
    k1, k2 = jax.random.split(key)
    graph_lstm_output = jax.random.normal(k1, (4, 256, 128), dtype=jnp.float32)
    # SLIC segment labels; original layer treats labels as 1-indexed (slic - 1 == cycle)
    slic_output = jax.random.randint(k2, (4, 384, 384), 0, 256, dtype=jnp.int32)
    return {"graph_lstm_output": graph_lstm_output, "slic_output": slic_output}


def reference(graph_lstm_output, slic_output):
    # Original semantics: out[b,h,w,:] = sum_{cycle=0..S-1} graph_lstm_output[b,cycle,:] * (slic[b,h,w]-1 == cycle)
    # i.e. a per-batch gather of segment features into image space; pixels whose
    # (slic-1) falls outside [0, S) never match any cycle and stay zero.
    S = graph_lstm_output.shape[1]
    idx = slic_output - 1
    valid = (idx >= 0) & (idx < S)
    safe_idx = jnp.clip(idx, 0, S - 1)
    # batched gather: for each batch element, index the [S, d] feature table with the [H, W] label map
    gathered = jax.vmap(lambda g, s: jnp.take(g, s, axis=0))(graph_lstm_output, safe_idx)
    out = gathered * valid[..., None].astype(gathered.dtype)
    return out

if __name__ == "__main__":
    import jax
    _d = setup_inputs()
    print(jax.jit(kernel)(*tuple(_d.values())))

</pallas_src>

<mosaic_0001>
#map = affine_map<(d0, d1) -> (0, 0, 0)>
#map1 = affine_map<(d0, d1) -> (0, 0)>
module attributes {stable_mosaic.version = 14 : i64} {
  func.func @k(%arg0: i32, %arg1: i32, %arg2: memref<4x256x128xf32, #tpu.memory_space<hbm>>, %arg3: memref<32x144x128xi32, #tpu.memory_space<hbm>>, %arg4: memref<589824x128xf32, #tpu.memory_space<hbm>>, %arg5: memref<144x128xi32, #tpu.memory_space<vmem>>, %arg6: memref<4x128x128xf32, #tpu.memory_space<vmem>>, %arg7: memref<1x128xf32, #tpu.memory_space<vmem>>, %arg8: memref<257x128xf32, #tpu.memory_space<vmem_shared>>, %arg9: memref<257x128xf32, #tpu.memory_space<vmem_shared>>, %arg10: memref<257x128xf32, #tpu.memory_space<vmem_shared>>, %arg11: memref<257x128xf32, #tpu.memory_space<vmem_shared>>, %arg12: memref<!tpu.dma_semaphore, #tpu.memory_space<semaphore_mem>>, %arg13: memref<!tpu.dma_semaphore, #tpu.memory_space<semaphore_mem>>, %arg14: memref<!tpu.dma_semaphore, #tpu.memory_space<semaphore_mem>>) attributes {dimension_semantics = [#tpu.dimension_semantics<core_parallel>, #tpu.dimension_semantics<subcore_parallel>], iteration_bounds = array<i64: 2, 16>, scalar_prefetch = 0 : i64, scratch_operands = 10 : i64, tpu.core_type = #tpu.core_type<sc_vector_subcore>, window_params = [{transform_indices = #map}, {transform_indices = #map}, {transform_indices = #map1}]} {
    %mul3A = arith.constant 2 : i32
    %mul3A_0 = arith.muli %arg1, %mul3A : i32
    %add3A = arith.addi %mul3A_0, %arg0 : i32
    %mul3A_1 = arith.constant 18432 : i32
    %mul3A_2 = arith.muli %add3A, %mul3A_1 : i32
    %jit3A = arith.constant 8 : i32
    %div3A = arith.divsi %add3A, %jit3A : i32
    %sign3A = arith.constant 0 : i32
    %sign3A_3 = arith.cmpi sgt, %add3A, %sign3A : i32
    %sign3A_4 = arith.extui %sign3A_3 : i1 to i32
    %sign3A_5 = arith.constant 0 : i32
    %sign3A_6 = arith.cmpi slt, %add3A, %sign3A_5 : i32
    %sign3A_7 = arith.extui %sign3A_6 : i1 to i32
    %sign3A_8 = arith.subi %sign3A_4, %sign3A_7 : i32
    %sign3A_9 = arith.constant 0 : i32
    %sign3A_10 = arith.cmpi sgt, %jit3A, %sign3A_9 : i32
    %sign3A_11 = arith.extui %sign3A_10 : i1 to i32
    %sign3A_12 = arith.constant 0 : i32
    %sign3A_13 = arith.cmpi slt, %jit3A, %sign3A_12 : i32
    %sign3A_14 = arith.extui %sign3A_13 : i1 to i32
    %sign3A_15 = arith.subi %sign3A_11, %sign3A_14 : i32
    %ne3A = arith.cmpi ne, %sign3A_8, %sign3A_15 : i32
    %rem3A = arith.remsi %add3A, %jit3A : i32
    %ne3A_16 = arith.constant 0 : i32
    %ne3A_17 = arith.cmpi ne, %rem3A, %ne3A_16 : i32
    %and3A = arith.andi %ne3A, %ne3A_17 : i1
    %sub3A = arith.constant 1 : i32
    %sub3A_18 = arith.subi %div3A, %sub3A : i32
    %select_n3A = arith.select %and3A, %sub3A_18, %div3A : i32
    %dma_start3A = arith.constant 0 : i32
    %dma_start3A_19 = arith.constant 0 : i32
    %dma_start3A_20 = tpu.memref_slice %arg3[%add3A, %dma_start3A, %dma_start3A_19] : memref<32x144x128xi32, #tpu.memory_space<hbm>> -> memref<1x144x128xi32, #tpu.memory_space<hbm>>
    %dma_start3A_21 = tpu.memref_squeeze %dma_start3A_20 : memref<1x144x128xi32, #tpu.memory_space<hbm>> -> memref<144x128xi32, #tpu.memory_space<hbm>>
    %dma_start3A_22 = arith.constant 0 : i32
    %dma_start3A_23 = arith.constant 0 : i32
    %dma_start3A_24 = tpu.memref_slice %arg3[%add3A, %dma_start3A_22, %dma_start3A_23] : memref<32x144x128xi32, #tpu.memory_space<hbm>> -> memref<1x144x128xi32, #tpu.memory_space<hbm>>
    %dma_start3A_25 = tpu.memref_squeeze %dma_start3A_24 : memref<1x144x128xi32, #tpu.memory_space<hbm>> -> memref<144x128xi32, #tpu.memory_space<hbm>>
    tpu.enqueue_dma source(%dma_start3A_25 : memref<144x128xi32, #tpu.memory_space<hbm>>) target(%arg5 : memref<144x128xi32, #tpu.memory_space<vmem>>) target_semaphore(%arg12 : memref<!tpu.dma_semaphore, #tpu.memory_space<semaphore_mem>>)
    %eq3A = arith.constant 0 : i32
    %eq3A_26 = arith.cmpi eq, %arg1, %eq3A : i32
    %convert_element_type3A = arith.extui %eq3A_26 : i1 to i32
    %cond3A = arith.constant 0 : i32
    %cond3A_27 = arith.cmpi ne, %convert_element_type3A, %cond3A : i32
    scf.if %cond3A_27 {
      %broadcast_in_dim3A = arith.constant 0.000000e+00 : f32
      %broadcast_in_dim3A_70 = vector.broadcast %broadcast_in_dim3A : f32 to vector<16xf32>
      %swap3A = arith.constant 0 : i32
      %swap3A_71 = arith.index_cast %swap3A : i32 to index
      %swap3A_72 = arith.constant 0 : index
      %swap3A_73 = tpu.vector_load %arg7[%swap3A_71, %swap3A_72] {strides = array<i32>} : memref<1x128xf32, #tpu.memory_space<vmem>>, vector<1x16xf32>,
      %swap3A_74 = vector.shape_cast %swap3A_73 : vector<1x16xf32> to vector<16xf32>
      %swap3A_75 = vector.shape_cast %broadcast_in_dim3A_70 : vector<16xf32> to vector<1x16xf32>
      tpu.vector_store %arg7[%swap3A_71, %swap3A_72], %swap3A_75 {strides = array<i32>} : memref<1x128xf32, #tpu.memory_space<vmem>>, vector<1x16xf32>,
      %broadcast_in_dim3A_76 = arith.constant 0.000000e+00 : f32
      %broadcast_in_dim3A_77 = vector.broadcast %broadcast_in_dim3A_76 : f32 to vector<16xf32>
      %swap3A_78 = arith.constant 0 : i32
      %swap3A_79 = arith.index_cast %swap3A_78 : i32 to index
      %swap3A_80 = arith.constant 16 : index
      %swap3A_81 = tpu.vector_load %arg7[%swap3A_79, %swap3A_80] {strides = array<i32>} : memref<1x128xf32, #tpu.memory_space<vmem>>, vector<1x16xf32>,
      %swap3A_82 = vector.shape_cast %swap3A_81 : vector<1x16xf32> to vector<16xf32>
      %swap3A_83 = vector.shape_cast %broadcast_in_dim3A_77 : vector<16xf32> to vector<1x16xf32>
      tpu.vector_store %arg7[%swap3A_79, %swap3A_80], %swap3A_83 {strides = array<i32>} : memref<1x128xf32, #tpu.memory_space<vmem>>, vector<1x16xf32>,
      %broadcast_in_dim3A_84 = arith.constant 0.000000e+00 : f32
      %broadcast_in_dim3A_85 = vector.broadcast %broadcast_in_dim3A_84 : f32 to vector<16xf32>
      %swap3A_86 = arith.constant 0 : i32
      %swap3A_87 = arith.index_cast %swap3A_86 : i32 to index
      %swap3A_88 = arith.constant 32 : index
      %swap3A_89 = tpu.vector_load %arg7[%swap3A_87, %swap3A_88] {strides = array<i32>} : memref<1x128xf32, #tpu.memory_space<vmem>>, vector<1x16xf32>,
      %swap3A_90 = vector.shape_cast %swap3A_89 : vector<1x16xf32> to vector<16xf32>
      %swap3A_91 = vector.shape_cast %broadcast_in_dim3A_85 : vector<16xf32> to vector<1x16xf32>
      tpu.vector_store %arg7[%swap3A_87, %swap3A_88], %swap3A_91 {strides = array<i32>} : memref<1x128xf32, #tpu.memory_space<vmem>>, vector<1x16xf32>,
      %broadcast_in_dim3A_92 = arith.constant 0.000000e+00 : f32
      %broadcast_in_dim3A_93 = vector.broadcast %broadcast_in_dim3A_92 : f32 to vector<16xf32>
      %swap3A_94 = arith.constant 0 : i32
      %swap3A_95 = arith.index_cast %swap3A_94 : i32 to index
      %swap3A_96 = arith.constant 48 : index
      %swap3A_97 = tpu.vector_load %arg7[%swap3A_95, %swap3A_96] {strides = array<i32>} : memref<1x128xf32, #tpu.memory_space<vmem>>, vector<1x16xf32>,
      %swap3A_98 = vector.shape_cast %swap3A_97 : vector<1x16xf32> to vector<16xf32>
      %swap3A_99 = vector.shape_cast %broadcast_in_dim3A_93 : vector<16xf32> to vector<1x16xf32>
      tpu.vector_store %arg7[%swap3A_95, %swap3A_96], %swap3A_99 {strides = array<i32>} : memref<1x128xf32, #tpu.memory_space<vmem>>, vector<1x16xf32>,
      %broadcast_in_dim3A_100 = arith.constant 0.000000e+00 : f32
      %broadcast_in_dim3A_101 = vector.broadcast %broadcast_in_dim3A_100 : f32 to vector<16xf32>
      %swap3A_102 = arith.constant 0 : i32
      %swap3A_103 = arith.index_cast %swap3A_102 : i32 to index
      %swap3A_104 = arith.constant 64 : index
      %swap3A_105 = tpu.vector_load %arg7[%swap3A_103, %swap3A_104] {strides = array<i32>} : memref<1x128xf32, #tpu.memory_space<vmem>>, vector<1x16xf32>,
      %swap3A_106 = vector.shape_cast %swap3A_105 : vector<1x16xf32> to vector<16xf32>
      %swap3A_107 = vector.shape_cast %broadcast_in_dim3A_101 : vector<16xf32> to vector<1x16xf32>
      tpu.vector_store %arg7[%swap3A_103, %swap3A_104], %swap3A_107 {strides = array<i32>} : memref<1x128xf32, #tpu.memory_space<vmem>>, vector<1x16xf32>,
      %broadcast_in_dim3A_108 = arith.constant 0.000000e+00 : f32
      %broadcast_in_dim3A_109 = vector.broadcast %broadcast_in_dim3A_108 : f32 to vector<16xf32>
      %swap3A_110 = arith.constant 0 : i32
      %swap3A_111 = arith.index_cast %swap3A_110 : i32 to index
      %swap3A_112 = arith.constant 80 : index
      %swap3A_113 = tpu.vector_load %arg7[%swap3A_111, %swap3A_112] {strides = array<i32>} : memref<1x128xf32, #tpu.memory_space<vmem>>, vector<1x16xf32>,
      %swap3A_114 = vector.shape_cast %swap3A_113 : vector<1x16xf32> to vector<16xf32>
      %swap3A_115 = vector.shape_cast %broadcast_in_dim3A_109 : vector<16xf32> to vector<1x16xf32>
      tpu.vector_store %arg7[%swap3A_111, %swap3A_112], %swap3A_115 {strides = array<i32>} : memref<1x128xf32, #tpu.memory_space<vmem>>, vector<1x16xf32>,
      %broadcast_in_dim3A_116 = arith.constant 0.000000e+00 : f32
      %broadcast_in_dim3A_117 = vector.broadcast %broadcast_in_dim3A_116 : f32 to vector<16xf32>
      %swap3A_118 = arith.constant 0 : i32
      %swap3A_119 = arith.index_cast %swap3A_118 : i32 to index
      %swap3A_120 = arith.constant 96 : index
      %swap3A_121 = tpu.vector_load %arg7[%swap3A_119, %swap3A_120] {strides = array<i32>} : memref<1x128xf32, #tpu.memory_space<vmem>>, vector<1x16xf32>,
      %swap3A_122 = vector.shape_cast %swap3A_121 : vector<1x16xf32> to vector<16xf32>
      %swap3A_123 = vector.shape_cast %broadcast_in_dim3A_117 : vector<16xf32> to vector<1x16xf32>
      tpu.vector_store %arg7[%swap3A_119, %swap3A_120], %swap3A_123 {strides = array<i32>} : memref<1x128xf32, #tpu.memory_space<vmem>>, vector<1x16xf32>,
      %broadcast_in_dim3A_124 = arith.constant 0.000000e+00 : f32
      %broadcast_in_dim3A_125 = vector.broadcast %broadcast_in_dim3A_124 : f32 to vector<16xf32>
      %swap3A_126 = arith.constant 0 : i32
      %swap3A_127 = arith.index_cast %swap3A_126 : i32 to index
      %swap3A_128 = arith.constant 112 : index
      %swap3A_129 = tpu.vector_load %arg7[%swap3A_127, %swap3A_128] {strides = array<i32>} : memref<1x128xf32, #tpu.memory_space<vmem>>, vector<1x16xf32>,
      %swap3A_130 = vector.shape_cast %swap3A_129 : vector<1x16xf32> to vector<16xf32>
      %swap3A_131 = vector.shape_cast %broadcast_in_dim3A_125 : vector<16xf32> to vector<1x16xf32>
      tpu.vector_store %arg7[%swap3A_127, %swap3A_128], %swap3A_131 {strides = array<i32>} : memref<1x128xf32, #tpu.memory_space<vmem>>, vector<1x16xf32>,
      %dma_start3A_132 = arith.constant 0 : i32
      %dma_start3A_133 = arith.constant 1 : i32
      %dma_start3A_134 = arith.constant 0 : i32
      %dma_start3A_135 = tpu.memref_slice %arg8[%dma_start3A_133, %dma_start3A_134] : memref<257x128xf32, #tpu.memory_space<vmem_shared>> -> memref<256x128xf32, #tpu.memory_space<vmem_shared>>
      %dma_start3A_136 = arith.constant 0 : i32
      %dma_start3A_137 = arith.constant 0 : i32
      %dma_start3A_138 = tpu.memref_slice %arg2[%dma_start3A_132, %dma_start3A_136, %dma_start3A_137] : memref<4x256x128xf32, #tpu.memory_space<hbm>> -> memref<1x256x128xf32, #tpu.memory_space<hbm>>
      %dma_start3A_139 = tpu.memref_squeeze %dma_start3A_138 : memref<1x256x128xf32, #tpu.memory_space<hbm>> -> memref<256x128xf32, #tpu.memory_space<hbm>>
      tpu.enqueue_dma source(%dma_start3A_139 : memref<256x128xf32, #tpu.memory_space<hbm>>) target(%dma_start3A_135 : memref<256x128xf32, #tpu.memory_space<vmem_shared>>) target_semaphore(%arg14 : memref<!tpu.dma_semaphore, #tpu.memory_space<semaphore_mem>>)
      %dma_start3A_140 = arith.constant 0 : i32
      %dma_start3A_141 = arith.constant 0 : i32
      %dma_start3A_142 = tpu.memref_slice %arg8[%dma_start3A_140, %dma_start3A_141] : memref<257x128xf32, #tpu.memory_space<vmem_shared>> -> memref<1x128xf32, #tpu.memory_space<vmem_shared>>
      %dma_start3A_143 = arith.constant 0 : i32
      %dma_start3A_144 = arith.constant 0 : i32
      %dma_start3A_145 = tpu.memref_slice %arg8[%dma_start3A_143, %dma_start3A_144] : memref<257x128xf32, #tpu.memory_space<vmem_shared>> -> memref<1x128xf32, #tpu.memory_space<vmem_shared>>
      tpu.enqueue_dma source(%arg7 : memref<1x128xf32, #tpu.memory_space<vmem>>) target(%dma_start3A_145 : memref<1x128xf32, #tpu.memory_space<vmem_shared>>) target_semaphore(%arg14 : memref<!tpu.dma_semaphore, #tpu.memory_space<semaphore_mem>>)
      %dma_wait3A_146 = arith.constant 0 : i32
      %dma_wait3A_147 = arith.constant 1 : i32
      %dma_wait3A_148 = arith.constant 0 : i32
      %dma_wait3A_149 = tpu.memref_slice %arg8[%dma_wait3A_147, %dma_wait3A_148] : memref<257x128xf32, #tpu.memory_space<vmem_shared>> -> memref<256x128xf32, #tpu.memory_space<vmem_shared>>
      %dma_wait3A_150 = arith.constant 0 : i32
      %dma_wait3A_151 = arith.constant 0 : i32
      %dma_wait3A_152 = tpu.memref_slice %arg2[%dma_wait3A_146, %dma_wait3A_150, %dma_wait3A_151] : memref<4x256x128xf32, #tpu.memory_space<hbm>> -> memref<1x256x128xf32, #tpu.memory_space<hbm>>
      %dma_wait3A_153 = tpu.memref_squeeze %dma_wait3A_152 : memref<1x256x128xf32, #tpu.memory_space<hbm>> -> memref<256x128xf32, #tpu.memory_space<hbm>>
      tpu.wait_dma2 semaphore(%arg14 : memref<!tpu.dma_semaphore, #tpu.memory_space<semaphore_mem>>) src(%dma_wait3A_153 : memref<256x128xf32, #tpu.memory_space<hbm>>) dst(%dma_wait3A_149 : memref<256x128xf32, #tpu.memory_space<vmem_shared>>)
      %dma_wait3A_154 = arith.constant 0 : i32
      %dma_wait3A_155 = arith.constant 0 : i32
      %dma_wait3A_156 = tpu.memref_slice %arg8[%dma_wait3A_154, %dma_wait3A_155] : memref<257x128xf32, #tpu.memory_space<vmem_shared>> -> memref<1x128xf32, #tpu.memory_space<vmem_shared>>
      %dma_wait3A_157 = arith.constant 0 : i32
      %dma_wait3A_158 = arith.constant 0 : i32
      %dma_wait3A_159 = tpu.memref_slice %arg8[%dma_wait3A_157, %dma_wait3A_158] : memref<257x128xf32, #tpu.memory_space<vmem_shared>> -> memref<1x128xf32, #tpu.memory_space<vmem_shared>>
      tpu.wait_dma2 semaphore(%arg14 : memref<!tpu.dma_semaphore, #tpu.memory_space<semaphore_mem>>) src(%arg7 : memref<1x128xf32, #tpu.memory_space<vmem>>) dst(%dma_wait3A_159 : memref<1x128xf32, #tpu.memory_space<vmem_shared>>)
    } else {
    }
    %eq3A_28 = arith.constant 1 : i32
    %eq3A_29 = arith.cmpi eq, %arg1, %eq3A_28 : i32
    %convert_element_type3A_30 = arith.extui %eq3A_29 : i1 to i32
    %cond3A_31 = arith.constant 0 : i32
    %cond3A_32 = arith.cmpi ne, %convert_element_type3A_30, %cond3A_31 : i32
    scf.if %cond3A_32 {
      %broadcast_in_dim3A = arith.constant 0.000000e+00 : f32
      %broadcast_in_dim3A_70 = vector.broadcast %broadcast_in_dim3A : f32 to vector<16xf32>
      %swap3A = arith.constant 0 : i32
      %swap3A_71 = arith.index_cast %swap3A : i32 to index
      %swap3A_72 = arith.constant 0 : index
      %swap3A_73 = tpu.vector_load %arg7[%swap3A_71, %swap3A_72] {strides = array<i32>} : memref<1x128xf32, #tpu.memory_space<vmem>>, vector<1x16xf32>,
      %swap3A_74 = vector.shape_cast %swap3A_73 : vector<1x16xf32> to vector<16xf32>
      %swap3A_75 = vector.shape_cast %broadcast_in_dim3A_70 : vector<16xf32> to vector<1x16xf32>
      tpu.vector_store %arg7[%swap3A_71, %swap3A_72], %swap3A_75 {strides = array<i32>} : memref<1x128xf32, #tpu.memory_space<vmem>>, vector<1x16xf32>,
      %broadcast_in_dim3A_76 = arith.constant 0.000000e+00 : f32
      %broadcast_in_dim3A_77 = vector.broadcast %broadcast_in_dim3A_76 : f32 to vector<16xf32>
      %swap3A_78 = arith.constant 0 : i32
      %swap3A_79 = arith.index_cast %swap3A_78 : i32 to index
      %swap3A_80 = arith.constant 16 : index
      %swap3A_81 = tpu.vector_load %arg7[%swap3A_79, %swap3A_80] {strides = array<i32>} : memref<1x128xf32, #tpu.memory_space<vmem>>, vector<1x16xf32>,
      %swap3A_82 = vector.shape_cast %swap3A_81 : vector<1x16xf32> to vector<16xf32>
      %swap3A_83 = vector.shape_cast %broadcast_in_dim3A_77 : vector<16xf32> to vector<1x16xf32>
      tpu.vector_store %arg7[%swap3A_79, %swap3A_80], %swap3A_83 {strides = array<i32>} : memref<1x128xf32, #tpu.memory_space<vmem>>, vector<1x16xf32>,
      %broadcast_in_dim3A_84 = arith.constant 0.000000e+00 : f32
      %broadcast_in_dim3A_85 = vector.broadcast %broadcast_in_dim3A_84 : f32 to vector<16xf32>
      %swap3A_86 = arith.constant 0 : i32
      %swap3A_87 = arith.index_cast %swap3A_86 : i32 to index
      %swap3A_88 = arith.constant 32 : index
      %swap3A_89 = tpu.vector_load %arg7[%swap3A_87, %swap3A_88] {strides = array<i32>} : memref<1x128xf32, #tpu.memory_space<vmem>>, vector<1x16xf32>,
      %swap3A_90 = vector.shape_cast %swap3A_89 : vector<1x16xf32> to vector<16xf32>
      %swap3A_91 = vector.shape_cast %broadcast_in_dim3A_85 : vector<16xf32> to vector<1x16xf32>
      tpu.vector_store %arg7[%swap3A_87, %swap3A_88], %swap3A_91 {strides = array<i32>} : memref<1x128xf32, #tpu.memory_space<vmem>>, vector<1x16xf32>,
      %broadcast_in_dim3A_92 = arith.constant 0.000000e+00 : f32
      %broadcast_in_dim3A_93 = vector.broadcast %broadcast_in_dim3A_92 : f32 to vector<16xf32>
      %swap3A_94 = arith.constant 0 : i32
      %swap3A_95 = arith.index_cast %swap3A_94 : i32 to index
      %swap3A_96 = arith.constant 48 : index
      %swap3A_97 = tpu.vector_load %arg7[%swap3A_95, %swap3A_96] {strides = array<i32>} : memref<1x128xf32, #tpu.memory_space<vmem>>, vector<1x16xf32>,
      %swap3A_98 = vector.shape_cast %swap3A_97 : vector<1x16xf32> to vector<16xf32>
      %swap3A_99 = vector.shape_cast %broadcast_in_dim3A_93 : vector<16xf32> to vector<1x16xf32>
      tpu.vector_store %arg7[%swap3A_95, %swap3A_96], %swap3A_99 {strides = array<i32>} : memref<1x128xf32, #tpu.memory_space<vmem>>, vector<1x16xf32>,
      %broadcast_in_dim3A_100 = arith.constant 0.000000e+00 : f32
      %broadcast_in_dim3A_101 = vector.broadcast %broadcast_in_dim3A_100 : f32 to vector<16xf32>
      %swap3A_102 = arith.constant 0 : i32
      %swap3A_103 = arith.index_cast %swap3A_102 : i32 to index
      %swap3A_104 = arith.constant 64 : index
      %swap3A_105 = tpu.vector_load %arg7[%swap3A_103, %swap3A_104] {strides = array<i32>} : memref<1x128xf32, #tpu.memory_space<vmem>>, vector<1x16xf32>,
      %swap3A_106 = vector.shape_cast %swap3A_105 : vector<1x16xf32> to vector<16xf32>
      %swap3A_107 = vector.shape_cast %broadcast_in_dim3A_101 : vector<16xf32> to vector<1x16xf32>
      tpu.vector_store %arg7[%swap3A_103, %swap3A_104], %swap3A_107 {strides = array<i32>} : memref<1x128xf32, #tpu.memory_space<vmem>>, vector<1x16xf32>,
      %broadcast_in_dim3A_108 = arith.constant 0.000000e+00 : f32
      %broadcast_in_dim3A_109 = vector.broadcast %broadcast_in_dim3A_108 : f32 to vector<16xf32>
      %swap3A_110 = arith.constant 0 : i32
      %swap3A_111 = arith.index_cast %swap3A_110 : i32 to index
      %swap3A_112 = arith.constant 80 : index
      %swap3A_113 = tpu.vector_load %arg7[%swap3A_111, %swap3A_112] {strides = array<i32>} : memref<1x128xf32, #tpu.memory_space<vmem>>, vector<1x16xf32>,
      %swap3A_114 = vector.shape_cast %swap3A_113 : vector<1x16xf32> to vector<16xf32>
      %swap3A_115 = vector.shape_cast %broadcast_in_dim3A_109 : vector<16xf32> to vector<1x16xf32>
      tpu.vector_store %arg7[%swap3A_111, %swap3A_112], %swap3A_115 {strides = array<i32>} : memref<1x128xf32, #tpu.memory_space<vmem>>, vector<1x16xf32>,
      %broadcast_in_dim3A_116 = arith.constant 0.000000e+00 : f32
      %broadcast_in_dim3A_117 = vector.broadcast %broadcast_in_dim3A_116 : f32 to vector<16xf32>
      %swap3A_118 = arith.constant 0 : i32
      %swap3A_119 = arith.index_cast %swap3A_118 : i32 to index
      %swap3A_120 = arith.constant 96 : index
      %swap3A_121 = tpu.vector_load %arg7[%swap3A_119, %swap3A_120] {strides = array<i32>} : memref<1x128xf32, #tpu.memory_space<vmem>>, vector<1x16xf32>,
      %swap3A_122 = vector.shape_cast %swap3A_121 : vector<1x16xf32> to vector<16xf32>
      %swap3A_123 = vector.shape_cast %broadcast_in_dim3A_117 : vector<16xf32> to vector<1x16xf32>
      tpu.vector_store %arg7[%swap3A_119, %swap3A_120], %swap3A_123 {strides = array<i32>} : memref<1x128xf32, #tpu.memory_space<vmem>>, vector<1x16xf32>,
      %broadcast_in_dim3A_124 = arith.constant 0.000000e+00 : f32
      %broadcast_in_dim3A_125 = vector.broadcast %broadcast_in_dim3A_124 : f32 to vector<16xf32>
      %swap3A_126 = arith.constant 0 : i32
      %swap3A_127 = arith.index_cast %swap3A_126 : i32 to index
      %swap3A_128 = arith.constant 112 : index
      %swap3A_129 = tpu.vector_load %arg7[%swap3A_127, %swap3A_128] {strides = array<i32>} : memref<1x128xf32, #tpu.memory_space<vmem>>, vector<1x16xf32>,
      %swap3A_130 = vector.shape_cast %swap3A_129 : vector<1x16xf32> to vector<16xf32>
      %swap3A_131 = vector.shape_cast %broadcast_in_dim3A_125 : vector<16xf32> to vector<1x16xf32>
      tpu.vector_store %arg7[%swap3A_127, %swap3A_128], %swap3A_131 {strides = array<i32>} : memref<1x128xf32, #tpu.memory_space<vmem>>, vector<1x16xf32>,
      %dma_start3A_132 = arith.constant 1 : i32
      %dma_start3A_133 = arith.constant 1 : i32
      %dma_start3A_134 = arith.constant 0 : i32
      %dma_start3A_135 = tpu.memref_slice %arg9[%dma_start3A_133, %dma_start3A_134] : memref<257x128xf32, #tpu.memory_space<vmem_shared>> -> memref<256x128xf32, #tpu.memory_space<vmem_shared>>
      %dma_start3A_136 = arith.constant 0 : i32
      %dma_start3A_137 = arith.constant 0 : i32
      %dma_start3A_138 = tpu.memref_slice %arg2[%dma_start3A_132, %dma_start3A_136, %dma_start3A_137] : memref<4x256x128xf32, #tpu.memory_space<hbm>> -> memref<1x256x128xf32, #tpu.memory_space<hbm>>
      %dma_start3A_139 = tpu.memref_squeeze %dma_start3A_138 : memref<1x256x128xf32, #tpu.memory_space<hbm>> -> memref<256x128xf32, #tpu.memory_space<hbm>>
      tpu.enqueue_dma source(%dma_start3A_139 : memref<256x128xf32, #tpu.memory_space<hbm>>) target(%dma_start3A_135 : memref<256x128xf32, #tpu.memory_space<vmem_shared>>) target_semaphore(%arg14 : memref<!tpu.dma_semaphore, #tpu.memory_space<semaphore_mem>>)
      %dma_start3A_140 = arith.constant 0 : i32
      %dma_start3A_141 = arith.constant 0 : i32
      %dma_start3A_142 = tpu.memref_slice %arg9[%dma_start3A_140, %dma_start3A_141] : memref<257x128xf32, #tpu.memory_space<vmem_shared>> -> memref<1x128xf32, #tpu.memory_space<vmem_shared>>
      %dma_start3A_143 = arith.constant 0 : i32
      %dma_start3A_144 = arith.constant 0 : i32
      %dma_start3A_145 = tpu.memref_slice %arg9[%dma_start3A_143, %dma_start3A_144] : memref<257x128xf32, #tpu.memory_space<vmem_shared>> -> memref<1x128xf32, #tpu.memory_space<vmem_shared>>
      tpu.enqueue_dma source(%arg7 : memref<1x128xf32, #tpu.memory_space<vmem>>) target(%dma_start3A_145 : memref<1x128xf32, #tpu.memory_space<vmem_shared>>) target_semaphore(%arg14 : memref<!tpu.dma_semaphore, #tpu.memory_space<semaphore_mem>>)
      %dma_wait3A_146 = arith.constant 1 : i32
      %dma_wait3A_147 = arith.constant 1 : i32
      %dma_wait3A_148 = arith.constant 0 : i32
      %dma_wait3A_149 = tpu.memref_slice %arg9[%dma_wait3A_147, %dma_wait3A_148] : memref<257x128xf32, #tpu.memory_space<vmem_shared>> -> memref<256x128xf32, #tpu.memory_space<vmem_shared>>
      %dma_wait3A_150 = arith.constant 0 : i32
      %dma_wait3A_151 = arith.constant 0 : i32
      %dma_wait3A_152 = tpu.memref_slice %arg2[%dma_wait3A_146, %dma_wait3A_150, %dma_wait3A_151] : memref<4x256x128xf32, #tpu.memory_space<hbm>> -> memref<1x256x128xf32, #tpu.memory_space<hbm>>
      %dma_wait3A_153 = tpu.memref_squeeze %dma_wait3A_152 : memref<1x256x128xf32, #tpu.memory_space<hbm>> -> memref<256x128xf32, #tpu.memory_space<hbm>>
      tpu.wait_dma2 semaphore(%arg14 : memref<!tpu.dma_semaphore, #tpu.memory_space<semaphore_mem>>) src(%dma_wait3A_153 : memref<256x128xf32, #tpu.memory_space<hbm>>) dst(%dma_wait3A_149 : memref<256x128xf32, #tpu.memory_space<vmem_shared>>)
      %dma_wait3A_154 = arith.constant 0 : i32
      %dma_wait3A_155 = arith.constant 0 : i32
      %dma_wait3A_156 = tpu.memref_slice %arg9[%dma_wait3A_154, %dma_wait3A_155] : memref<257x128xf32, #tpu.memory_space<vmem_shared>> -> memref<1x128xf32, #tpu.memory_space<vmem_shared>>
      %dma_wait3A_157 = arith.constant 0 : i32
      %dma_wait3A_158 = arith.constant 0 : i32
      %dma_wait3A_159 = tpu.memref_slice %arg9[%dma_wait3A_157, %dma_wait3A_158] : memref<257x128xf32, #tpu.memory_space<vmem_shared>> -> memref<1x128xf32, #tpu.memory_space<vmem_shared>>
      tpu.wait_dma2 semaphore(%arg14 : memref<!tpu.dma_semaphore, #tpu.memory_space<semaphore_mem>>) src(%arg7 : memref<1x128xf32, #tpu.memory_space<vmem>>) dst(%dma_wait3A_159 : memref<1x128xf32, #tpu.memory_space<vmem_shared>>)
    } else {
    }
    %eq3A_33 = arith.constant 2 : i32
    %eq3A_34 = arith.cmpi eq, %arg1, %eq3A_33 : i32
    %convert_element_type3A_35 = arith.extui %eq3A_34 : i1 to i32
    %cond3A_36 = arith.constant 0 : i32
    %cond3A_37 = arith.cmpi ne, %convert_element_type3A_35, %cond3A_36 : i32
    scf.if %cond3A_37 {
      %broadcast_in_dim3A = arith.constant 0.000000e+00 : f32
      %broadcast_in_dim3A_70 = vector.broadcast %broadcast_in_dim3A : f32 to vector<16xf32>
      %swap3A = arith.constant 0 : i32
      %swap3A_71 = arith.index_cast %swap3A : i32 to index
      %swap3A_72 = arith.constant 0 : index
      %swap3A_73 = tpu.vector_load %arg7[%swap3A_71, %swap3A_72] {strides = array<i32>} : memref<1x128xf32, #tpu.memory_space<vmem>>, vector<1x16xf32>,
      %swap3A_74 = vector.shape_cast %swap3A_73 : vector<1x16xf32> to vector<16xf32>
      %swap3A_75 = vector.shape_cast %broadcast_in_dim3A_70 : vector<16xf32> to vector<1x16xf32>
      tpu.vector_store %arg7[%swap3A_71, %swap3A_72], %swap3A_75 {strides = array<i32>} : memref<1x128xf32, #tpu.memory_space<vmem>>, vector<1x16xf32>,
      %broadcast_in_dim3A_76 = arith.constant 0.000000e+00 : f32
      %broadcast_in_dim3A_77 = vector.broadcast %broadcast_in_dim3A_76 : f32 to vector<16xf32>
      %swap3A_78 = arith.constant 0 : i32
      %swap3A_79 = arith.index_cast %swap3A_78 : i32 to index
      %swap3A_80 = arith.constant 16 : index
      %swap3A_81 = tpu.vector_load %arg7[%swap3A_79, %swap3A_80] {strides = array<i32>} : memref<1x128xf32, #tpu.memory_space<vmem>>, vector<1x16xf32>,
      %swap3A_82 = vector.shape_cast %swap3A_81 : vector<1x16xf32> to vector<16xf32>
      %swap3A_83 = vector.shape_cast %broadcast_in_dim3A_77 : vector<16xf32> to vector<1x16xf32>
      tpu.vector_store %arg7[%swap3A_79, %swap3A_80], %swap3A_83 {strides = array<i32>} : memref<1x128xf32, #tpu.memory_space<vmem>>, vector<1x16xf32>,
      %broadcast_in_dim3A_84 = arith.constant 0.000000e+00 : f32
      %broadcast_in_dim3A_85 = vector.broadcast %broadcast_in_dim3A_84 : f32 to vector<16xf32>
      %swap3A_86 = arith.constant 0 : i32
      %swap3A_87 = arith.index_cast %swap3A_86 : i32 to index
      %swap3A_88 = arith.constant 32 : index
      %swap3A_89 = tpu.vector_load %arg7[%swap3A_87, %swap3A_88] {strides = array<i32>} : memref<1x128xf32, #tpu.memory_space<vmem>>, vector<1x16xf32>,
      %swap3A_90 = vector.shape_cast %swap3A_89 : vector<1x16xf32> to vector<16xf32>
      %swap3A_91 = vector.shape_cast %broadcast_in_dim3A_85 : vector<16xf32> to vector<1x16xf32>
      tpu.vector_store %arg7[%swap3A_87, %swap3A_88], %swap3A_91 {strides = array<i32>} : memref<1x128xf32, #tpu.memory_space<vmem>>, vector<1x16xf32>,
      %broadcast_in_dim3A_92 = arith.constant 0.000000e+00 : f32
      %broadcast_in_dim3A_93 = vector.broadcast %broadcast_in_dim3A_92 : f32 to vector<16xf32>
      %swap3A_94 = arith.constant 0 : i32
      %swap3A_95 = arith.index_cast %swap3A_94 : i32 to index
      %swap3A_96 = arith.constant 48 : index
      %swap3A_97 = tpu.vector_load %arg7[%swap3A_95, %swap3A_96] {strides = array<i32>} : memref<1x128xf32, #tpu.memory_space<vmem>>, vector<1x16xf32>,
      %swap3A_98 = vector.shape_cast %swap3A_97 : vector<1x16xf32> to vector<16xf32>
      %swap3A_99 = vector.shape_cast %broadcast_in_dim3A_93 : vector<16xf32> to vector<1x16xf32>
      tpu.vector_store %arg7[%swap3A_95, %swap3A_96], %swap3A_99 {strides = array<i32>} : memref<1x128xf32, #tpu.memory_space<vmem>>, vector<1x16xf32>,
      %broadcast_in_dim3A_100 = arith.constant 0.000000e+00 : f32
      %broadcast_in_dim3A_101 = vector.broadcast %broadcast_in_dim3A_100 : f32 to vector<16xf32>
      %swap3A_102 = arith.constant 0 : i32
      %swap3A_103 = arith.index_cast %swap3A_102 : i32 to index
      %swap3A_104 = arith.constant 64 : index
      %swap3A_105 = tpu.vector_load %arg7[%swap3A_103, %swap3A_104] {strides = array<i32>} : memref<1x128xf32, #tpu.memory_space<vmem>>, vector<1x16xf32>,
      %swap3A_106 = vector.shape_cast %swap3A_105 : vector<1x16xf32> to vector<16xf32>
      %swap3A_107 = vector.shape_cast %broadcast_in_dim3A_101 : vector<16xf32> to vector<1x16xf32>
      tpu.vector_store %arg7[%swap3A_103, %swap3A_104], %swap3A_107 {strides = array<i32>} : memref<1x128xf32, #tpu.memory_space<vmem>>, vector<1x16xf32>,
      %broadcast_in_dim3A_108 = arith.constant 0.000000e+00 : f32
      %broadcast_in_dim3A_109 = vector.broadcast %broadcast_in_dim3A_108 : f32 to vector<16xf32>
      %swap3A_110 = arith.constant 0 : i32
      %swap3A_111 = arith.index_cast %swap3A_110 : i32 to index
      %swap3A_112 = arith.constant 80 : index
      %swap3A_113 = tpu.vector_load %arg7[%swap3A_111, %swap3A_112] {strides = array<i32>} : memref<1x128xf32, #tpu.memory_space<vmem>>, vector<1x16xf32>,
      %swap3A_114 = vector.shape_cast %swap3A_113 : vector<1x16xf32> to vector<16xf32>
      %swap3A_115 = vector.shape_cast %broadcast_in_dim3A_109 : vector<16xf32> to vector<1x16xf32>
      tpu.vector_store %arg7[%swap3A_111, %swap3A_112], %swap3A_115 {strides = array<i32>} : memref<1x128xf32, #tpu.memory_space<vmem>>, vector<1x16xf32>,
      %broadcast_in_dim3A_116 = arith.constant 0.000000e+00 : f32
      %broadcast_in_dim3A_117 = vector.broadcast %broadcast_in_dim3A_116 : f32 to vector<16xf32>
      %swap3A_118 = arith.constant 0 : i32
      %swap3A_119 = arith.index_cast %swap3A_118 : i32 to index
      %swap3A_120 = arith.constant 96 : index
      %swap3A_121 = tpu.vector_load %arg7[%swap3A_119, %swap3A_120] {strides = array<i32>} : memref<1x128xf32, #tpu.memory_space<vmem>>, vector<1x16xf32>,
      %swap3A_122 = vector.shape_cast %swap3A_121 : vector<1x16xf32> to vector<16xf32>
      %swap3A_123 = vector.shape_cast %broadcast_in_dim3A_117 : vector<16xf32> to vector<1x16xf32>
      tpu.vector_store %arg7[%swap3A_119, %swap3A_120], %swap3A_123 {strides = array<i32>} : memref<1x128xf32, #tpu.memory_space<vmem>>, vector<1x16xf32>,
      %broadcast_in_dim3A_124 = arith.constant 0.000000e+00 : f32
      %broadcast_in_dim3A_125 = vector.broadcast %broadcast_in_dim3A_124 : f32 to vector<16xf32>
      %swap3A_126 = arith.constant 0 : i32
      %swap3A_127 = arith.index_cast %swap3A_126 : i32 to index
      %swap3A_128 = arith.constant 112 : index
      %swap3A_129 = tpu.vector_load %arg7[%swap3A_127, %swap3A_128] {strides = array<i32>} : memref<1x128xf32, #tpu.memory_space<vmem>>, vector<1x16xf32>,
      %swap3A_130 = vector.shape_cast %swap3A_129 : vector<1x16xf32> to vector<16xf32>
      %swap3A_131 = vector.shape_cast %broadcast_in_dim3A_125 : vector<16xf32> to vector<1x16xf32>
      tpu.vector_store %arg7[%swap3A_127, %swap3A_128], %swap3A_131 {strides = array<i32>} : memref<1x128xf32, #tpu.memory_space<vmem>>, vector<1x16xf32>,
      %dma_start3A_132 = arith.constant 2 : i32
      %dma_start3A_133 = arith.constant 1 : i32
      %dma_start3A_134 = arith.constant 0 : i32
      %dma_start3A_135 = tpu.memref_slice %arg10[%dma_start3A_133, %dma_start3A_134] : memref<257x128xf32, #tpu.memory_space<vmem_shared>> -> memref<256x128xf32, #tpu.memory_space<vmem_shared>>
      %dma_start3A_136 = arith.constant 0 : i32
      %dma_start3A_137 = arith.constant 0 : i32
      %dma_start3A_138 = tpu.memref_slice %arg2[%dma_start3A_132, %dma_start3A_136, %dma_start3A_137] : memref<4x256x128xf32, #tpu.memory_space<hbm>> -> memref<1x256x128xf32, #tpu.memory_space<hbm>>
      %dma_start3A_139 = tpu.memref_squeeze %dma_start3A_138 : memref<1x256x128xf32, #tpu.memory_space<hbm>> -> memref<256x128xf32, #tpu.memory_space<hbm>>
      tpu.enqueue_dma source(%dma_start3A_139 : memref<256x128xf32, #tpu.memory_space<hbm>>) target(%dma_start3A_135 : memref<256x128xf32, #tpu.memory_space<vmem_shared>>) target_semaphore(%arg14 : memref<!tpu.dma_semaphore, #tpu.memory_space<semaphore_mem>>)
      %dma_start3A_140 = arith.constant 0 : i32
      %dma_start3A_141 = arith.constant 0 : i32
      %dma_start3A_142 = tpu.memref_slice %arg10[%dma_start3A_140, %dma_start3A_141] : memref<257x128xf32, #tpu.memory_space<vmem_shared>> -> memref<1x128xf32, #tpu.memory_space<vmem_shared>>
      %dma_start3A_143 = arith.constant 0 : i32
      %dma_start3A_144 = arith.constant 0 : i32
      %dma_start3A_145 = tpu.memref_slice %arg10[%dma_start3A_143, %dma_start3A_144] : memref<257x128xf32, #tpu.memory_space<vmem_shared>> -> memref<1x128xf32, #tpu.memory_space<vmem_shared>>
      tpu.enqueue_dma source(%arg7 : memref<1x128xf32, #tpu.memory_space<vmem>>) target(%dma_start3A_145 : memref<1x128xf32, #tpu.memory_space<vmem_shared>>) target_semaphore(%arg14 : memref<!tpu.dma_semaphore, #tpu.memory_space<semaphore_mem>>)
      %dma_wait3A_146 = arith.constant 2 : i32
      %dma_wait3A_147 = arith.constant 1 : i32
      %dma_wait3A_148 = arith.constant 0 : i32
      %dma_wait3A_149 = tpu.memref_slice %arg10[%dma_wait3A_147, %dma_wait3A_148] : memref<257x128xf32, #tpu.memory_space<vmem_shared>> -> memref<256x128xf32, #tpu.memory_space<vmem_shared>>
      %dma_wait3A_150 = arith.constant 0 : i32
      %dma_wait3A_151 = arith.constant 0 : i32
      %dma_wait3A_152 = tpu.memref_slice %arg2[%dma_wait3A_146, %dma_wait3A_150, %dma_wait3A_151] : memref<4x256x128xf32, #tpu.memory_space<hbm>> -> memref<1x256x128xf32, #tpu.memory_space<hbm>>
      %dma_wait3A_153 = tpu.memref_squeeze %dma_wait3A_152 : memref<1x256x128xf32, #tpu.memory_space<hbm>> -> memref<256x128xf32, #tpu.memory_space<hbm>>
      tpu.wait_dma2 semaphore(%arg14 : memref<!tpu.dma_semaphore, #tpu.memory_space<semaphore_mem>>) src(%dma_wait3A_153 : memref<256x128xf32, #tpu.memory_space<hbm>>) dst(%dma_wait3A_149 : memref<256x128xf32, #tpu.memory_space<vmem_shared>>)
      %dma_wait3A_154 = arith.constant 0 : i32
      %dma_wait3A_155 = arith.constant 0 : i32
      %dma_wait3A_156 = tpu.memref_slice %arg10[%dma_wait3A_154, %dma_wait3A_155] : memref<257x128xf32, #tpu.memory_space<vmem_shared>> -> memref<1x128xf32, #tpu.memory_space<vmem_shared>>
      %dma_wait3A_157 = arith.constant 0 : i32
      %dma_wait3A_158 = arith.constant 0 : i32
      %dma_wait3A_159 = tpu.memref_slice %arg10[%dma_wait3A_157, %dma_wait3A_158] : memref<257x128xf32, #tpu.memory_space<vmem_shared>> -> memref<1x128xf32, #tpu.memory_space<vmem_shared>>
      tpu.wait_dma2 semaphore(%arg14 : memref<!tpu.dma_semaphore, #tpu.memory_space<semaphore_mem>>) src(%arg7 : memref<1x128xf32, #tpu.memory_space<vmem>>) dst(%dma_wait3A_159 : memref<1x128xf32, #tpu.memory_space<vmem_shared>>)
    } else {
    }
    %eq3A_38 = arith.constant 3 : i32
    %eq3A_39 = arith.cmpi eq, %arg1, %eq3A_38 : i32
    %convert_element_type3A_40 = arith.extui %eq3A_39 : i1 to i32
    %cond3A_41 = arith.constant 0 : i32
    %cond3A_42 = arith.cmpi ne, %convert_element_type3A_40, %cond3A_41 : i32
    scf.if %cond3A_42 {
      %broadcast_in_dim3A = arith.constant 0.000000e+00 : f32
      %broadcast_in_dim3A_70 = vector.broadcast %broadcast_in_dim3A : f32 to vector<16xf32>
      %swap3A = arith.constant 0 : i32
      %swap3A_71 = arith.index_cast %swap3A : i32 to index
      %swap3A_72 = arith.constant 0 : index
      %swap3A_73 = tpu.vector_load %arg7[%swap3A_71, %swap3A_72] {strides = array<i32>} : memref<1x128xf32, #tpu.memory_space<vmem>>, vector<1x16xf32>,
      %swap3A_74 = vector.shape_cast %swap3A_73 : vector<1x16xf32> to vector<16xf32>
      %swap3A_75 = vector.shape_cast %broadcast_in_dim3A_70 : vector<16xf32> to vector<1x16xf32>
      tpu.vector_store %arg7[%swap3A_71, %swap3A_72], %swap3A_75 {strides = array<i32>} : memref<1x128xf32, #tpu.memory_space<vmem>>, vector<1x16xf32>,
      %broadcast_in_dim3A_76 = arith.constant 0.000000e+00 : f32
      %broadcast_in_dim3A_77 = vector.broadcast %broadcast_in_dim3A_76 : f32 to vector<16xf32>
      %swap3A_78 = arith.constant 0 : i32
      %swap3A_79 = arith.index_cast %swap3A_78 : i32 to index
      %swap3A_80 = arith.constant 16 : index
      %swap3A_81 = tpu.vector_load %arg7[%swap3A_79, %swap3A_80] {strides = array<i32>} : memref<1x128xf32, #tpu.memory_space<vmem>>, vector<1x16xf32>,
      %swap3A_82 = vector.shape_cast %swap3A_81 : vector<1x16xf32> to vector<16xf32>
      %swap3A_83 = vector.shape_cast %broadcast_in_dim3A_77 : vector<16xf32> to vector<1x16xf32>
      tpu.vector_store %arg7[%swap3A_79, %swap3A_80], %swap3A_83 {strides = array<i32>} : memref<1x128xf32, #tpu.memory_space<vmem>>, vector<1x16xf32>,
      %broadcast_in_dim3A_84 = arith.constant 0.000000e+00 : f32
      %broadcast_in_dim3A_85 = vector.broadcast %broadcast_in_dim3A_84 : f32 to vector<16xf32>
      %swap3A_86 = arith.constant 0 : i32
      %swap3A_87 = arith.index_cast %swap3A_86 : i32 to index
      %swap3A_88 = arith.constant 32 : index
      %swap3A_89 = tpu.vector_load %arg7[%swap3A_87, %swap3A_88] {strides = array<i32>} : memref<1x128xf32, #tpu.memory_space<vmem>>, vector<1x16xf32>,
      %swap3A_90 = vector.shape_cast %swap3A_89 : vector<1x16xf32> to vector<16xf32>
      %swap3A_91 = vector.shape_cast %broadcast_in_dim3A_85 : vector<16xf32> to vector<1x16xf32>
      tpu.vector_store %arg7[%swap3A_87, %swap3A_88], %swap3A_91 {strides = array<i32>} : memref<1x128xf32, #tpu.memory_space<vmem>>, vector<1x16xf32>,
      %broadcast_in_dim3A_92 = arith.constant 0.000000e+00 : f32
      %broadcast_in_dim3A_93 = vector.broadcast %broadcast_in_dim3A_92 : f32 to vector<16xf32>
      %swap3A_94 = arith.constant 0 : i32
      %swap3A_95 = arith.index_cast %swap3A_94 : i32 to index
      %swap3A_96 = arith.constant 48 : index
      %swap3A_97 = tpu.vector_load %arg7[%swap3A_95, %swap3A_96] {strides = array<i32>} : memref<1x128xf32, #tpu.memory_space<vmem>>, vector<1x16xf32>,
      %swap3A_98 = vector.shape_cast %swap3A_97 : vector<1x16xf32> to vector<16xf32>
      %swap3A_99 = vector.shape_cast %broadcast_in_dim3A_93 : vector<16xf32> to vector<1x16xf32>
      tpu.vector_store %arg7[%swap3A_95, %swap3A_96], %swap3A_99 {strides = array<i32>} : memref<1x128xf32, #tpu.memory_space<vmem>>, vector<1x16xf32>,
      %broadcast_in_dim3A_100 = arith.constant 0.000000e+00 : f32
      %broadcast_in_dim3A_101 = vector.broadcast %broadcast_in_dim3A_100 : f32 to vector<16xf32>
      %swap3A_102 = arith.constant 0 : i32
      %swap3A_103 = arith.index_cast %swap3A_102 : i32 to index
      %swap3A_104 = arith.constant 64 : index
      %swap3A_105 = tpu.vector_load %arg7[%swap3A_103, %swap3A_104] {strides = array<i32>} : memref<1x128xf32, #tpu.memory_space<vmem>>, vector<1x16xf32>,
      %swap3A_106 = vector.shape_cast %swap3A_105 : vector<1x16xf32> to vector<16xf32>
      %swap3A_107 = vector.shape_cast %broadcast_in_dim3A_101 : vector<16xf32> to vector<1x16xf32>
      tpu.vector_store %arg7[%swap3A_103, %swap3A_104], %swap3A_107 {strides = array<i32>} : memref<1x128xf32, #tpu.memory_space<vmem>>, vector<1x16xf32>,
      %broadcast_in_dim3A_108 = arith.constant 0.000000e+00 : f32
      %broadcast_in_dim3A_109 = vector.broadcast %broadcast_in_dim3A_108 : f32 to vector<16xf32>
      %swap3A_110 = arith.constant 0 : i32
      %swap3A_111 = arith.index_cast %swap3A_110 : i32 to index
      %swap3A_112 = arith.constant 80 : index
      %swap3A_113 = tpu.vector_load %arg7[%swap3A_111, %swap3A_112] {strides = array<i32>} : memref<1x128xf32, #tpu.memory_space<vmem>>, vector<1x16xf32>,
      %swap3A_114 = vector.shape_cast %swap3A_113 : vector<1x16xf32> to vector<16xf32>
      %swap3A_115 = vector.shape_cast %broadcast_in_dim3A_109 : vector<16xf32> to vector<1x16xf32>
      tpu.vector_store %arg7[%swap3A_111, %swap3A_112], %swap3A_115 {strides = array<i32>} : memref<1x128xf32, #tpu.memory_space<vmem>>, vector<1x16xf32>,
      %broadcast_in_dim3A_116 = arith.constant 0.000000e+00 : f32
      %broadcast_in_dim3A_117 = vector.broadcast %broadcast_in_dim3A_116 : f32 to vector<16xf32>
      %swap3A_118 = arith.constant 0 : i32
      %swap3A_119 = arith.index_cast %swap3A_118 : i32 to index
      %swap3A_120 = arith.constant 96 : index
      %swap3A_121 = tpu.vector_load %arg7[%swap3A_119, %swap3A_120] {strides = array<i32>} : memref<1x128xf32, #tpu.memory_space<vmem>>, vector<1x16xf32>,
      %swap3A_122 = vector.shape_cast %swap3A_121 : vector<1x16xf32> to vector<16xf32>
      %swap3A_123 = vector.shape_cast %broadcast_in_dim3A_117 : vector<16xf32> to vector<1x16xf32>
      tpu.vector_store %arg7[%swap3A_119, %swap3A_120], %swap3A_123 {strides = array<i32>} : memref<1x128xf32, #tpu.memory_space<vmem>>, vector<1x16xf32>,
      %broadcast_in_dim3A_124 = arith.constant 0.000000e+00 : f32
      %broadcast_in_dim3A_125 = vector.broadcast %broadcast_in_dim3A_124 : f32 to vector<16xf32>
      %swap3A_126 = arith.constant 0 : i32
      %swap3A_127 = arith.index_cast %swap3A_126 : i32 to index
      %swap3A_128 = arith.constant 112 : index
      %swap3A_129 = tpu.vector_load %arg7[%swap3A_127, %swap3A_128] {strides = array<i32>} : memref<1x128xf32, #tpu.memory_space<vmem>>, vector<1x16xf32>,
      %swap3A_130 = vector.shape_cast %swap3A_129 : vector<1x16xf32> to vector<16xf32>
      %swap3A_131 = vector.shape_cast %broadcast_in_dim3A_125 : vector<16xf32> to vector<1x16xf32>
      tpu.vector_store %arg7[%swap3A_127, %swap3A_128], %swap3A_131 {strides = array<i32>} : memref<1x128xf32, #tpu.memory_space<vmem>>, vector<1x16xf32>,
      %dma_start3A_132 = arith.constant 3 : i32
      %dma_start3A_133 = arith.constant 1 : i32
      %dma_start3A_134 = arith.constant 0 : i32
      %dma_start3A_135 = tpu.memref_slice %arg11[%dma_start3A_133, %dma_start3A_134] : memref<257x128xf32, #tpu.memory_space<vmem_shared>> -> memref<256x128xf32, #tpu.memory_space<vmem_shared>>
      %dma_start3A_136 = arith.constant 0 : i32
      %dma_start3A_137 = arith.constant 0 : i32
      %dma_start3A_138 = tpu.memref_slice %arg2[%dma_start3A_132, %dma_start3A_136, %dma_start3A_137] : memref<4x256x128xf32, #tpu.memory_space<hbm>> -> memref<1x256x128xf32, #tpu.memory_space<hbm>>
      %dma_start3A_139 = tpu.memref_squeeze %dma_start3A_138 : memref<1x256x128xf32, #tpu.memory_space<hbm>> -> memref<256x128xf32, #tpu.memory_space<hbm>>
      tpu.enqueue_dma source(%dma_start3A_139 : memref<256x128xf32, #tpu.memory_space<hbm>>) target(%dma_start3A_135 : memref<256x128xf32, #tpu.memory_space<vmem_shared>>) target_semaphore(%arg14 : memref<!tpu.dma_semaphore, #tpu.memory_space<semaphore_mem>>)
      %dma_start3A_140 = arith.constant 0 : i32
      %dma_start3A_141 = arith.constant 0 : i32
      %dma_start3A_142 = tpu.memref_slice %arg11[%dma_start3A_140, %dma_start3A_141] : memref<257x128xf32, #tpu.memory_space<vmem_shared>> -> memref<1x128xf32, #tpu.memory_space<vmem_shared>>
      %dma_start3A_143 = arith.constant 0 : i32
      %dma_start3A_144 = arith.constant 0 : i32
      %dma_start3A_145 = tpu.memref_slice %arg11[%dma_start3A_143, %dma_start3A_144] : memref<257x128xf32, #tpu.memory_space<vmem_shared>> -> memref<1x128xf32, #tpu.memory_space<vmem_shared>>
      tpu.enqueue_dma source(%arg7 : memref<1x128xf32, #tpu.memory_space<vmem>>) target(%dma_start3A_145 : memref<1x128xf32, #tpu.memory_space<vmem_shared>>) target_semaphore(%arg14 : memref<!tpu.dma_semaphore, #tpu.memory_space<semaphore_mem>>)
      %dma_wait3A_146 = arith.constant 3 : i32
      %dma_wait3A_147 = arith.constant 1 : i32
      %dma_wait3A_148 = arith.constant 0 : i32
      %dma_wait3A_149 = tpu.memref_slice %arg11[%dma_wait3A_147, %dma_wait3A_148] : memref<257x128xf32, #tpu.memory_space<vmem_shared>> -> memref<256x128xf32, #tpu.memory_space<vmem_shared>>
      %dma_wait3A_150 = arith.constant 0 : i32
      %dma_wait3A_151 = arith.constant 0 : i32
      %dma_wait3A_152 = tpu.memref_slice %arg2[%dma_wait3A_146, %dma_wait3A_150, %dma_wait3A_151] : memref<4x256x128xf32, #tpu.memory_space<hbm>> -> memref<1x256x128xf32, #tpu.memory_space<hbm>>
      %dma_wait3A_153 = tpu.memref_squeeze %dma_wait3A_152 : memref<1x256x128xf32, #tpu.memory_space<hbm>> -> memref<256x128xf32, #tpu.memory_space<hbm>>
      tpu.wait_dma2 semaphore(%arg14 : memref<!tpu.dma_semaphore, #tpu.memory_space<semaphore_mem>>) src(%dma_wait3A_153 : memref<256x128xf32, #tpu.memory_space<hbm>>) dst(%dma_wait3A_149 : memref<256x128xf32, #tpu.memory_space<vmem_shared>>)
      %dma_wait3A_154 = arith.constant 0 : i32
      %dma_wait3A_155 = arith.constant 0 : i32
      %dma_wait3A_156 = tpu.memref_slice %arg11[%dma_wait3A_154, %dma_wait3A_155] : memref<257x128xf32, #tpu.memory_space<vmem_shared>> -> memref<1x128xf32, #tpu.memory_space<vmem_shared>>
      %dma_wait3A_157 = arith.constant 0 : i32
      %dma_wait3A_158 = arith.constant 0 : i32
      %dma_wait3A_159 = tpu.memref_slice %arg11[%dma_wait3A_157, %dma_wait3A_158] : memref<257x128xf32, #tpu.memory_space<vmem_shared>> -> memref<1x128xf32, #tpu.memory_space<vmem_shared>>
      tpu.wait_dma2 semaphore(%arg14 : memref<!tpu.dma_semaphore, #tpu.memory_space<semaphore_mem>>) src(%arg7 : memref<1x128xf32, #tpu.memory_space<vmem>>) dst(%dma_wait3A_159 : memref<1x128xf32, #tpu.memory_space<vmem_shared>>)
    } else {
    }
    %dma_wait3A = arith.constant 0 : i32
    %dma_wait3A_43 = arith.constant 0 : i32
    %dma_wait3A_44 = tpu.memref_slice %arg3[%add3A, %dma_wait3A, %dma_wait3A_43] : memref<32x144x128xi32, #tpu.memory_space<hbm>> -> memref<1x144x128xi32, #tpu.memory_space<hbm>>
    %dma_wait3A_45 = tpu.memref_squeeze %dma_wait3A_44 : memref<1x144x128xi32, #tpu.memory_space<hbm>> -> memref<144x128xi32, #tpu.memory_space<hbm>>
    %dma_wait3A_46 = arith.constant 0 : i32
    %dma_wait3A_47 = arith.constant 0 : i32
    %dma_wait3A_48 = tpu.memref_slice %arg3[%add3A, %dma_wait3A_46, %dma_wait3A_47] : memref<32x144x128xi32, #tpu.memory_space<hbm>> -> memref<1x144x128xi32, #tpu.memory_space<hbm>>
    %dma_wait3A_49 = tpu.memref_squeeze %dma_wait3A_48 : memref<1x144x128xi32, #tpu.memory_space<hbm>> -> memref<144x128xi32, #tpu.memory_space<hbm>>
    tpu.wait_dma2 semaphore(%arg12 : memref<!tpu.dma_semaphore, #tpu.memory_space<semaphore_mem>>) src(%dma_wait3A_49 : memref<144x128xi32, #tpu.memory_space<hbm>>) dst(%arg5 : memref<144x128xi32, #tpu.memory_space<vmem>>)
    %barrier3A = arith.constant 0 : index
    tpu.barrier barrier_id(%barrier3A)
    %eq3A_50 = arith.constant 0 : i32
    %eq3A_51 = arith.cmpi eq, %select_n3A, %eq3A_50 : i32
    %convert_element_type3A_52 = arith.extui %eq3A_51 : i1 to i32
    %cond3A_53 = arith.constant 0 : i32
    %cond3A_54 = arith.cmpi ne, %convert_element_type3A_52, %cond3A_53 : i32
    scf.if %cond3A_54 {
      %dma_start3A_70 = arith.constant 0 : i32
      %dma_start3A_71 = arith.constant 0 : i32
      %dma_start3A_72 = arith.constant 0 : i32
      %dma_start3A_73 = arith.constant 0 : i32
      %dma_start3A_74 = tpu.memref_slice %arg6[%dma_start3A_71, %dma_start3A_72, %dma_start3A_73] : memref<4x128x128xf32, #tpu.memory_space<vmem>> -> memref<1x128x128xf32, #tpu.memory_space<vmem>>
      %dma_start3A_75 = tpu.memref_squeeze %dma_start3A_74 : memref<1x128x128xf32, #tpu.memory_space<vmem>> -> memref<128x128xf32, #tpu.memory_space<vmem>>
      %dma_start3A_76 = arith.constant 0 : i32
      %dma_start3A_77 = tpu.memref_slice %arg5[%dma_start3A_70, %dma_start3A_76] : memref<144x128xi32, #tpu.memory_space<vmem>> -> memref<1x128xi32, #tpu.memory_space<vmem>>
      %dma_start3A_78 = tpu.memref_squeeze %dma_start3A_77 : memref<1x128xi32, #tpu.memory_space<vmem>> -> memref<128xi32, #tpu.memory_space<vmem>>
      %dma_start3A_79 = arith.constant 0 : i32
      %dma_start3A_80 = arith.constant 0 : i32
      %dma_start3A_81 = tpu.memref_slice %arg8[%dma_start3A_79, %dma_start3A_80] : memref<257x128xf32, #tpu.memory_space<vmem_shared>> -> memref<257x128xf32, #tpu.memory_space<vmem_shared>>
      tpu.enqueue_indirect_dma source(%dma_start3A_81 : memref<257x128xf32, #tpu.memory_space<vmem_shared>>) target(%dma_start3A_75 : memref<128x128xf32, #tpu.memory_space<vmem>>) offsets(%dma_start3A_78 : memref<128xi32, #tpu.memory_space<vmem>>) semaphore(%arg12 : memref<!tpu.dma_semaphore, #tpu.memory_space<semaphore_mem>>)
      %dma_start3A_82 = arith.constant 1 : i32
      %dma_start3A_83 = arith.constant 1 : i32
      %dma_start3A_84 = arith.constant 0 : i32
      %dma_start3A_85 = arith.constant 0 : i32
      %dma_start3A_86 = tpu.memref_slice %arg6[%dma_start3A_83, %dma_start3A_84, %dma_start3A_85] : memref<4x128x128xf32, #tpu.memory_space<vmem>> -> memref<1x128x128xf32, #tpu.memory_space<vmem>>
      %dma_start3A_87 = tpu.memref_squeeze %dma_start3A_86 : memref<1x128x128xf32, #tpu.memory_space<vmem>> -> memref<128x128xf32, #tpu.memory_space<vmem>>
      %dma_start3A_88 = arith.constant 0 : i32
      %dma_start3A_89 = tpu.memref_slice %arg5[%dma_start3A_82, %dma_start3A_88] : memref<144x128xi32, #tpu.memory_space<vmem>> -> memref<1x128xi32, #tpu.memory_space<vmem>>
      %dma_start3A_90 = tpu.memref_squeeze %dma_start3A_89 : memref<1x128xi32, #tpu.memory_space<vmem>> -> memref<128xi32, #tpu.memory_space<vmem>>
      %dma_start3A_91 = arith.constant 0 : i32
      %dma_start3A_92 = arith.constant 0 : i32
      %dma_start3A_93 = tpu.memref_slice %arg8[%dma_start3A_91, %dma_start3A_92] : memref<257x128xf32, #tpu.memory_space<vmem_shared>> -> memref<257x128xf32, #tpu.memory_space<vmem_shared>>
      tpu.enqueue_indirect_dma source(%dma_start3A_93 : memref<257x128xf32, #tpu.memory_space<vmem_shared>>) target(%dma_start3A_87 : memref<128x128xf32, #tpu.memory_space<vmem>>) offsets(%dma_start3A_90 : memref<128xi32, #tpu.memory_space<vmem>>) semaphore(%arg12 : memref<!tpu.dma_semaphore, #tpu.memory_space<semaphore_mem>>)
      %dma_start3A_94 = arith.constant 2 : i32
      %dma_start3A_95 = arith.constant 2 : i32
      %dma_start3A_96 = arith.constant 0 : i32
      %dma_start3A_97 = arith.constant 0 : i32
      %dma_start3A_98 = tpu.memref_slice %arg6[%dma_start3A_95, %dma_start3A_96, %dma_start3A_97] : memref<4x128x128xf32, #tpu.memory_space<vmem>> -> memref<1x128x128xf32, #tpu.memory_space<vmem>>
      %dma_start3A_99 = tpu.memref_squeeze %dma_start3A_98 : memref<1x128x128xf32, #tpu.memory_space<vmem>> -> memref<128x128xf32, #tpu.memory_space<vmem>>
      %dma_start3A_100 = arith.constant 0 : i32
      %dma_start3A_101 = tpu.memref_slice %arg5[%dma_start3A_94, %dma_start3A_100] : memref<144x128xi32, #tpu.memory_space<vmem>> -> memref<1x128xi32, #tpu.memory_space<vmem>>
      %dma_start3A_102 = tpu.memref_squeeze %dma_start3A_101 : memref<1x128xi32, #tpu.memory_space<vmem>> -> memref<128xi32, #tpu.memory_space<vmem>>
      %dma_start3A_103 = arith.constant 0 : i32
      %dma_start3A_104 = arith.constant 0 : i32
      %dma_start3A_105 = tpu.memref_slice %arg8[%dma_start3A_103, %dma_start3A_104] : memref<257x128xf32, #tpu.memory_space<vmem_shared>> -> memref<257x128xf32, #tpu.memory_space<vmem_shared>>
      tpu.enqueue_indirect_dma source(%dma_start3A_105 : memref<257x128xf32, #tpu.memory_space<vmem_shared>>) target(%dma_start3A_99 : memref<128x128xf32, #tpu.memory_space<vmem>>) offsets(%dma_start3A_102 : memref<128xi32, #tpu.memory_space<vmem>>) semaphore(%arg12 : memref<!tpu.dma_semaphore, #tpu.memory_space<semaphore_mem>>)
      %dma_start3A_106 = arith.constant 3 : i32
      %dma_start3A_107 = arith.constant 3 : i32
      %dma_start3A_108 = arith.constant 0 : i32
      %dma_start3A_109 = arith.constant 0 : i32
      %dma_start3A_110 = tpu.memref_slice %arg6[%dma_start3A_107, %dma_start3A_108, %dma_start3A_109] : memref<4x128x128xf32, #tpu.memory_space<vmem>> -> memref<1x128x128xf32, #tpu.memory_space<vmem>>
      %dma_start3A_111 = tpu.memref_squeeze %dma_start3A_110 : memref<1x128x128xf32, #tpu.memory_space<vmem>> -> memref<128x128xf32, #tpu.memory_space<vmem>>
      %dma_start3A_112 = arith.constant 0 : i32
      %dma_start3A_113 = tpu.memref_slice %arg5[%dma_start3A_106, %dma_start3A_112] : memref<144x128xi32, #tpu.memory_space<vmem>> -> memref<1x128xi32, #tpu.memory_space<vmem>>
      %dma_start3A_114 = tpu.memref_squeeze %dma_start3A_113 : memref<1x128xi32, #tpu.memory_space<vmem>> -> memref<128xi32, #tpu.memory_space<vmem>>
      %dma_start3A_115 = arith.constant 0 : i32
      %dma_start3A_116 = arith.constant 0 : i32
      %dma_start3A_117 = tpu.memref_slice %arg8[%dma_start3A_115, %dma_start3A_116] : memref<257x128xf32, #tpu.memory_space<vmem_shared>> -> memref<257x128xf32, #tpu.memory_space<vmem_shared>>
      tpu.enqueue_indirect_dma source(%dma_start3A_117 : memref<257x128xf32, #tpu.memory_space<vmem_shared>>) target(%dma_start3A_111 : memref<128x128xf32, #tpu.memory_space<vmem>>) offsets(%dma_start3A_114 : memref<128xi32, #tpu.memory_space<vmem>>) semaphore(%arg12 : memref<!tpu.dma_semaphore, #tpu.memory_space<semaphore_mem>>)
      %scan3A = arith.constant 0 : i32
      %scan3A_118 = arith.constant 35 : i32
      %scan3A_119 = arith.addi %scan3A, %scan3A_118 : i32
      %scan3A_120 = arith.constant 1 : i32
      scf.for %scan3A_290 = %scan3A to %scan3A_119 step %scan3A_120  : i32 {
        %mul3A_291 = arith.constant 1 : i32
        %mul3A_292 = arith.muli %scan3A_290, %mul3A_291 : i32
        %add3A_293 = arith.constant 0 : i32
        %add3A_294 = arith.addi %add3A_293, %mul3A_292 : i32
        %mul3A_295 = arith.constant 4 : i32
        %mul3A_296 = arith.muli %add3A_294, %mul3A_295 : i32
        %add3A_297 = arith.constant 0 : i32
        %add3A_298 = arith.addi %mul3A_296, %add3A_297 : i32
        %mul3A_299 = arith.constant 1 : i32
        %mul3A_300 = arith.muli %add3A_298, %mul3A_299 : i32
        %add3A_301 = arith.constant 0 : i32
        %add3A_302 = arith.addi %mul3A_300, %add3A_301 : i32
        %dma_wait3A_303 = arith.constant 0 : i32
        %dma_wait3A_304 = arith.constant 0 : i32
        %dma_wait3A_305 = arith.constant 0 : i32
        %dma_wait3A_306 = tpu.memref_slice %arg6[%dma_wait3A_303, %dma_wait3A_304, %dma_wait3A_305] : memref<4x128x128xf32, #tpu.memory_space<vmem>> -> memref<1x128x128xf32, #tpu.memory_space<vmem>>
        %dma_wait3A_307 = tpu.memref_squeeze %dma_wait3A_306 : memref<1x128x128xf32, #tpu.memory_space<vmem>> -> memref<128x128xf32, #tpu.memory_space<vmem>>
        %dma_wait3A_308 = arith.constant 0 : i32
        %dma_wait3A_309 = tpu.memref_slice %arg5[%add3A_302, %dma_wait3A_308] : memref<144x128xi32, #tpu.memory_space<vmem>> -> memref<1x128xi32, #tpu.memory_space<vmem>>
        %dma_wait3A_310 = tpu.memref_squeeze %dma_wait3A_309 : memref<1x128xi32, #tpu.memory_space<vmem>> -> memref<128xi32, #tpu.memory_space<vmem>>
        %dma_wait3A_311 = arith.constant 0 : i32
        %dma_wait3A_312 = arith.constant 0 : i32
        %dma_wait3A_313 = tpu.memref_slice %arg8[%dma_wait3A_311, %dma_wait3A_312] : memref<257x128xf32, #tpu.memory_space<vmem_shared>> -> memref<257x128xf32, #tpu.memory_space<vmem_shared>>
        tpu.wait_indirect_dma semaphore(%arg12 : memref<!tpu.dma_semaphore, #tpu.memory_space<semaphore_mem>>) src(%dma_wait3A_313 : memref<257x128xf32, #tpu.memory_space<vmem_shared>>) dst(%dma_wait3A_307 : memref<128x128xf32, #tpu.memory_space<vmem>>)
        %add3A_314 = arith.constant 0 : i32
        %add3A_315 = arith.addi %mul3A_296, %add3A_314 : i32
        %mul3A_316 = arith.constant 128 : i32
        %mul3A_317 = arith.muli %add3A_315, %mul3A_316 : i32
        %add3A_318 = arith.addi %mul3A_2, %mul3A_317 : i32
        %dma_start3A_319 = arith.constant 0 : i32
        %dma_start3A_320 = arith.constant 0 : i32
        %dma_start3A_321 = arith.constant 0 : i32
        %dma_start3A_322 = tpu.memref_slice %arg6[%dma_start3A_319, %dma_start3A_320, %dma_start3A_321] : memref<4x128x128xf32, #tpu.memory_space<vmem>> -> memref<1x128x128xf32, #tpu.memory_space<vmem>>
        %dma_start3A_323 = tpu.memref_squeeze %dma_start3A_322 : memref<1x128x128xf32, #tpu.memory_space<vmem>> -> memref<128x128xf32, #tpu.memory_space<vmem>>
        %dma_start3A_324 = arith.constant 0 : i32
        %dma_start3A_325 = tpu.memref_slice %arg4[%add3A_318, %dma_start3A_324] : memref<589824x128xf32, #tpu.memory_space<hbm>> -> memref<128x128xf32, #tpu.memory_space<hbm>>
        %dma_start3A_326 = arith.constant 0 : i32
        %dma_start3A_327 = tpu.memref_slice %arg4[%add3A_318, %dma_start3A_326] : memref<589824x128xf32, #tpu.memory_space<hbm>> -> memref<128x128xf32, #tpu.memory_space<hbm>>
        %dma_start3A_328 = arith.constant 0 : i32
        %dma_start3A_329 = arith.constant 0 : i32
        %dma_start3A_330 = tpu.memref_slice %arg6[%dma_start3A_319, %dma_start3A_328, %dma_start3A_329] : memref<4x128x128xf32, #tpu.memory_space<vmem>> -> memref<1x128x128xf32, #tpu.memory_space<vmem>>
        %dma_start3A_331 = tpu.memref_squeeze %dma_start3A_330 : memref<1x128x128xf32, #tpu.memory_space<vmem>> -> memref<128x128xf32, #tpu.memory_space<vmem>>
        tpu.enqueue_dma source(%dma_start3A_331 : memref<128x128xf32, #tpu.memory_space<vmem>>) target(%dma_start3A_327 : memref<128x128xf32, #tpu.memory_space<hbm>>) target_semaphore(%arg13 : memref<!tpu.dma_semaphore, #tpu.memory_space<semaphore_mem>>)
        %add3A_332 = arith.constant 1 : i32
        %add3A_333 = arith.addi %mul3A_296, %add3A_332 : i32
        %mul3A_334 = arith.constant 1 : i32
        %mul3A_335 = arith.muli %add3A_333, %mul3A_334 : i32
        %add3A_336 = arith.constant 0 : i32
        %add3A_337 = arith.addi %mul3A_335, %add3A_336 : i32
        %dma_wait3A_338 = arith.constant 1 : i32
        %dma_wait3A_339 = arith.constant 0 : i32
        %dma_wait3A_340 = arith.constant 0 : i32
        %dma_wait3A_341 = tpu.memref_slice %arg6[%dma_wait3A_338, %dma_wait3A_339, %dma_wait3A_340] : memref<4x128x128xf32, #tpu.memory_space<vmem>> -> memref<1x128x128xf32, #tpu.memory_space<vmem>>
        %dma_wait3A_342 = tpu.memref_squeeze %dma_wait3A_341 : memref<1x128x128xf32, #tpu.memory_space<vmem>> -> memref<128x128xf32, #tpu.memory_space<vmem>>
        %dma_wait3A_343 = arith.constant 0 : i32
        %dma_wait3A_344 = tpu.memref_slice %arg5[%add3A_337, %dma_wait3A_343] : memref<144x128xi32, #tpu.memory_space<vmem>> -> memref<1x128xi32, #tpu.memory_space<vmem>>
        %dma_wait3A_345 = tpu.memref_squeeze %dma_wait3A_344 : memref<1x128xi32, #tpu.memory_space<vmem>> -> memref<128xi32, #tpu.memory_space<vmem>>
        %dma_wait3A_346 = arith.constant 0 : i32
        %dma_wait3A_347 = arith.constant 0 : i32
        %dma_wait3A_348 = tpu.memref_slice %arg8[%dma_wait3A_346, %dma_wait3A_347] : memref<257x128xf32, #tpu.memory_space<vmem_shared>> -> memref<257x128xf32, #tpu.memory_space<vmem_shared>>
        tpu.wait_indirect_dma semaphore(%arg12 : memref<!tpu.dma_semaphore, #tpu.memory_space<semaphore_mem>>) src(%dma_wait3A_348 : memref<257x128xf32, #tpu.memory_space<vmem_shared>>) dst(%dma_wait3A_342 : memref<128x128xf32, #tpu.memory_space<vmem>>)
        %add3A_349 = arith.constant 1 : i32
        %add3A_350 = arith.addi %mul3A_296, %add3A_349 : i32
        %mul3A_351 = arith.constant 128 : i32
        %mul3A_352 = arith.muli %add3A_350, %mul3A_351 : i32
        %add3A_353 = arith.addi %mul3A_2, %mul3A_352 : i32
        %dma_start3A_354 = arith.constant 1 : i32
        %dma_start3A_355 = arith.constant 0 : i32
        %dma_start3A_356 = arith.constant 0 : i32
        %dma_start3A_357 = tpu.memref_slice %arg6[%dma_start3A_354, %dma_start3A_355, %dma_start3A_356] : memref<4x128x128xf32, #tpu.memory_space<vmem>> -> memref<1x128x128xf32, #tpu.memory_space<vmem>>
        %dma_start3A_358 = tpu.memref_squeeze %dma_start3A_357 : memref<1x128x128xf32, #tpu.memory_space<vmem>> -> memref<128x128xf32, #tpu.memory_space<vmem>>
        %dma_start3A_359 = arith.constant 0 : i32
        %dma_start3A_360 = tpu.memref_slice %arg4[%add3A_353, %dma_start3A_359] : memref<589824x128xf32, #tpu.memory_space<hbm>> -> memref<128x128xf32, #tpu.memory_space<hbm>>
        %dma_start3A_361 = arith.constant 0 : i32
        %dma_start3A_362 = tpu.memref_slice %arg4[%add3A_353, %dma_start3A_361] : memref<589824x128xf32, #tpu.memory_space<hbm>> -> memref<128x128xf32, #tpu.memory_space<hbm>>
        %dma_start3A_363 = arith.constant 0 : i32
        %dma_start3A_364 = arith.constant 0 : i32
        %dma_start3A_365 = tpu.memref_slice %arg6[%dma_start3A_354, %dma_start3A_363, %dma_start3A_364] : memref<4x128x128xf32, #tpu.memory_space<vmem>> -> memref<1x128x128xf32, #tpu.memory_space<vmem>>
        %dma_start3A_366 = tpu.memref_squeeze %dma_start3A_365 : memref<1x128x128xf32, #tpu.memory_space<vmem>> -> memref<128x128xf32, #tpu.memory_space<vmem>>
        tpu.enqueue_dma source(%dma_start3A_366 : memref<128x128xf32, #tpu.memory_space<vmem>>) target(%dma_start3A_362 : memref<128x128xf32, #tpu.memory_space<hbm>>) target_semaphore(%arg13 : memref<!tpu.dma_semaphore, #tpu.memory_space<semaphore_mem>>)
        %add3A_367 = arith.constant 2 : i32
        %add3A_368 = arith.addi %mul3A_296, %add3A_367 : i32
        %mul3A_369 = arith.constant 1 : i32
        %mul3A_370 = arith.muli %add3A_368, %mul3A_369 : i32
        %add3A_371 = arith.constant 0 : i32
        %add3A_372 = arith.addi %mul3A_370, %add3A_371 : i32
        %dma_wait3A_373 = arith.constant 2 : i32
        %dma_wait3A_374 = arith.constant 0 : i32
        %dma_wait3A_375 = arith.constant 0 : i32
        %dma_wait3A_376 = tpu.memref_slice %arg6[%dma_wait3A_373, %dma_wait3A_374, %dma_wait3A_375] : memref<4x128x128xf32, #tpu.memory_space<vmem>> -> memref<1x128x128xf32, #tpu.memory_space<vmem>>
        %dma_wait3A_377 = tpu.memref_squeeze %dma_wait3A_376 : memref<1x128x128xf32, #tpu.memory_space<vmem>> -> memref<128x128xf32, #tpu.memory_space<vmem>>
        %dma_wait3A_378 = arith.constant 0 : i32
        %dma_wait3A_379 = tpu.memref_slice %arg5[%add3A_372, %dma_wait3A_378] : memref<144x128xi32, #tpu.memory_space<vmem>> -> memref<1x128xi32, #tpu.memory_space<vmem>>
        %dma_wait3A_380 = tpu.memref_squeeze %dma_wait3A_379 : memref<1x128xi32, #tpu.memory_space<vmem>> -> memref<128xi32, #tpu.memory_space<vmem>>
        %dma_wait3A_381 = arith.constant 0 : i32
        %dma_wait3A_382 = arith.constant 0 : i32
        %dma_wait3A_383 = tpu.memref_slice %arg8[%dma_wait3A_381, %dma_wait3A_382] : memref<257x128xf32, #tpu.memory_space<vmem_shared>> -> memref<257x128xf32, #tpu.memory_space<vmem_shared>>
        tpu.wait_indirect_dma semaphore(%arg12 : memref<!tpu.dma_semaphore, #tpu.memory_space<semaphore_mem>>) src(%dma_wait3A_383 : memref<257x128xf32, #tpu.memory_space<vmem_shared>>) dst(%dma_wait3A_377 : memref<128x128xf32, #tpu.memory_space<vmem>>)
        %add3A_384 = arith.constant 2 : i32
        %add3A_385 = arith.addi %mul3A_296, %add3A_384 : i32
        %mul3A_386 = arith.constant 128 : i32
        %mul3A_387 = arith.muli %add3A_385, %mul3A_386 : i32
        %add3A_388 = arith.addi %mul3A_2, %mul3A_387 : i32
        %dma_start3A_389 = arith.constant 2 : i32
        %dma_start3A_390 = arith.constant 0 : i32
        %dma_start3A_391 = arith.constant 0 : i32
        %dma_start3A_392 = tpu.memref_slice %arg6[%dma_start3A_389, %dma_start3A_390, %dma_start3A_391] : memref<4x128x128xf32, #tpu.memory_space<vmem>> -> memref<1x128x128xf32, #tpu.memory_space<vmem>>
        %dma_start3A_393 = tpu.memref_squeeze %dma_start3A_392 : memref<1x128x128xf32, #tpu.memory_space<vmem>> -> memref<128x128xf32, #tpu.memory_space<vmem>>
        %dma_start3A_394 = arith.constant 0 : i32
        %dma_start3A_395 = tpu.memref_slice %arg4[%add3A_388, %dma_start3A_394] : memref<589824x128xf32, #tpu.memory_space<hbm>> -> memref<128x128xf32, #tpu.memory_space<hbm>>
        %dma_start3A_396 = arith.constant 0 : i32
        %dma_start3A_397 = tpu.memref_slice %arg4[%add3A_388, %dma_start3A_396] : memref<589824x128xf32, #tpu.memory_space<hbm>> -> memref<128x128xf32, #tpu.memory_space<hbm>>
        %dma_start3A_398 = arith.constant 0 : i32
        %dma_start3A_399 = arith.constant 0 : i32
        %dma_start3A_400 = tpu.memref_slice %arg6[%dma_start3A_389, %dma_start3A_398, %dma_start3A_399] : memref<4x128x128xf32, #tpu.memory_space<vmem>> -> memref<1x128x128xf32, #tpu.memory_space<vmem>>
        %dma_start3A_401 = tpu.memref_squeeze %dma_start3A_400 : memref<1x128x128xf32, #tpu.memory_space<vmem>> -> memref<128x128xf32, #tpu.memory_space<vmem>>
        tpu.enqueue_dma source(%dma_start3A_401 : memref<128x128xf32, #tpu.memory_space<vmem>>) target(%dma_start3A_397 : memref<128x128xf32, #tpu.memory_space<hbm>>) target_semaphore(%arg13 : memref<!tpu.dma_semaphore, #tpu.memory_space<semaphore_mem>>)
        %add3A_402 = arith.constant 3 : i32
        %add3A_403 = arith.addi %mul3A_296, %add3A_402 : i32
        %mul3A_404 = arith.constant 1 : i32
        %mul3A_405 = arith.muli %add3A_403, %mul3A_404 : i32
        %add3A_406 = arith.constant 0 : i32
        %add3A_407 = arith.addi %mul3A_405, %add3A_406 : i32
        %dma_wait3A_408 = arith.constant 3 : i32
        %dma_wait3A_409 = arith.constant 0 : i32
        %dma_wait3A_410 = arith.constant 0 : i32
        %dma_wait3A_411 = tpu.memref_slice %arg6[%dma_wait3A_408, %dma_wait3A_409, %dma_wait3A_410] : memref<4x128x128xf32, #tpu.memory_space<vmem>> -> memref<1x128x128xf32, #tpu.memory_space<vmem>>
        %dma_wait3A_412 = tpu.memref_squeeze %dma_wait3A_411 : memref<1x128x128xf32, #tpu.memory_space<vmem>> -> memref<128x128xf32, #tpu.memory_space<vmem>>
        %dma_wait3A_413 = arith.constant 0 : i32
        %dma_wait3A_414 = tpu.memref_slice %arg5[%add3A_407, %dma_wait3A_413] : memref<144x128xi32, #tpu.memory_space<vmem>> -> memref<1x128xi32, #tpu.memory_space<vmem>>
        %dma_wait3A_415 = tpu.memref_squeeze %dma_wait3A_414 : memref<1x128xi32, #tpu.memory_space<vmem>> -> memref<128xi32, #tpu.memory_space<vmem>>
        %dma_wait3A_416 = arith.constant 0 : i32
        %dma_wait3A_417 = arith.constant 0 : i32
        %dma_wait3A_418 = tpu.memref_slice %arg8[%dma_wait3A_416, %dma_wait3A_417] : memref<257x128xf32, #tpu.memory_space<vmem_shared>> -> memref<257x128xf32, #tpu.memory_space<vmem_shared>>
        tpu.wait_indirect_dma semaphore(%arg12 : memref<!tpu.dma_semaphore, #tpu.memory_space<semaphore_mem>>) src(%dma_wait3A_418 : memref<257x128xf32, #tpu.memory_space<vmem_shared>>) dst(%dma_wait3A_412 : memref<128x128xf32, #tpu.memory_space<vmem>>)
        %add3A_419 = arith.constant 3 : i32
        %add3A_420 = arith.addi %mul3A_296, %add3A_419 : i32
        %mul3A_421 = arith.constant 128 : i32
        %mul3A_422 = arith.muli %add3A_420, %mul3A_421 : i32
        %add3A_423 = arith.addi %mul3A_2, %mul3A_422 : i32
        %dma_start3A_424 = arith.constant 3 : i32
        %dma_start3A_425 = arith.constant 0 : i32
        %dma_start3A_426 = arith.constant 0 : i32
        %dma_start3A_427 = tpu.memref_slice %arg6[%dma_start3A_424, %dma_start3A_425, %dma_start3A_426] : memref<4x128x128xf32, #tpu.memory_space<vmem>> -> memref<1x128x128xf32, #tpu.memory_space<vmem>>
        %dma_start3A_428 = tpu.memref_squeeze %dma_start3A_427 : memref<1x128x128xf32, #tpu.memory_space<vmem>> -> memref<128x128xf32, #tpu.memory_space<vmem>>
        %dma_start3A_429 = arith.constant 0 : i32
        %dma_start3A_430 = tpu.memref_slice %arg4[%add3A_423, %dma_start3A_429] : memref<589824x128xf32, #tpu.memory_space<hbm>> -> memref<128x128xf32, #tpu.memory_space<hbm>>
        %dma_start3A_431 = arith.constant 0 : i32
        %dma_start3A_432 = tpu.memref_slice %arg4[%add3A_423, %dma_start3A_431] : memref<589824x128xf32, #tpu.memory_space<hbm>> -> memref<128x128xf32, #tpu.memory_space<hbm>>
        %dma_start3A_433 = arith.constant 0 : i32
        %dma_start3A_434 = arith.constant 0 : i32
        %dma_start3A_435 = tpu.memref_slice %arg6[%dma_start3A_424, %dma_start3A_433, %dma_start3A_434] : memref<4x128x128xf32, #tpu.memory_space<vmem>> -> memref<1x128x128xf32, #tpu.memory_space<vmem>>
        %dma_start3A_436 = tpu.memref_squeeze %dma_start3A_435 : memref<1x128x128xf32, #tpu.memory_space<vmem>> -> memref<128x128xf32, #tpu.memory_space<vmem>>
        tpu.enqueue_dma source(%dma_start3A_436 : memref<128x128xf32, #tpu.memory_space<vmem>>) target(%dma_start3A_432 : memref<128x128xf32, #tpu.memory_space<hbm>>) target_semaphore(%arg13 : memref<!tpu.dma_semaphore, #tpu.memory_space<semaphore_mem>>)
        %add3A_437 = arith.constant 0 : i32
        %add3A_438 = arith.addi %mul3A_296, %add3A_437 : i32
        %mul3A_439 = arith.constant 128 : i32
        %mul3A_440 = arith.muli %add3A_438, %mul3A_439 : i32
        %add3A_441 = arith.addi %mul3A_2, %mul3A_440 : i32
        %dma_wait3A_442 = arith.constant 0 : i32
        %dma_wait3A_443 = arith.constant 0 : i32
        %dma_wait3A_444 = arith.constant 0 : i32
        %dma_wait3A_445 = tpu.memref_slice %arg6[%dma_wait3A_442, %dma_wait3A_443, %dma_wait3A_444] : memref<4x128x128xf32, #tpu.memory_space<vmem>> -> memref<1x128x128xf32, #tpu.memory_space<vmem>>
        %dma_wait3A_446 = tpu.memref_squeeze %dma_wait3A_445 : memref<1x128x128xf32, #tpu.memory_space<vmem>> -> memref<128x128xf32, #tpu.memory_space<vmem>>
        %dma_wait3A_447 = arith.constant 0 : i32
        %dma_wait3A_448 = tpu.memref_slice %arg4[%add3A_441, %dma_wait3A_447] : memref<589824x128xf32, #tpu.memory_space<hbm>> -> memref<128x128xf32, #tpu.memory_space<hbm>>
        %dma_wait3A_449 = arith.constant 0 : i32
        %dma_wait3A_450 = tpu.memref_slice %arg4[%add3A_441, %dma_wait3A_449] : memref<589824x128xf32, #tpu.memory_space<hbm>> -> memref<128x128xf32, #tpu.memory_space<hbm>>
        %dma_wait3A_451 = arith.constant 0 : i32
        %dma_wait3A_452 = arith.constant 0 : i32
        %dma_wait3A_453 = tpu.memref_slice %arg6[%dma_wait3A_442, %dma_wait3A_451, %dma_wait3A_452] : memref<4x128x128xf32, #tpu.memory_space<vmem>> -> memref<1x128x128xf32, #tpu.memory_space<vmem>>
        %dma_wait3A_454 = tpu.memref_squeeze %dma_wait3A_453 : memref<1x128x128xf32, #tpu.memory_space<vmem>> -> memref<128x128xf32, #tpu.memory_space<vmem>>
        tpu.wait_dma2 semaphore(%arg13 : memref<!tpu.dma_semaphore, #tpu.memory_space<semaphore_mem>>) src(%dma_wait3A_454 : memref<128x128xf32, #tpu.memory_space<vmem>>) dst(%dma_wait3A_450 : memref<128x128xf32, #tpu.memory_space<hbm>>)
        %add3A_455 = arith.constant 4 : i32
        %add3A_456 = arith.addi %mul3A_296, %add3A_455 : i32
        %add3A_457 = arith.constant 0 : i32
        %add3A_458 = arith.addi %add3A_456, %add3A_457 : i32
        %mul3A_459 = arith.constant 1 : i32
        %mul3A_460 = arith.muli %add3A_458, %mul3A_459 : i32
        %add3A_461 = arith.constant 0 : i32
        %add3A_462 = arith.addi %mul3A_460, %add3A_461 : i32
        %dma_start3A_463 = arith.constant 0 : i32
        %dma_start3A_464 = arith.constant 0 : i32
        %dma_start3A_465 = arith.constant 0 : i32
        %dma_start3A_466 = tpu.memref_slice %arg6[%dma_start3A_463, %dma_start3A_464, %dma_start3A_465] : memref<4x128x128xf32, #tpu.memory_space<vmem>> -> memref<1x128x128xf32, #tpu.memory_space<vmem>>
        %dma_start3A_467 = tpu.memref_squeeze %dma_start3A_466 : memref<1x128x128xf32, #tpu.memory_space<vmem>> -> memref<128x128xf32, #tpu.memory_space<vmem>>
        %dma_start3A_468 = arith.constant 0 : i32
        %dma_start3A_469 = tpu.memref_slice %arg5[%add3A_462, %dma_start3A_468] : memref<144x128xi32, #tpu.memory_space<vmem>> -> memref<1x128xi32, #tpu.memory_space<vmem>>
        %dma_start3A_470 = tpu.memref_squeeze %dma_start3A_469 : memref<1x128xi32, #tpu.memory_space<vmem>> -> memref<128xi32, #tpu.memory_space<vmem>>
        %dma_start3A_471 = arith.constant 0 : i32
        %dma_start3A_472 = arith.constant 0 : i32
        %dma_start3A_473 = tpu.memref_slice %arg8[%dma_start3A_471, %dma_start3A_472] : memref<257x128xf32, #tpu.memory_space<vmem_shared>> -> memref<257x128xf32, #tpu.memory_space<vmem_shared>>
        tpu.enqueue_indirect_dma source(%dma_start3A_473 : memref<257x128xf32, #tpu.memory_space<vmem_shared>>) target(%dma_start3A_467 : memref<128x128xf32, #tpu.memory_space<vmem>>) offsets(%dma_start3A_470 : memref<128xi32, #tpu.memory_space<vmem>>) semaphore(%arg12 : memref<!tpu.dma_semaphore, #tpu.memory_space<semaphore_mem>>)
        %add3A_474 = arith.constant 1 : i32
        %add3A_475 = arith.addi %mul3A_296, %add3A_474 : i32
        %mul3A_476 = arith.constant 128 : i32
        %mul3A_477 = arith.muli %add3A_475, %mul3A_476 : i32
        %add3A_478 = arith.addi %mul3A_2, %mul3A_477 : i32
        %dma_wait3A_479 = arith.constant 1 : i32
        %dma_wait3A_480 = arith.constant 0 : i32
        %dma_wait3A_481 = arith.constant 0 : i32
        %dma_wait3A_482 = tpu.memref_slice %arg6[%dma_wait3A_479, %dma_wait3A_480, %dma_wait3A_481] : memref<4x128x128xf32, #tpu.memory_space<vmem>> -> memref<1x128x128xf32, #tpu.memory_space<vmem>>
        %dma_wait3A_483 = tpu.memref_squeeze %dma_wait3A_482 : memref<1x128x128xf32, #tpu.memory_space<vmem>> -> memref<128x128xf32, #tpu.memory_space<vmem>>
        %dma_wait3A_484 = arith.constant 0 : i32
        %dma_wait3A_485 = tpu.memref_slice %arg4[%add3A_478, %dma_wait3A_484] : memref<589824x128xf32, #tpu.memory_space<hbm>> -> memref<128x128xf32, #tpu.memory_space<hbm>>
        %dma_wait3A_486 = arith.constant 0 : i32
        %dma_wait3A_487 = tpu.memref_slice %arg4[%add3A_478, %dma_wait3A_486] : memref<589824x128xf32, #tpu.memory_space<hbm>> -> memref<128x128xf32, #tpu.memory_space<hbm>>
        %dma_wait3A_488 = arith.constant 0 : i32
        %dma_wait3A_489 = arith.constant 0 : i32
        %dma_wait3A_490 = tpu.memref_slice %arg6[%dma_wait3A_479, %dma_wait3A_488, %dma_wait3A_489] : memref<4x128x128xf32, #tpu.memory_space<vmem>> -> memref<1x128x128xf32, #tpu.memory_space<vmem>>
        %dma_wait3A_491 = tpu.memref_squeeze %dma_wait3A_490 : memref<1x128x128xf32, #tpu.memory_space<vmem>> -> memref<128x128xf32, #tpu.memory_space<vmem>>
        tpu.wait_dma2 semaphore(%arg13 : memref<!tpu.dma_semaphore, #tpu.memory_space<semaphore_mem>>) src(%dma_wait3A_491 : memref<128x128xf32, #tpu.memory_space<vmem>>) dst(%dma_wait3A_487 : memref<128x128xf32, #tpu.memory_space<hbm>>)
        %add3A_492 = arith.constant 4 : i32
        %add3A_493 = arith.addi %mul3A_296, %add3A_492 : i32
        %add3A_494 = arith.constant 1 : i32
        %add3A_495 = arith.addi %add3A_493, %add3A_494 : i32
        %mul3A_496 = arith.constant 1 : i32
        %mul3A_497 = arith.muli %add3A_495, %mul3A_496 : i32
        %add3A_498 = arith.constant 0 : i32
        %add3A_499 = arith.addi %mul3A_497, %add3A_498 : i32
        %dma_start3A_500 = arith.constant 1 : i32
        %dma_start3A_501 = arith.constant 0 : i32
        %dma_start3A_502 = arith.constant 0 : i32
        %dma_start3A_503 = tpu.memref_slice %arg6[%dma_start3A_500, %dma_start3A_501, %dma_start3A_502] : memref<4x128x128xf32, #tpu.memory_space<vmem>> -> memref<1x128x128xf32, #tpu.memory_space<vmem>>
        %dma_start3A_504 = tpu.memref_squeeze %dma_start3A_503 : memref<1x128x128xf32, #tpu.memory_space<vmem>> -> memref<128x128xf32, #tpu.memory_space<vmem>>
        %dma_start3A_505 = arith.constant 0 : i32
        %dma_start3A_506 = tpu.memref_slice %arg5[%add3A_499, %dma_start3A_505] : memref<144x128xi32, #tpu.memory_space<vmem>> -> memref<1x128xi32, #tpu.memory_space<vmem>>
        %dma_start3A_507 = tpu.memref_squeeze %dma_start3A_506 : memref<1x128xi32, #tpu.memory_space<vmem>> -> memref<128xi32, #tpu.memory_space<vmem>>
        %dma_start3A_508 = arith.constant 0 : i32
        %dma_start3A_509 = arith.constant 0 : i32
        %dma_start3A_510 = tpu.memref_slice %arg8[%dma_start3A_508, %dma_start3A_509] : memref<257x128xf32, #tpu.memory_space<vmem_shared>> -> memref<257x128xf32, #tpu.memory_space<vmem_shared>>
        tpu.enqueue_indirect_dma source(%dma_start3A_510 : memref<257x128xf32, #tpu.memory_space<vmem_shared>>) target(%dma_start3A_504 : memref<128x128xf32, #tpu.memory_space<vmem>>) offsets(%dma_start3A_507 : memref<128xi32, #tpu.memory_space<vmem>>) semaphore(%arg12 : memref<!tpu.dma_semaphore, #tpu.memory_space<semaphore_mem>>)
        %add3A_511 = arith.constant 2 : i32
        %add3A_512 = arith.addi %mul3A_296, %add3A_511 : i32
        %mul3A_513 = arith.constant 128 : i32
        %mul3A_514 = arith.muli %add3A_512, %mul3A_513 : i32
        %add3A_515 = arith.addi %mul3A_2, %mul3A_514 : i32
        %dma_wait3A_516 = arith.constant 2 : i32
        %dma_wait3A_517 = arith.constant 0 : i32
        %dma_wait3A_518 = arith.constant 0 : i32
        %dma_wait3A_519 = tpu.memref_slice %arg6[%dma_wait3A_516, %dma_wait3A_517, %dma_wait3A_518] : memref<4x128x128xf32, #tpu.memory_space<vmem>> -> memref<1x128x128xf32, #tpu.memory_space<vmem>>
        %dma_wait3A_520 = tpu.memref_squeeze %dma_wait3A_519 : memref<1x128x128xf32, #tpu.memory_space<vmem>> -> memref<128x128xf32, #tpu.memory_space<vmem>>
        %dma_wait3A_521 = arith.constant 0 : i32
        %dma_wait3A_522 = tpu.memref_slice %arg4[%add3A_515, %dma_wait3A_521] : memref<589824x128xf32, #tpu.memory_space<hbm>> -> memref<128x128xf32, #tpu.memory_space<hbm>>
        %dma_wait3A_523 = arith.constant 0 : i32
        %dma_wait3A_524 = tpu.memref_slice %arg4[%add3A_515, %dma_wait3A_523] : memref<589824x128xf32, #tpu.memory_space<hbm>> -> memref<128x128xf32, #tpu.memory_space<hbm>>
        %dma_wait3A_525 = arith.constant 0 : i32
        %dma_wait3A_526 = arith.constant 0 : i32
        %dma_wait3A_527 = tpu.memref_slice %arg6[%dma_wait3A_516, %dma_wait3A_525, %dma_wait3A_526] : memref<4x128x128xf32, #tpu.memory_space<vmem>> -> memref<1x128x128xf32, #tpu.memory_space<vmem>>
        %dma_wait3A_528 = tpu.memref_squeeze %dma_wait3A_527 : memref<1x128x128xf32, #tpu.memory_space<vmem>> -> memref<128x128xf32, #tpu.memory_space<vmem>>
        tpu.wait_dma2 semaphore(%arg13 : memref<!tpu.dma_semaphore, #tpu.memory_space<semaphore_mem>>) src(%dma_wait3A_528 : memref<128x128xf32, #tpu.memory_space<vmem>>) dst(%dma_wait3A_524 : memref<128x128xf32, #tpu.memory_space<hbm>>)
        %add3A_529 = arith.constant 4 : i32
        %add3A_530 = arith.addi %mul3A_296, %add3A_529 : i32
        %add3A_531 = arith.constant 2 : i32
        %add3A_532 = arith.addi %add3A_530, %add3A_531 : i32
        %mul3A_533 = arith.constant 1 : i32
        %mul3A_534 = arith.muli %add3A_532, %mul3A_533 : i32
        %add3A_535 = arith.constant 0 : i32
        %add3A_536 = arith.addi %mul3A_534, %add3A_535 : i32
        %dma_start3A_537 = arith.constant 2 : i32
        %dma_start3A_538 = arith.constant 0 : i32
        %dma_start3A_539 = arith.constant 0 : i32
        %dma_start3A_540 = tpu.memref_slice %arg6[%dma_start3A_537, %dma_start3A_538, %dma_start3A_539] : memref<4x128x128xf32, #tpu.memory_space<vmem>> -> memref<1x128x128xf32, #tpu.memory_space<vmem>>
        %dma_start3A_541 = tpu.memref_squeeze %dma_start3A_540 : memref<1x128x128xf32, #tpu.memory_space<vmem>> -> memref<128x128xf32, #tpu.memory_space<vmem>>
        %dma_start3A_542 = arith.constant 0 : i32
        %dma_start3A_543 = tpu.memref_slice %arg5[%add3A_536, %dma_start3A_542] : memref<144x128xi32, #tpu.memory_space<vmem>> -> memref<1x128xi32, #tpu.memory_space<vmem>>
        %dma_start3A_544 = tpu.memref_squeeze %dma_start3A_543 : memref<1x128xi32, #tpu.memory_space<vmem>> -> memref<128xi32, #tpu.memory_space<vmem>>
        %dma_start3A_545 = arith.constant 0 : i32
        %dma_start3A_546 = arith.constant 0 : i32
        %dma_start3A_547 = tpu.memref_slice %arg8[%dma_start3A_545, %dma_start3A_546] : memref<257x128xf32, #tpu.memory_space<vmem_shared>> -> memref<257x128xf32, #tpu.memory_space<vmem_shared>>
        tpu.enqueue_indirect_dma source(%dma_start3A_547 : memref<257x128xf32, #tpu.memory_space<vmem_shared>>) target(%dma_start3A_541 : memref<128x128xf32, #tpu.memory_space<vmem>>) offsets(%dma_start3A_544 : memref<128xi32, #tpu.memory_space<vmem>>) semaphore(%arg12 : memref<!tpu.dma_semaphore, #tpu.memory_space<semaphore_mem>>)
        %add3A_548 = arith.constant 3 : i32
        %add3A_549 = arith.addi %mul3A_296, %add3A_548 : i32
        %mul3A_550 = arith.constant 128 : i32
        %mul3A_551 = arith.muli %add3A_549, %mul3A_550 : i32
        %add3A_552 = arith.addi %mul3A_2, %mul3A_551 : i32
        %dma_wait3A_553 = arith.constant 3 : i32
        %dma_wait3A_554 = arith.constant 0 : i32
        %dma_wait3A_555 = arith.constant 0 : i32
        %dma_wait3A_556 = tpu.memref_slice %arg6[%dma_wait3A_553, %dma_wait3A_554, %dma_wait3A_555] : memref<4x128x128xf32, #tpu.memory_space<vmem>> -> memref<1x128x128xf32, #tpu.memory_space<vmem>>
        %dma_wait3A_557 = tpu.memref_squeeze %dma_wait3A_556 : memref<1x128x128xf32, #tpu.memory_space<vmem>> -> memref<128x128xf32, #tpu.memory_space<vmem>>
        %dma_wait3A_558 = arith.constant 0 : i32
        %dma_wait3A_559 = tpu.memref_slice %arg4[%add3A_552, %dma_wait3A_558] : memref<589824x128xf32, #tpu.memory_space<hbm>> -> memref<128x128xf32, #tpu.memory_space<hbm>>
        %dma_wait3A_560 = arith.constant 0 : i32
        %dma_wait3A_561 = tpu.memref_slice %arg4[%add3A_552, %dma_wait3A_560] : memref<589824x128xf32, #tpu.memory_space<hbm>> -> memref<128x128xf32, #tpu.memory_space<hbm>>
        %dma_wait3A_562 = arith.constant 0 : i32
        %dma_wait3A_563 = arith.constant 0 : i32
        %dma_wait3A_564 = tpu.memref_slice %arg6[%dma_wait3A_553, %dma_wait3A_562, %dma_wait3A_563] : memref<4x128x128xf32, #tpu.memory_space<vmem>> -> memref<1x128x128xf32, #tpu.memory_space<vmem>>
        %dma_wait3A_565 = tpu.memref_squeeze %dma_wait3A_564 : memref<1x128x128xf32, #tpu.memory_space<vmem>> -> memref<128x128xf32, #tpu.memory_space<vmem>>
        tpu.wait_dma2 semaphore(%arg13 : memref<!tpu.dma_semaphore, #tpu.memory_space<semaphore_mem>>) src(%dma_wait3A_565 : memref<128x128xf32, #tpu.memory_space<vmem>>) dst(%dma_wait3A_561 : memref<128x128xf32, #tpu.memory_space<hbm>>)
        %add3A_566 = arith.constant 4 : i32
        %add3A_567 = arith.addi %mul3A_296, %add3A_566 : i32
        %add3A_568 = arith.constant 3 : i32
        %add3A_569 = arith.addi %add3A_567, %add3A_568 : i32
        %mul3A_570 = arith.constant 1 : i32
        %mul3A_571 = arith.muli %add3A_569, %mul3A_570 : i32
        %add3A_572 = arith.constant 0 : i32
        %add3A_573 = arith.addi %mul3A_571, %add3A_572 : i32
        %dma_start3A_574 = arith.constant 3 : i32
        %dma_start3A_575 = arith.constant 0 : i32
        %dma_start3A_576 = arith.constant 0 : i32
        %dma_start3A_577 = tpu.memref_slice %arg6[%dma_start3A_574, %dma_start3A_575, %dma_start3A_576] : memref<4x128x128xf32, #tpu.memory_space<vmem>> -> memref<1x128x128xf32, #tpu.memory_space<vmem>>
        %dma_start3A_578 = tpu.memref_squeeze %dma_start3A_577 : memref<1x128x128xf32, #tpu.memory_space<vmem>> -> memref<128x128xf32, #tpu.memory_space<vmem>>
        %dma_start3A_579 = arith.constant 0 : i32
        %dma_start3A_580 = tpu.memref_slice %arg5[%add3A_573, %dma_start3A_579] : memref<144x128xi32, #tpu.memory_space<vmem>> -> memref<1x128xi32, #tpu.memory_space<vmem>>
        %dma_start3A_581 = tpu.memref_squeeze %dma_start3A_580 : memref<1x128xi32, #tpu.memory_space<vmem>> -> memref<128xi32, #tpu.memory_space<vmem>>
        %dma_start3A_582 = arith.constant 0 : i32
        %dma_start3A_583 = arith.constant 0 : i32
        %dma_start3A_584 = tpu.memref_slice %arg8[%dma_start3A_582, %dma_start3A_583] : memref<257x128xf32, #tpu.memory_space<vmem_shared>> -> memref<257x128xf32, #tpu.memory_space<vmem_shared>>
        tpu.enqueue_indirect_dma source(%dma_start3A_584 : memref<257x128xf32, #tpu.memory_space<vmem_shared>>) target(%dma_start3A_578 : memref<128x128xf32, #tpu.memory_space<vmem>>) offsets(%dma_start3A_581 : memref<128xi32, #tpu.memory_space<vmem>>) semaphore(%arg12 : memref<!tpu.dma_semaphore, #tpu.memory_space<semaphore_mem>>)
      }
      %scan3A_121 = arith.constant 35 : i32
      %dma_wait3A_122 = arith.constant 140 : i32
      %dma_wait3A_123 = arith.constant 0 : i32
      %dma_wait3A_124 = arith.constant 0 : i32
      %dma_wait3A_125 = arith.constant 0 : i32
      %dma_wait3A_126 = tpu.memref_slice %arg6[%dma_wait3A_123, %dma_wait3A_124, %dma_wait3A_125] : memref<4x128x128xf32, #tpu.memory_space<vmem>> -> memref<1x128x128xf32, #tpu.memory_space<vmem>>
      %dma_wait3A_127 = tpu.memref_squeeze %dma_wait3A_126 : memref<1x128x128xf32, #tpu.memory_space<vmem>> -> memref<128x128xf32, #tpu.memory_space<vmem>>
      %dma_wait3A_128 = arith.constant 0 : i32
      %dma_wait3A_129 = tpu.memref_slice %arg5[%dma_wait3A_122, %dma_wait3A_128] : memref<144x128xi32, #tpu.memory_space<vmem>> -> memref<1x128xi32, #tpu.memory_space<vmem>>
      %dma_wait3A_130 = tpu.memref_squeeze %dma_wait3A_129 : memref<1x128xi32, #tpu.memory_space<vmem>> -> memref<128xi32, #tpu.memory_space<vmem>>
      %dma_wait3A_131 = arith.constant 0 : i32
      %dma_wait3A_132 = arith.constant 0 : i32
      %dma_wait3A_133 = tpu.memref_slice %arg8[%dma_wait3A_131, %dma_wait3A_132] : memref<257x128xf32, #tpu.memory_space<vmem_shared>> -> memref<257x128xf32, #tpu.memory_space<vmem_shared>>
      tpu.wait_indirect_dma semaphore(%arg12 : memref<!tpu.dma_semaphore, #tpu.memory_space<semaphore_mem>>) src(%dma_wait3A_133 : memref<257x128xf32, #tpu.memory_space<vmem_shared>>) dst(%dma_wait3A_127 : memref<128x128xf32, #tpu.memory_space<vmem>>)
      %add3A_134 = arith.constant 17920 : i32
      %add3A_135 = arith.addi %mul3A_2, %add3A_134 : i32
      %dma_start3A_136 = arith.constant 0 : i32
      %dma_start3A_137 = arith.constant 0 : i32
      %dma_start3A_138 = arith.constant 0 : i32
      %dma_start3A_139 = tpu.memref_slice %arg6[%dma_start3A_136, %dma_start3A_137, %dma_start3A_138] : memref<4x128x128xf32, #tpu.memory_space<vmem>> -> memref<1x128x128xf32, #tpu.memory_space<vmem>>
      %dma_start3A_140 = tpu.memref_squeeze %dma_start3A_139 : memref<1x128x128xf32, #tpu.memory_space<vmem>> -> memref<128x128xf32, #tpu.memory_space<vmem>>
      %dma_start3A_141 = arith.constant 0 : i32
      %dma_start3A_142 = tpu.memref_slice %arg4[%add3A_135, %dma_start3A_141] : memref<589824x128xf32, #tpu.memory_space<hbm>> -> memref<128x128xf32, #tpu.memory_space<hbm>>
      %dma_start3A_143 = arith.constant 0 : i32
      %dma_start3A_144 = tpu.memref_slice %arg4[%add3A_135, %dma_start3A_143] : memref<589824x128xf32, #tpu.memory_space<hbm>> -> memref<128x128xf32, #tpu.memory_space<hbm>>
      %dma_start3A_145 = arith.constant 0 : i32
      %dma_start3A_146 = arith.constant 0 : i32
      %dma_start3A_147 = tpu.memref_slice %arg6[%dma_start3A_136, %dma_start3A_145, %dma_start3A_146] : memref<4x128x128xf32, #tpu.memory_space<vmem>> -> memref<1x128x128xf32, #tpu.memory_space<vmem>>
      %dma_start3A_148 = tpu.memref_squeeze %dma_start3A_147 : memref<1x128x128xf32, #tpu.memory_space<vmem>> -> memref<128x128xf32, #tpu.memory_space<vmem>>
      tpu.enqueue_dma source(%dma_start3A_148 : memref<128x128xf32, #tpu.memory_space<vmem>>) target(%dma_start3A_144 : memref<128x128xf32, #tpu.memory_space<hbm>>) target_semaphore(%arg13 : memref<!tpu.dma_semaphore, #tpu.memory_space<semaphore_mem>>)
      %dma_wait3A_149 = arith.constant 141 : i32
      %dma_wait3A_150 = arith.constant 1 : i32
      %dma_wait3A_151 = arith.constant 0 : i32
      %dma_wait3A_152 = arith.constant 0 : i32
      %dma_wait3A_153 = tpu.memref_slice %arg6[%dma_wait3A_150, %dma_wait3A_151, %dma_wait3A_152] : memref<4x128x128xf32, #tpu.memory_space<vmem>> -> memref<1x128x128xf32, #tpu.memory_space<vmem>>
      %dma_wait3A_154 = tpu.memref_squeeze %dma_wait3A_153 : memref<1x128x128xf32, #tpu.memory_space<vmem>> -> memref<128x128xf32, #tpu.memory_space<vmem>>
      %dma_wait3A_155 = arith.constant 0 : i32
      %dma_wait3A_156 = tpu.memref_slice %arg5[%dma_wait3A_149, %dma_wait3A_155] : memref<144x128xi32, #tpu.memory_space<vmem>> -> memref<1x128xi32, #tpu.memory_space<vmem>>
      %dma_wait3A_157 = tpu.memref_squeeze %dma_wait3A_156 : memref<1x128xi32, #tpu.memory_space<vmem>> -> memref<128xi32, #tpu.memory_space<vmem>>
      %dma_wait3A_158 = arith.constant 0 : i32
      %dma_wait3A_159 = arith.constant 0 : i32
      %dma_wait3A_160 = tpu.memref_slice %arg8[%dma_wait3A_158, %dma_wait3A_159] : memref<257x128xf32, #tpu.memory_space<vmem_shared>> -> memref<257x128xf32, #tpu.memory_space<vmem_shared>>
      tpu.wait_indirect_dma semaphore(%arg12 : memref<!tpu.dma_semaphore, #tpu.memory_space<semaphore_mem>>) src(%dma_wait3A_160 : memref<257x128xf32, #tpu.memory_space<vmem_shared>>) dst(%dma_wait3A_154 : memref<128x128xf32, #tpu.memory_space<vmem>>)
      %add3A_161 = arith.constant 18048 : i32
      %add3A_162 = arith.addi %mul3A_2, %add3A_161 : i32
      %dma_start3A_163 = arith.constant 1 : i32
      %dma_start3A_164 = arith.constant 0 : i32
      %dma_start3A_165 = arith.constant 0 : i32
      %dma_start3A_166 = tpu.memref_slice %arg6[%dma_start3A_163, %dma_start3A_164, %dma_start3A_165] : memref<4x128x128xf32, #tpu.memory_space<vmem>> -> memref<1x128x128xf32, #tpu.memory_space<vmem>>
      %dma_start3A_167 = tpu.memref_squeeze %dma_start3A_166 : memref<1x128x128xf32, #tpu.memory_space<vmem>> -> memref<128x128xf32, #tpu.memory_space<vmem>>
      %dma_start3A_168 = arith.constant 0 : i32
      %dma_start3A_169 = tpu.memref_slice %arg4[%add3A_162, %dma_start3A_168] : memref<589824x128xf32, #tpu.memory_space<hbm>> -> memref<128x128xf32, #tpu.memory_space<hbm>>
      %dma_start3A_170 = arith.constant 0 : i32
      %dma_start3A_171 = tpu.memref_slice %arg4[%add3A_162, %dma_start3A_170] : memref<589824x128xf32, #tpu.memory_space<hbm>> -> memref<128x128xf32, #tpu.memory_space<hbm>>
      %dma_start3A_172 = arith.constant 0 : i32
      %dma_start3A_173 = arith.constant 0 : i32
      %dma_start3A_174 = tpu.memref_slice %arg6[%dma_start3A_163, %dma_start3A_172, %dma_start3A_173] : memref<4x128x128xf32, #tpu.memory_space<vmem>> -> memref<1x128x128xf32, #tpu.memory_space<vmem>>
      %dma_start3A_175 = tpu.memref_squeeze %dma_start3A_174 : memref<1x128x128xf32, #tpu.memory_space<vmem>> -> memref<128x128xf32, #tpu.memory_space<vmem>>
      tpu.enqueue_dma source(%dma_start3A_175 : memref<128x128xf32, #tpu.memory_space<vmem>>) target(%dma_start3A_171 : memref<128x128xf32, #tpu.memory_space<hbm>>) target_semaphore(%arg13 : memref<!tpu.dma_semaphore, #tpu.memory_space<semaphore_mem>>)
      %dma_wait3A_176 = arith.constant 142 : i32
      %dma_wait3A_177 = arith.constant 2 : i32
      %dma_wait3A_178 = arith.constant 0 : i32
      %dma_wait3A_179 = arith.constant 0 : i32
      %dma_wait3A_180 = tpu.memref_slice %arg6[%dma_wait3A_177, %dma_wait3A_178, %dma_wait3A_179] : memref<4x128x128xf32, #tpu.memory_space<vmem>> -> memref<1x128x128xf32, #tpu.memory_space<vmem>>
      %dma_wait3A_181 = tpu.memref_squeeze %dma_wait3A_180 : memref<1x128x128xf32, #tpu.memory_space<vmem>> -> memref<128x128xf32, #tpu.memory_space<vmem>>
      %dma_wait3A_182 = arith.constant 0 : i32
      %dma_wait3A_183 = tpu.memref_slice %arg5[%dma_wait3A_176, %dma_wait3A_182] : memref<144x128xi32, #tpu.memory_space<vmem>> -> memref<1x128xi32, #tpu.memory_space<vmem>>
      %dma_wait3A_184 = tpu.memref_squeeze %dma_wait3A_183 : memref<1x128xi32, #tpu.memory_space<vmem>> -> memref<128xi32, #tpu.memory_space<vmem>>
      %dma_wait3A_185 = arith.constant 0 : i32
      %dma_wait3A_186 = arith.constant 0 : i32
      %dma_wait3A_187 = tpu.memref_slice %arg8[%dma_wait3A_185, %dma_wait3A_186] : memref<257x128xf32, #tpu.memory_space<vmem_shared>> -> memref<257x128xf32, #tpu.memory_space<vmem_shared>>
      tpu.wait_indirect_dma semaphore(%arg12 : memref<!tpu.dma_semaphore, #tpu.memory_space<semaphore_mem>>) src(%dma_wait3A_187 : memref<257x128xf32, #tpu.memory_space<vmem_shared>>) dst(%dma_wait3A_181 : memref<128x128xf32, #tpu.memory_space<vmem>>)
      %add3A_188 = arith.constant 18176 : i32
      %add3A_189 = arith.addi %mul3A_2, %add3A_188 : i32
      %dma_start3A_190 = arith.constant 2 : i32
      %dma_start3A_191 = arith.constant 0 : i32
      %dma_start3A_192 = arith.constant 0 : i32
      %dma_start3A_193 = tpu.memref_slice %arg6[%dma_start3A_190, %dma_start3A_191, %dma_start3A_192] : memref<4x128x128xf32, #tpu.memory_space<vmem>> -> memref<1x128x128xf32, #tpu.memory_space<vmem>>
      %dma_start3A_194 = tpu.memref_squeeze %dma_start3A_193 : memref<1x128x128xf32, #tpu.memory_space<vmem>> -> memref<128x128xf32, #tpu.memory_space<vmem>>
      %dma_start3A_195 = arith.constant 0 : i32
      %dma_start3A_196 = tpu.memref_slice %arg4[%add3A_189, %dma_start3A_195] : memref<589824x128xf32, #tpu.memory_space<hbm>> -> memref<128x128xf32, #tpu.memory_space<hbm>>
      %dma_start3A_197 = arith.constant 0 : i32
      %dma_start3A_198 = tpu.memref_slice %arg4[%add3A_189, %dma_start3A_197] : memref<589824x128xf32, #tpu.memory_space<hbm>> -> memref<128x128xf32, #tpu.memory_space<hbm>>
      %dma_start3A_199 = arith.constant 0 : i32
      %dma_start3A_200 = arith.constant 0 : i32
      %dma_start3A_201 = tpu.memref_slice %arg6[%dma_start3A_190, %dma_start3A_199, %dma_start3A_200] : memref<4x128x128xf32, #tpu.memory_space<vmem>> -> memref<1x128x128xf32, #tpu.memory_space<vmem>>
      %dma_start3A_202 = tpu.memref_squeeze %dma_start3A_201 : memref<1x128x128xf32, #tpu.memory_space<vmem>> -> memref<128x128xf32, #tpu.memory_space<vmem>>
      tpu.enqueue_dma source(%dma_start3A_202 : memref<128x128xf32, #tpu.memory_space<vmem>>) target(%dma_start3A_198 : memref<128x128xf32, #tpu.memory_space<hbm>>) target_semaphore(%arg13 : memref<!tpu.dma_semaphore, #tpu.memory_space<semaphore_mem>>)
      %dma_wait3A_203 = arith.constant 143 : i32
      %dma_wait3A_204 = arith.constant 3 : i32
      %dma_wait3A_205 = arith.constant 0 : i32
      %dma_wait3A_206 = arith.constant 0 : i32
      %dma_wait3A_207 = tpu.memref_slice %arg6[%dma_wait3A_204, %dma_wait3A_205, %dma_wait3A_206] : memref<4x128x128xf32, #tpu.memory_space<vmem>> -> memref<1x128x128xf32, #tpu.memory_space<vmem>>
      %dma_wait3A_208 = tpu.memref_squeeze %dma_wait3A_207 : memref<1x128x128xf32, #tpu.memory_space<vmem>> -> memref<128x128xf32, #tpu.memory_space<vmem>>
      %dma_wait3A_209 = arith.constant 0 : i32
      %dma_wait3A_210 = tpu.memref_slice %arg5[%dma_wait3A_203, %dma_wait3A_209] : memref<144x128xi32, #tpu.memory_space<vmem>> -> memref<1x128xi32, #tpu.memory_space<vmem>>
      %dma_wait3A_211 = tpu.memref_squeeze %dma_wait3A_210 : memref<1x128xi32, #tpu.memory_space<vmem>> -> memref<128xi32, #tpu.memory_space<vmem>>
      %dma_wait3A_212 = arith.constant 0 : i32
      %dma_wait3A_213 = arith.constant 0 : i32
      %dma_wait3A_214 = tpu.memref_slice %arg8[%dma_wait3A_212, %dma_wait3A_213] : memref<257x128xf32, #tpu.memory_space<vmem_shared>> -> memref<257x128xf32, #tpu.memory_space<vmem_shared>>
      tpu.wait_indirect_dma semaphore(%arg12 : memref<!tpu.dma_semaphore, #tpu.memory_space<semaphore_mem>>) src(%dma_wait3A_214 : memref<257x128xf32, #tpu.memory_space<vmem_shared>>) dst(%dma_wait3A_208 : memref<128x128xf32, #tpu.memory_space<vmem>>)
      %add3A_215 = arith.constant 18304 : i32
      %add3A_216 = arith.addi %mul3A_2, %add3A_215 : i32
      %dma_start3A_217 = arith.constant 3 : i32
      %dma_start3A_218 = arith.constant 0 : i32
      %dma_start3A_219 = arith.constant 0 : i32
      %dma_start3A_220 = tpu.memref_slice %arg6[%dma_start3A_217, %dma_start3A_218, %dma_start3A_219] : memref<4x128x128xf32, #tpu.memory_space<vmem>> -> memref<1x128x128xf32, #tpu.memory_space<vmem>>
      %dma_start3A_221 = tpu.memref_squeeze %dma_start3A_220 : memref<1x128x128xf32, #tpu.memory_space<vmem>> -> memref<128x128xf32, #tpu.memory_space<vmem>>
      %dma_start3A_222 = arith.constant 0 : i32
      %dma_start3A_223 = tpu.memref_slice %arg4[%add3A_216, %dma_start3A_222] : memref<589824x128xf32, #tpu.memory_space<hbm>> -> memref<128x128xf32, #tpu.memory_space<hbm>>
      %dma_start3A_224 = arith.constant 0 : i32
      %dma_start3A_225 = tpu.memref_slice %arg4[%add3A_216, %dma_start3A_224] : memref<589824x128xf32, #tpu.memory_space<hbm>> -> memref<128x128xf32, #tpu.memory_space<hbm>>
      %dma_start3A_226 = arith.constant 0 : i32
      %dma_start3A_227 = arith.constant 0 : i32
      %dma_start3A_228 = tpu.memref_slice %arg6[%dma_start3A_217, %dma_start3A_226, %dma_start3A_227] : memref<4x128x128xf32, #tpu.memory_space<vmem>> -> memref<1x128x128xf32, #tpu.memory_space<vmem>>
      %dma_start3A_229 = tpu.memref_squeeze %dma_start3A_228 : memref<1x128x128xf32, #tpu.memory_space<vmem>> -> memref<128x128xf32, #tpu.memory_space<vmem>>
      tpu.enqueue_dma source(%dma_start3A_229 : memref<128x128xf32, #tpu.memory_space<vmem>>) target(%dma_start3A_225 : memref<128x128xf32, #tpu.memory_space<hbm>>) target_semaphore(%arg13 : memref<!tpu.dma_semaphore, #tpu.memory_space<semaphore_mem>>)
      %add3A_230 = arith.constant 17920 : i32
      %add3A_231 = arith.addi %mul3A_2, %add3A_230 : i32
      %dma_wait3A_232 = arith.constant 0 : i32
      %dma_wait3A_233 = arith.constant 0 : i32
      %dma_wait3A_234 = arith.constant 0 : i32
      %dma_wait3A_235 = tpu.memref_slice %arg6[%dma_wait3A_232, %dma_wait3A_233, %dma_wait3A_234] : memref<4x128x128xf32, #tpu.memory_space<vmem>> -> memref<1x128x128xf32, #tpu.memory_space<vmem>>
      %dma_wait3A_236 = tpu.memref_squeeze %dma_wait3A_235 : memref<1x128x128xf32, #tpu.memory_space<vmem>> -> memref<128x128xf32, #tpu.memory_space<vmem>>
      %dma_wait3A_237 = arith.constant 0 : i32
      %dma_wait3A_238 = tpu.memref_slice %arg4[%add3A_231, %dma_wait3A_237] : memref<589824x128xf32, #tpu.memory_space<hbm>> -> memref<128x128xf32, #tpu.memory_space<hbm>>
      %dma_wait3A_239 = arith.constant 0 : i32
      %dma_wait3A_240 = tpu.memref_slice %arg4[%add3A_231, %dma_wait3A_239] : memref<589824x128xf32, #tpu.memory_space<hbm>> -> memref<128x128xf32, #tpu.memory_space<hbm>>
      %dma_wait3A_241 = arith.constant 0 : i32
      %dma_wait3A_242 = arith.constant 0 : i32
      %dma_wait3A_243 = tpu.memref_slice %arg6[%dma_wait3A_232, %dma_wait3A_241, %dma_wait3A_242] : memref<4x128x128xf32, #tpu.memory_space<vmem>> -> memref<1x128x128xf32, #tpu.memory_space<vmem>>
      %dma_wait3A_244 = tpu.memref_squeeze %dma_wait3A_243 : memref<1x128x128xf32, #tpu.memory_space<vmem>> -> memref<128x128xf32, #tpu.memory_space<vmem>>
      tpu.wait_dma2 semaphore(%arg13 : memref<!tpu.dma_semaphore, #tpu.memory_space<semaphore_mem>>) src(%dma_wait3A_244 : memref<128x128xf32, #tpu.memory_space<vmem>>) dst(%dma_wait3A_240 : memref<128x128xf32, #tpu.memory_space<hbm>>)
      %add3A_245 = arith.constant 18048 : i32
      %add3A_246 = arith.addi %mul3A_2, %add3A_245 : i32
      %dma_wait3A_247 = arith.constant 1 : i32
      %dma_wait3A_248 = arith.constant 0 : i32
      %dma_wait3A_249 = arith.constant 0 : i32
      %dma_wait3A_250 = tpu.memref_slice %arg6[%dma_wait3A_247, %dma_wait3A_248, %dma_wait3A_249] : memref<4x128x128xf32, #tpu.memory_space<vmem>> -> memref<1x128x128xf32, #tpu.memory_space<vmem>>
      %dma_wait3A_251 = tpu.memref_squeeze %dma_wait3A_250 : memref<1x128x128xf32, #tpu.memory_space<vmem>> -> memref<128x128xf32, #tpu.memory_space<vmem>>
      %dma_wait3A_252 = arith.constant 0 : i32
      %dma_wait3A_253 = tpu.memref_slice %arg4[%add3A_246, %dma_wait3A_252] : memref<589824x128xf32, #tpu.memory_space<hbm>> -> memref<128x128xf32, #tpu.memory_space<hbm>>
      %dma_wait3A_254 = arith.constant 0 : i32
      %dma_wait3A_255 = tpu.memref_slice %arg4[%add3A_246, %dma_wait3A_254] : memref<589824x128xf32, #tpu.memory_space<hbm>> -> memref<128x128xf32, #tpu.memory_space<hbm>>
      %dma_wait3A_256 = arith.constant 0 : i32
      %dma_wait3A_257 = arith.constant 0 : i32
      %dma_wait3A_258 = tpu.memref_slice %arg6[%dma_wait3A_247, %dma_wait3A_256, %dma_wait3A_257] : memref<4x128x128xf32, #tpu.memory_space<vmem>> -> memref<1x128x128xf32, #tpu.memory_space<vmem>>
      %dma_wait3A_259 = tpu.memref_squeeze %dma_wait3A_258 : memref<1x128x128xf32, #tpu.memory_space<vmem>> -> memref<128x128xf32, #tpu.memory_space<vmem>>
      tpu.wait_dma2 semaphore(%arg13 : memref<!tpu.dma_semaphore, #tpu.memory_space<semaphore_mem>>) src(%dma_wait3A_259 : memref<128x128xf32, #tpu.memory_space<vmem>>) dst(%dma_wait3A_255 : memref<128x128xf32, #tpu.memory_space<hbm>>)
      %add3A_260 = arith.constant 18176 : i32
      %add3A_261 = arith.addi %mul3A_2, %add3A_260 : i32
      %dma_wait3A_262 = arith.constant 2 : i32
      %dma_wait3A_263 = arith.constant 0 : i32
      %dma_wait3A_264 = arith.constant 0 : i32
      %dma_wait3A_265 = tpu.memref_slice %arg6[%dma_wait3A_262, %dma_wait3A_263, %dma_wait3A_264] : memref<4x128x128xf32, #tpu.memory_space<vmem>> -> memref<1x128x128xf32, #tpu.memory_space<vmem>>
      %dma_wait3A_266 = tpu.memref_squeeze %dma_wait3A_265 : memref<1x128x128xf32, #tpu.memory_space<vmem>> -> memref<128x128xf32, #tpu.memory_space<vmem>>
      %dma_wait3A_267 = arith.constant 0 : i32
      %dma_wait3A_268 = tpu.memref_slice %arg4[%add3A_261, %dma_wait3A_267] : memref<589824x128xf32, #tpu.memory_space<hbm>> -> memref<128x128xf32, #tpu.memory_space<hbm>>
      %dma_wait3A_269 = arith.constant 0 : i32
      %dma_wait3A_270 = tpu.memref_slice %arg4[%add3A_261, %dma_wait3A_269] : memref<589824x128xf32, #tpu.memory_space<hbm>> -> memref<128x128xf32, #tpu.memory_space<hbm>>
      %dma_wait3A_271 = arith.constant 0 : i32
      %dma_wait3A_272 = arith.constant 0 : i32
      %dma_wait3A_273 = tpu.memref_slice %arg6[%dma_wait3A_262, %dma_wait3A_271, %dma_wait3A_272] : memref<4x128x128xf32, #tpu.memory_space<vmem>> -> memref<1x128x128xf32, #tpu.memory_space<vmem>>
      %dma_wait3A_274 = tpu.memref_squeeze %dma_wait3A_273 : memref<1x128x128xf32, #tpu.memory_space<vmem>> -> memref<128x128xf32, #tpu.memory_space<vmem>>
      tpu.wait_dma2 semaphore(%arg13 : memref<!tpu.dma_semaphore, #tpu.memory_space<semaphore_mem>>) src(%dma_wait3A_274 : memref<128x128xf32, #tpu.memory_space<vmem>>) dst(%dma_wait3A_270 : memref<128x128xf32, #tpu.memory_space<hbm>>)
      %add3A_275 = arith.constant 18304 : i32
      %add3A_276 = arith.addi %mul3A_2, %add3A_275 : i32
      %dma_wait3A_277 = arith.constant 3 : i32
      %dma_wait3A_278 = arith.constant 0 : i32
      %dma_wait3A_279 = arith.constant 0 : i32
      %dma_wait3A_280 = tpu.memref_slice %arg6[%dma_wait3A_277, %dma_wait3A_278, %dma_wait3A_279] : memref<4x128x128xf32, #tpu.memory_space<vmem>> -> memref<1x128x128xf32, #tpu.memory_space<vmem>>
      %dma_wait3A_281 = tpu.memref_squeeze %dma_wait3A_280 : memref<1x128x128xf32, #tpu.memory_space<vmem>> -> memref<128x128xf32, #tpu.memory_space<vmem>>
      %dma_wait3A_282 = arith.constant 0 : i32
      %dma_wait3A_283 = tpu.memref_slice %arg4[%add3A_276, %dma_wait3A_282] : memref<589824x128xf32, #tpu.memory_space<hbm>> -> memref<128x128xf32, #tpu.memory_space<hbm>>
      %dma_wait3A_284 = arith.constant 0 : i32
      %dma_wait3A_285 = tpu.memref_slice %arg4[%add3A_276, %dma_wait3A_284] : memref<589824x128xf32, #tpu.memory_space<hbm>> -> memref<128x128xf32, #tpu.memory_space<hbm>>
      %dma_wait3A_286 = arith.constant 0 : i32
      %dma_wait3A_287 = arith.constant 0 : i32
      %dma_wait3A_288 = tpu.memref_slice %arg6[%dma_wait3A_277, %dma_wait3A_286, %dma_wait3A_287] : memref<4x128x128xf32, #tpu.memory_space<vmem>> -> memref<1x128x128xf32, #tpu.memory_space<vmem>>
      %dma_wait3A_289 = tpu.memref_squeeze %dma_wait3A_288 : memref<1x128x128xf32, #tpu.memory_space<vmem>> -> memref<128x128xf32, #tpu.memory_space<vmem>>
      tpu.wait_dma2 semaphore(%arg13 : memref<!tpu.dma_semaphore, #tpu.memory_space<semaphore_mem>>) src(%dma_wait3A_289 : memref<128x128xf32, #tpu.memory_space<vmem>>) dst(%dma_wait3A_285 : memref<128x128xf32, #tpu.memory_space<hbm>>)
    } else {
    }
    %eq3A_55 = arith.constant 1 : i32
    %eq3A_56 = arith.cmpi eq, %select_n3A, %eq3A_55 : i32
    %convert_element_type3A_57 = arith.extui %eq3A_56 : i1 to i32
    %cond3A_58 = arith.constant 0 : i32
    %cond3A_59 = arith.cmpi ne, %convert_element_type3A_57, %cond3A_58 : i32
    scf.if %cond3A_59 {
      %dma_start3A_70 = arith.constant 0 : i32
      %dma_start3A_71 = arith.constant 0 : i32
      %dma_start3A_72 = arith.constant 0 : i32
      %dma_start3A_73 = arith.constant 0 : i32
      %dma_start3A_74 = tpu.memref_slice %arg6[%dma_start3A_71, %dma_start3A_72, %dma_start3A_73] : memref<4x128x128xf32, #tpu.memory_space<vmem>> -> memref<1x128x128xf32, #tpu.memory_space<vmem>>
      %dma_start3A_75 = tpu.memref_squeeze %dma_start3A_74 : memref<1x128x128xf32, #tpu.memory_space<vmem>> -> memref<128x128xf32, #tpu.memory_space<vmem>>
      %dma_start3A_76 = arith.constant 0 : i32
      %dma_start3A_77 = tpu.memref_slice %arg5[%dma_start3A_70, %dma_start3A_76] : memref<144x128xi32, #tpu.memory_space<vmem>> -> memref<1x128xi32, #tpu.memory_space<vmem>>
      %dma_start3A_78 = tpu.memref_squeeze %dma_start3A_77 : memref<1x128xi32, #tpu.memory_space<vmem>> -> memref<128xi32, #tpu.memory_space<vmem>>
      %dma_start3A_79 = arith.constant 0 : i32
      %dma_start3A_80 = arith.constant 0 : i32
      %dma_start3A_81 = tpu.memref_slice %arg9[%dma_start3A_79, %dma_start3A_80] : memref<257x128xf32, #tpu.memory_space<vmem_shared>> -> memref<257x128xf32, #tpu.memory_space<vmem_shared>>
      tpu.enqueue_indirect_dma source(%dma_start3A_81 : memref<257x128xf32, #tpu.memory_space<vmem_shared>>) target(%dma_start3A_75 : memref<128x128xf32, #tpu.memory_space<vmem>>) offsets(%dma_start3A_78 : memref<128xi32, #tpu.memory_space<vmem>>) semaphore(%arg12 : memref<!tpu.dma_semaphore, #tpu.memory_space<semaphore_mem>>)
      %dma_start3A_82 = arith.constant 1 : i32
      %dma_start3A_83 = arith.constant 1 : i32
      %dma_start3A_84 = arith.constant 0 : i32
      %dma_start3A_85 = arith.constant 0 : i32
      %dma_start3A_86 = tpu.memref_slice %arg6[%dma_start3A_83, %dma_start3A_84, %dma_start3A_85] : memref<4x128x128xf32, #tpu.memory_space<vmem>> -> memref<1x128x128xf32, #tpu.memory_space<vmem>>
      %dma_start3A_87 = tpu.memref_squeeze %dma_start3A_86 : memref<1x128x128xf32, #tpu.memory_space<vmem>> -> memref<128x128xf32, #tpu.memory_space<vmem>>
      %dma_start3A_88 = arith.constant 0 : i32
      %dma_start3A_89 = tpu.memref_slice %arg5[%dma_start3A_82, %dma_start3A_88] : memref<144x128xi32, #tpu.memory_space<vmem>> -> memref<1x128xi32, #tpu.memory_space<vmem>>
      %dma_start3A_90 = tpu.memref_squeeze %dma_start3A_89 : memref<1x128xi32, #tpu.memory_space<vmem>> -> memref<128xi32, #tpu.memory_space<vmem>>
      %dma_start3A_91 = arith.constant 0 : i32
      %dma_start3A_92 = arith.constant 0 : i32
      %dma_start3A_93 = tpu.memref_slice %arg9[%dma_start3A_91, %dma_start3A_92] : memref<257x128xf32, #tpu.memory_space<vmem_shared>> -> memref<257x128xf32, #tpu.memory_space<vmem_shared>>
      tpu.enqueue_indirect_dma source(%dma_start3A_93 : memref<257x128xf32, #tpu.memory_space<vmem_shared>>) target(%dma_start3A_87 : memref<128x128xf32, #tpu.memory_space<vmem>>) offsets(%dma_start3A_90 : memref<128xi32, #tpu.memory_space<vmem>>) semaphore(%arg12 : memref<!tpu.dma_semaphore, #tpu.memory_space<semaphore_mem>>)
      %dma_start3A_94 = arith.constant 2 : i32
      %dma_start3A_95 = arith.constant 2 : i32
      %dma_start3A_96 = arith.constant 0 : i32
      %dma_start3A_97 = arith.constant 0 : i32
      %dma_start3A_98 = tpu.memref_slice %arg6[%dma_start3A_95, %dma_start3A_96, %dma_start3A_97] : memref<4x128x128xf32, #tpu.memory_space<vmem>> -> memref<1x128x128xf32, #tpu.memory_space<vmem>>
      %dma_start3A_99 = tpu.memref_squeeze %dma_start3A_98 : memref<1x128x128xf32, #tpu.memory_space<vmem>> -> memref<128x128xf32, #tpu.memory_space<vmem>>
      %dma_start3A_100 = arith.constant 0 : i32
      %dma_start3A_101 = tpu.memref_slice %arg5[%dma_start3A_94, %dma_start3A_100] : memref<144x128xi32, #tpu.memory_space<vmem>> -> memref<1x128xi32, #tpu.memory_space<vmem>>
      %dma_start3A_102 = tpu.memref_squeeze %dma_start3A_101 : memref<1x128xi32, #tpu.memory_space<vmem>> -> memref<128xi32, #tpu.memory_space<vmem>>
      %dma_start3A_103 = arith.constant 0 : i32
      %dma_start3A_104 = arith.constant 0 : i32
      %dma_start3A_105 = tpu.memref_slice %arg9[%dma_start3A_103, %dma_start3A_104] : memref<257x128xf32, #tpu.memory_space<vmem_shared>> -> memref<257x128xf32, #tpu.memory_space<vmem_shared>>
      tpu.enqueue_indirect_dma source(%dma_start3A_105 : memref<257x128xf32, #tpu.memory_space<vmem_shared>>) target(%dma_start3A_99 : memref<128x128xf32, #tpu.memory_space<vmem>>) offsets(%dma_start3A_102 : memref<128xi32, #tpu.memory_space<vmem>>) semaphore(%arg12 : memref<!tpu.dma_semaphore, #tpu.memory_space<semaphore_mem>>)
      %dma_start3A_106 = arith.constant 3 : i32
      %dma_start3A_107 = arith.constant 3 : i32
      %dma_start3A_108 = arith.constant 0 : i32
      %dma_start3A_109 = arith.constant 0 : i32
      %dma_start3A_110 = tpu.memref_slice %arg6[%dma_start3A_107, %dma_start3A_108, %dma_start3A_109] : memref<4x128x128xf32, #tpu.memory_space<vmem>> -> memref<1x128x128xf32, #tpu.memory_space<vmem>>
      %dma_start3A_111 = tpu.memref_squeeze %dma_start3A_110 : memref<1x128x128xf32, #tpu.memory_space<vmem>> -> memref<128x128xf32, #tpu.memory_space<vmem>>
      %dma_start3A_112 = arith.constant 0 : i32
      %dma_start3A_113 = tpu.memref_slice %arg5[%dma_start3A_106, %dma_start3A_112] : memref<144x128xi32, #tpu.memory_space<vmem>> -> memref<1x128xi32, #tpu.memory_space<vmem>>
      %dma_start3A_114 = tpu.memref_squeeze %dma_start3A_113 : memref<1x128xi32, #tpu.memory_space<vmem>> -> memref<128xi32, #tpu.memory_space<vmem>>
      %dma_start3A_115 = arith.constant 0 : i32
      %dma_start3A_116 = arith.constant 0 : i32
      %dma_start3A_117 = tpu.memref_slice %arg9[%dma_start3A_115, %dma_start3A_116] : memref<257x128xf32, #tpu.memory_space<vmem_shared>> -> memref<257x128xf32, #tpu.memory_space<vmem_shared>>
      tpu.enqueue_indirect_dma source(%dma_start3A_117 : memref<257x128xf32, #tpu.memory_space<vmem_shared>>) target(%dma_start3A_111 : memref<128x128xf32, #tpu.memory_space<vmem>>) offsets(%dma_start3A_114 : memref<128xi32, #tpu.memory_space<vmem>>) semaphore(%arg12 : memref<!tpu.dma_semaphore, #tpu.memory_space<semaphore_mem>>)
      %scan3A = arith.constant 0 : i32
      %scan3A_118 = arith.constant 35 : i32
      %scan3A_119 = arith.addi %scan3A, %scan3A_118 : i32
      %scan3A_120 = arith.constant 1 : i32
      scf.for %scan3A_290 = %scan3A to %scan3A_119 step %scan3A_120  : i32 {
        %mul3A_291 = arith.constant 1 : i32
        %mul3A_292 = arith.muli %scan3A_290, %mul3A_291 : i32
        %add3A_293 = arith.constant 0 : i32
        %add3A_294 = arith.addi %add3A_293, %mul3A_292 : i32
        %mul3A_295 = arith.constant 4 : i32
        %mul3A_296 = arith.muli %add3A_294, %mul3A_295 : i32
        %add3A_297 = arith.constant 0 : i32
        %add3A_298 = arith.addi %mul3A_296, %add3A_297 : i32
        %mul3A_299 = arith.constant 1 : i32
        %mul3A_300 = arith.muli %add3A_298, %mul3A_299 : i32
        %add3A_301 = arith.constant 0 : i32
        %add3A_302 = arith.addi %mul3A_300, %add3A_301 : i32
        %dma_wait3A_303 = arith.constant 0 : i32
        %dma_wait3A_304 = arith.constant 0 : i32
        %dma_wait3A_305 = arith.constant 0 : i32
        %dma_wait3A_306 = tpu.memref_slice %arg6[%dma_wait3A_303, %dma_wait3A_304, %dma_wait3A_305] : memref<4x128x128xf32, #tpu.memory_space<vmem>> -> memref<1x128x128xf32, #tpu.memory_space<vmem>>
        %dma_wait3A_307 = tpu.memref_squeeze %dma_wait3A_306 : memref<1x128x128xf32, #tpu.memory_space<vmem>> -> memref<128x128xf32, #tpu.memory_space<vmem>>
        %dma_wait3A_308 = arith.constant 0 : i32
        %dma_wait3A_309 = tpu.memref_slice %arg5[%add3A_302, %dma_wait3A_308] : memref<144x128xi32, #tpu.memory_space<vmem>> -> memref<1x128xi32, #tpu.memory_space<vmem>>
        %dma_wait3A_310 = tpu.memref_squeeze %dma_wait3A_309 : memref<1x128xi32, #tpu.memory_space<vmem>> -> memref<128xi32, #tpu.memory_space<vmem>>
        %dma_wait3A_311 = arith.constant 0 : i32
        %dma_wait3A_312 = arith.constant 0 : i32
        %dma_wait3A_313 = tpu.memref_slice %arg9[%dma_wait3A_311, %dma_wait3A_312] : memref<257x128xf32, #tpu.memory_space<vmem_shared>> -> memref<257x128xf32, #tpu.memory_space<vmem_shared>>
        tpu.wait_indirect_dma semaphore(%arg12 : memref<!tpu.dma_semaphore, #tpu.memory_space<semaphore_mem>>) src(%dma_wait3A_313 : memref<257x128xf32, #tpu.memory_space<vmem_shared>>) dst(%dma_wait3A_307 : memref<128x128xf32, #tpu.memory_space<vmem>>)
        %add3A_314 = arith.constant 0 : i32
        %add3A_315 = arith.addi %mul3A_296, %add3A_314 : i32
        %mul3A_316 = arith.constant 128 : i32
        %mul3A_317 = arith.muli %add3A_315, %mul3A_316 : i32
        %add3A_318 = arith.addi %mul3A_2, %mul3A_317 : i32
        %dma_start3A_319 = arith.constant 0 : i32
        %dma_start3A_320 = arith.constant 0 : i32
        %dma_start3A_321 = arith.constant 0 : i32
        %dma_start3A_322 = tpu.memref_slice %arg6[%dma_start3A_319, %dma_start3A_320, %dma_start3A_321] : memref<4x128x128xf32, #tpu.memory_space<vmem>> -> memref<1x128x128xf32, #tpu.memory_space<vmem>>
        %dma_start3A_323 = tpu.memref_squeeze %dma_start3A_322 : memref<1x128x128xf32, #tpu.memory_space<vmem>> -> memref<128x128xf32, #tpu.memory_space<vmem>>
        %dma_start3A_324 = arith.constant 0 : i32
        %dma_start3A_325 = tpu.memref_slice %arg4[%add3A_318, %dma_start3A_324] : memref<589824x128xf32, #tpu.memory_space<hbm>> -> memref<128x128xf32, #tpu.memory_space<hbm>>
        %dma_start3A_326 = arith.constant 0 : i32
        %dma_start3A_327 = tpu.memref_slice %arg4[%add3A_318, %dma_start3A_326] : memref<589824x128xf32, #tpu.memory_space<hbm>> -> memref<128x128xf32, #tpu.memory_space<hbm>>
        %dma_start3A_328 = arith.constant 0 : i32
        %dma_start3A_329 = arith.constant 0 : i32
        %dma_start3A_330 = tpu.memref_slice %arg6[%dma_start3A_319, %dma_start3A_328, %dma_start3A_329] : memref<4x128x128xf32, #tpu.memory_space<vmem>> -> memref<1x128x128xf32, #tpu.memory_space<vmem>>
        %dma_start3A_331 = tpu.memref_squeeze %dma_start3A_330 : memref<1x128x128xf32, #tpu.memory_space<vmem>> -> memref<128x128xf32, #tpu.memory_space<vmem>>
        tpu.enqueue_dma source(%dma_start3A_331 : memref<128x128xf32, #tpu.memory_space<vmem>>) target(%dma_start3A_327 : memref<128x128xf32, #tpu.memory_space<hbm>>) target_semaphore(%arg13 : memref<!tpu.dma_semaphore, #tpu.memory_space<semaphore_mem>>)
        %add3A_332 = arith.constant 1 : i32
        %add3A_333 = arith.addi %mul3A_296, %add3A_332 : i32
        %mul3A_334 = arith.constant 1 : i32
        %mul3A_335 = arith.muli %add3A_333, %mul3A_334 : i32
        %add3A_336 = arith.constant 0 : i32
        %add3A_337 = arith.addi %mul3A_335, %add3A_336 : i32
        %dma_wait3A_338 = arith.constant 1 : i32
        %dma_wait3A_339 = arith.constant 0 : i32
        %dma_wait3A_340 = arith.constant 0 : i32
        %dma_wait3A_341 = tpu.memref_slice %arg6[%dma_wait3A_338, %dma_wait3A_339, %dma_wait3A_340] : memref<4x128x128xf32, #tpu.memory_space<vmem>> -> memref<1x128x128xf32, #tpu.memory_space<vmem>>
        %dma_wait3A_342 = tpu.memref_squeeze %dma_wait3A_341 : memref<1x128x128xf32, #tpu.memory_space<vmem>> -> memref<128x128xf32, #tpu.memory_space<vmem>>
        %dma_wait3A_343 = arith.constant 0 : i32
        %dma_wait3A_344 = tpu.memref_slice %arg5[%add3A_337, %dma_wait3A_343] : memref<144x128xi32, #tpu.memory_space<vmem>> -> memref<1x128xi32, #tpu.memory_space<vmem>>
        %dma_wait3A_345 = tpu.memref_squeeze %dma_wait3A_344 : memref<1x128xi32, #tpu.memory_space<vmem>> -> memref<128xi32, #tpu.memory_space<vmem>>
        %dma_wait3A_346 = arith.constant 0 : i32
        %dma_wait3A_347 = arith.constant 0 : i32
        %dma_wait3A_348 = tpu.memref_slice %arg9[%dma_wait3A_346, %dma_wait3A_347] : memref<257x128xf32, #tpu.memory_space<vmem_shared>> -> memref<257x128xf32, #tpu.memory_space<vmem_shared>>
        tpu.wait_indirect_dma semaphore(%arg12 : memref<!tpu.dma_semaphore, #tpu.memory_space<semaphore_mem>>) src(%dma_wait3A_348 : memref<257x128xf32, #tpu.memory_space<vmem_shared>>) dst(%dma_wait3A_342 : memref<128x128xf32, #tpu.memory_space<vmem>>)
        %add3A_349 = arith.constant 1 : i32
        %add3A_350 = arith.addi %mul3A_296, %add3A_349 : i32
        %mul3A_351 = arith.constant 128 : i32
        %mul3A_352 = arith.muli %add3A_350, %mul3A_351 : i32
        %add3A_353 = arith.addi %mul3A_2, %mul3A_352 : i32
        %dma_start3A_354 = arith.constant 1 : i32
        %dma_start3A_355 = arith.constant 0 : i32
        %dma_start3A_356 = arith.constant 0 : i32
        %dma_start3A_357 = tpu.memref_slice %arg6[%dma_start3A_354, %dma_start3A_355, %dma_start3A_356] : memref<4x128x128xf32, #tpu.memory_space<vmem>> -> memref<1x128x128xf32, #tpu.memory_space<vmem>>
        %dma_start3A_358 = tpu.memref_squeeze %dma_start3A_357 : memref<1x128x128xf32, #tpu.memory_space<vmem>> -> memref<128x128xf32, #tpu.memory_space<vmem>>
        %dma_start3A_359 = arith.constant 0 : i32
        %dma_start3A_360 = tpu.memref_slice %arg4[%add3A_353, %dma_start3A_359] : memref<589824x128xf32, #tpu.memory_space<hbm>> -> memref<128x128xf32, #tpu.memory_space<hbm>>
        %dma_start3A_361 = arith.constant 0 : i32
        %dma_start3A_362 = tpu.memref_slice %arg4[%add3A_353, %dma_start3A_361] : memref<589824x128xf32, #tpu.memory_space<hbm>> -> memref<128x128xf32, #tpu.memory_space<hbm>>
        %dma_start3A_363 = arith.constant 0 : i32
        %dma_start3A_364 = arith.constant 0 : i32
        %dma_start3A_365 = tpu.memref_slice %arg6[%dma_start3A_354, %dma_start3A_363, %dma_start3A_364] : memref<4x128x128xf32, #tpu.memory_space<vmem>> -> memref<1x128x128xf32, #tpu.memory_space<vmem>>
        %dma_start3A_366 = tpu.memref_squeeze %dma_start3A_365 : memref<1x128x128xf32, #tpu.memory_space<vmem>> -> memref<128x128xf32, #tpu.memory_space<vmem>>
        tpu.enqueue_dma source(%dma_start3A_366 : memref<128x128xf32, #tpu.memory_space<vmem>>) target(%dma_start3A_362 : memref<128x128xf32, #tpu.memory_space<hbm>>) target_semaphore(%arg13 : memref<!tpu.dma_semaphore, #tpu.memory_space<semaphore_mem>>)
        %add3A_367 = arith.constant 2 : i32
        %add3A_368 = arith.addi %mul3A_296, %add3A_367 : i32
        %mul3A_369 = arith.constant 1 : i32
        %mul3A_370 = arith.muli %add3A_368, %mul3A_369 : i32
        %add3A_371 = arith.constant 0 : i32
        %add3A_372 = arith.addi %mul3A_370, %add3A_371 : i32
        %dma_wait3A_373 = arith.constant 2 : i32
        %dma_wait3A_374 = arith.constant 0 : i32
        %dma_wait3A_375 = arith.constant 0 : i32
        %dma_wait3A_376 = tpu.memref_slice %arg6[%dma_wait3A_373, %dma_wait3A_374, %dma_wait3A_375] : memref<4x128x128xf32, #tpu.memory_space<vmem>> -> memref<1x128x128xf32, #tpu.memory_space<vmem>>
        %dma_wait3A_377 = tpu.memref_squeeze %dma_wait3A_376 : memref<1x128x128xf32, #tpu.memory_space<vmem>> -> memref<128x128xf32, #tpu.memory_space<vmem>>
        %dma_wait3A_378 = arith.constant 0 : i32
        %dma_wait3A_379 = tpu.memref_slice %arg5[%add3A_372, %dma_wait3A_378] : memref<144x128xi32, #tpu.memory_space<vmem>> -> memref<1x128xi32, #tpu.memory_space<vmem>>
        %dma_wait3A_380 = tpu.memref_squeeze %dma_wait3A_379 : memref<1x128xi32, #tpu.memory_space<vmem>> -> memref<128xi32, #tpu.memory_space<vmem>>
        %dma_wait3A_381 = arith.constant 0 : i32
        %dma_wait3A_382 = arith.constant 0 : i32
        %dma_wait3A_383 = tpu.memref_slice %arg9[%dma_wait3A_381, %dma_wait3A_382] : memref<257x128xf32, #tpu.memory_space<vmem_shared>> -> memref<257x128xf32, #tpu.memory_space<vmem_shared>>
        tpu.wait_indirect_dma semaphore(%arg12 : memref<!tpu.dma_semaphore, #tpu.memory_space<semaphore_mem>>) src(%dma_wait3A_383 : memref<257x128xf32, #tpu.memory_space<vmem_shared>>) dst(%dma_wait3A_377 : memref<128x128xf32, #tpu.memory_space<vmem>>)
        %add3A_384 = arith.constant 2 : i32
        %add3A_385 = arith.addi %mul3A_296, %add3A_384 : i32
        %mul3A_386 = arith.constant 128 : i32
        %mul3A_387 = arith.muli %add3A_385, %mul3A_386 : i32
        %add3A_388 = arith.addi %mul3A_2, %mul3A_387 : i32
        %dma_start3A_389 = arith.constant 2 : i32
        %dma_start3A_390 = arith.constant 0 : i32
        %dma_start3A_391 = arith.constant 0 : i32
        %dma_start3A_392 = tpu.memref_slice %arg6[%dma_start3A_389, %dma_start3A_390, %dma_start3A_391] : memref<4x128x128xf32, #tpu.memory_space<vmem>> -> memref<1x128x128xf32, #tpu.memory_space<vmem>>
        %dma_start3A_393 = tpu.memref_squeeze %dma_start3A_392 : memref<1x128x128xf32, #tpu.memory_space<vmem>> -> memref<128x128xf32, #tpu.memory_space<vmem>>
        %dma_start3A_394 = arith.constant 0 : i32
        %dma_start3A_395 = tpu.memref_slice %arg4[%add3A_388, %dma_start3A_394] : memref<589824x128xf32, #tpu.memory_space<hbm>> -> memref<128x128xf32, #tpu.memory_space<hbm>>
        %dma_start3A_396 = arith.constant 0 : i32
        %dma_start3A_397 = tpu.memref_slice %arg4[%add3A_388, %dma_start3A_396] : memref<589824x128xf32, #tpu.memory_space<hbm>> -> memref<128x128xf32, #tpu.memory_space<hbm>>
        %dma_start3A_398 = arith.constant 0 : i32
        %dma_start3A_399 = arith.constant 0 : i32
        %dma_start3A_400 = tpu.memref_slice %arg6[%dma_start3A_389, %dma_start3A_398, %dma_start3A_399] : memref<4x128x128xf32, #tpu.memory_space<vmem>> -> memref<1x128x128xf32, #tpu.memory_space<vmem>>
        %dma_start3A_401 = tpu.memref_squeeze %dma_start3A_400 : memref<1x128x128xf32, #tpu.memory_space<vmem>> -> memref<128x128xf32, #tpu.memory_space<vmem>>
        tpu.enqueue_dma source(%dma_start3A_401 : memref<128x128xf32, #tpu.memory_space<vmem>>) target(%dma_start3A_397 : memref<128x128xf32, #tpu.memory_space<hbm>>) target_semaphore(%arg13 : memref<!tpu.dma_semaphore, #tpu.memory_space<semaphore_mem>>)
        %add3A_402 = arith.constant 3 : i32
        %add3A_403 = arith.addi %mul3A_296, %add3A_402 : i32
        %mul3A_404 = arith.constant 1 : i32
        %mul3A_405 = arith.muli %add3A_403, %mul3A_404 : i32
        %add3A_406 = arith.constant 0 : i32
        %add3A_407 = arith.addi %mul3A_405, %add3A_406 : i32
        %dma_wait3A_408 = arith.constant 3 : i32
        %dma_wait3A_409 = arith.constant 0 : i32
        %dma_wait3A_410 = arith.constant 0 : i32
        %dma_wait3A_411 = tpu.memref_slice %arg6[%dma_wait3A_408, %dma_wait3A_409, %dma_wait3A_410] : memref<4x128x128xf32, #tpu.memory_space<vmem>> -> memref<1x128x128xf32, #tpu.memory_space<vmem>>
        %dma_wait3A_412 = tpu.memref_squeeze %dma_wait3A_411 : memref<1x128x128xf32, #tpu.memory_space<vmem>> -> memref<128x128xf32, #tpu.memory_space<vmem>>
        %dma_wait3A_413 = arith.constant 0 : i32
        %dma_wait3A_414 = tpu.memref_slice %arg5[%add3A_407, %dma_wait3A_413] : memref<144x128xi32, #tpu.memory_space<vmem>> -> memref<1x128xi32, #tpu.memory_space<vmem>>
        %dma_wait3A_415 = tpu.memref_squeeze %dma_wait3A_414 : memref<1x128xi32, #tpu.memory_space<vmem>> -> memref<128xi32, #tpu.memory_space<vmem>>
        %dma_wait3A_416 = arith.constant 0 : i32
        %dma_wait3A_417 = arith.constant 0 : i32
        %dma_wait3A_418 = tpu.memref_slice %arg9[%dma_wait3A_416, %dma_wait3A_417] : memref<257x128xf32, #tpu.memory_space<vmem_shared>> -> memref<257x128xf32, #tpu.memory_space<vmem_shared>>
        tpu.wait_indirect_dma semaphore(%arg12 : memref<!tpu.dma_semaphore, #tpu.memory_space<semaphore_mem>>) src(%dma_wait3A_418 : memref<257x128xf32, #tpu.memory_space<vmem_shared>>) dst(%dma_wait3A_412 : memref<128x128xf32, #tpu.memory_space<vmem>>)
        %add3A_419 = arith.constant 3 : i32
        %add3A_420 = arith.addi %mul3A_296, %add3A_419 : i32
        %mul3A_421 = arith.constant 128 : i32
        %mul3A_422 = arith.muli %add3A_420, %mul3A_421 : i32
        %add3A_423 = arith.addi %mul3A_2, %mul3A_422 : i32
        %dma_start3A_424 = arith.constant 3 : i32
        %dma_start3A_425 = arith.constant 0 : i32
        %dma_start3A_426 = arith.constant 0 : i32
        %dma_start3A_427 = tpu.memref_slice %arg6[%dma_start3A_424, %dma_start3A_425, %dma_start3A_426] : memref<4x128x128xf32, #tpu.memory_space<vmem>> -> memref<1x128x128xf32, #tpu.memory_space<vmem>>
        %dma_start3A_428 = tpu.memref_squeeze %dma_start3A_427 : memref<1x128x128xf32, #tpu.memory_space<vmem>> -> memref<128x128xf32, #tpu.memory_space<vmem>>
        %dma_start3A_429 = arith.constant 0 : i32
        %dma_start3A_430 = tpu.memref_slice %arg4[%add3A_423, %dma_start3A_429] : memref<589824x128xf32, #tpu.memory_space<hbm>> -> memref<128x128xf32, #tpu.memory_space<hbm>>
        %dma_start3A_431 = arith.constant 0 : i32
        %dma_start3A_432 = tpu.memref_slice %arg4[%add3A_423, %dma_start3A_431] : memref<589824x128xf32, #tpu.memory_space<hbm>> -> memref<128x128xf32, #tpu.memory_space<hbm>>
        %dma_start3A_433 = arith.constant 0 : i32
        %dma_start3A_434 = arith.constant 0 : i32
        %dma_start3A_435 = tpu.memref_slice %arg6[%dma_start3A_424, %dma_start3A_433, %dma_start3A_434] : memref<4x128x128xf32, #tpu.memory_space<vmem>> -> memref<1x128x128xf32, #tpu.memory_space<vmem>>
        %dma_start3A_436 = tpu.memref_squeeze %dma_start3A_435 : memref<1x128x128xf32, #tpu.memory_space<vmem>> -> memref<128x128xf32, #tpu.memory_space<vmem>>
        tpu.enqueue_dma source(%dma_start3A_436 : memref<128x128xf32, #tpu.memory_space<vmem>>) target(%dma_start3A_432 : memref<128x128xf32, #tpu.memory_space<hbm>>) target_semaphore(%arg13 : memref<!tpu.dma_semaphore, #tpu.memory_space<semaphore_mem>>)
        %add3A_437 = arith.constant 0 : i32
        %add3A_438 = arith.addi %mul3A_296, %add3A_437 : i32
        %mul3A_439 = arith.constant 128 : i32
        %mul3A_440 = arith.muli %add3A_438, %mul3A_439 : i32
        %add3A_441 = arith.addi %mul3A_2, %mul3A_440 : i32
        %dma_wait3A_442 = arith.constant 0 : i32
        %dma_wait3A_443 = arith.constant 0 : i32
        %dma_wait3A_444 = arith.constant 0 : i32
        %dma_wait3A_445 = tpu.memref_slice %arg6[%dma_wait3A_442, %dma_wait3A_443, %dma_wait3A_444] : memref<4x128x128xf32, #tpu.memory_space<vmem>> -> memref<1x128x128xf32, #tpu.memory_space<vmem>>
        %dma_wait3A_446 = tpu.memref_squeeze %dma_wait3A_445 : memref<1x128x128xf32, #tpu.memory_space<vmem>> -> memref<128x128xf32, #tpu.memory_space<vmem>>
        %dma_wait3A_447 = arith.constant 0 : i32
        %dma_wait3A_448 = tpu.memref_slice %arg4[%add3A_441, %dma_wait3A_447] : memref<589824x128xf32, #tpu.memory_space<hbm>> -> memref<128x128xf32, #tpu.memory_space<hbm>>
        %dma_wait3A_449 = arith.constant 0 : i32
        %dma_wait3A_450 = tpu.memref_slice %arg4[%add3A_441, %dma_wait3A_449] : memref<589824x128xf32, #tpu.memory_space<hbm>> -> memref<128x128xf32, #tpu.memory_space<hbm>>
        %dma_wait3A_451 = arith.constant 0 : i32
        %dma_wait3A_452 = arith.constant 0 : i32
        %dma_wait3A_453 = tpu.memref_slice %arg6[%dma_wait3A_442, %dma_wait3A_451, %dma_wait3A_452] : memref<4x128x128xf32, #tpu.memory_space<vmem>> -> memref<1x128x128xf32, #tpu.memory_space<vmem>>
        %dma_wait3A_454 = tpu.memref_squeeze %dma_wait3A_453 : memref<1x128x128xf32, #tpu.memory_space<vmem>> -> memref<128x128xf32, #tpu.memory_space<vmem>>
        tpu.wait_dma2 semaphore(%arg13 : memref<!tpu.dma_semaphore, #tpu.memory_space<semaphore_mem>>) src(%dma_wait3A_454 : memref<128x128xf32, #tpu.memory_space<vmem>>) dst(%dma_wait3A_450 : memref<128x128xf32, #tpu.memory_space<hbm>>)
        %add3A_455 = arith.constant 4 : i32
        %add3A_456 = arith.addi %mul3A_296, %add3A_455 : i32
        %add3A_457 = arith.constant 0 : i32
        %add3A_458 = arith.addi %add3A_456, %add3A_457 : i32
        %mul3A_459 = arith.constant 1 : i32
        %mul3A_460 = arith.muli %add3A_458, %mul3A_459 : i32
        %add3A_461 = arith.constant 0 : i32
        %add3A_462 = arith.addi %mul3A_460, %add3A_461 : i32
        %dma_start3A_463 = arith.constant 0 : i32
        %dma_start3A_464 = arith.constant 0 : i32
        %dma_start3A_465 = arith.constant 0 : i32
        %dma_start3A_466 = tpu.memref_slice %arg6[%dma_start3A_463, %dma_start3A_464, %dma_start3A_465] : memref<4x128x128xf32, #tpu.memory_space<vmem>> -> memref<1x128x128xf32, #tpu.memory_space<vmem>>
        %dma_start3A_467 = tpu.memref_squeeze %dma_start3A_466 : memref<1x128x128xf32, #tpu.memory_space<vmem>> -> memref<128x128xf32, #tpu.memory_space<vmem>>
        %dma_start3A_468 = arith.constant 0 : i32
        %dma_start3A_469 = tpu.memref_slice %arg5[%add3A_462, %dma_start3A_468] : memref<144x128xi32, #tpu.memory_space<vmem>> -> memref<1x128xi32, #tpu.memory_space<vmem>>
        %dma_start3A_470 = tpu.memref_squeeze %dma_start3A_469 : memref<1x128xi32, #tpu.memory_space<vmem>> -> memref<128xi32, #tpu.memory_space<vmem>>
        %dma_start3A_471 = arith.constant 0 : i32
        %dma_start3A_472 = arith.constant 0 : i32
        %dma_start3A_473 = tpu.memref_slice %arg9[%dma_start3A_471, %dma_start3A_472] : memref<257x128xf32, #tpu.memory_space<vmem_shared>> -> memref<257x128xf32, #tpu.memory_space<vmem_shared>>
        tpu.enqueue_indirect_dma source(%dma_start3A_473 : memref<257x128xf32, #tpu.memory_space<vmem_shared>>) target(%dma_start3A_467 : memref<128x128xf32, #tpu.memory_space<vmem>>) offsets(%dma_start3A_470 : memref<128xi32, #tpu.memory_space<vmem>>) semaphore(%arg12 : memref<!tpu.dma_semaphore, #tpu.memory_space<semaphore_mem>>)
        %add3A_474 = arith.constant 1 : i32
        %add3A_475 = arith.addi %mul3A_296, %add3A_474 : i32
        %mul3A_476 = arith.constant 128 : i32
        %mul3A_477 = arith.muli %add3A_475, %mul3A_476 : i32
        %add3A_478 = arith.addi %mul3A_2, %mul3A_477 : i32
        %dma_wait3A_479 = arith.constant 1 : i32
        %dma_wait3A_480 = arith.constant 0 : i32
        %dma_wait3A_481 = arith.constant 0 : i32
        %dma_wait3A_482 = tpu.memref_slice %arg6[%dma_wait3A_479, %dma_wait3A_480, %dma_wait3A_481] : memref<4x128x128xf32, #tpu.memory_space<vmem>> -> memref<1x128x128xf32, #tpu.memory_space<vmem>>
        %dma_wait3A_483 = tpu.memref_squeeze %dma_wait3A_482 : memref<1x128x128xf32, #tpu.memory_space<vmem>> -> memref<128x128xf32, #tpu.memory_space<vmem>>
        %dma_wait3A_484 = arith.constant 0 : i32
        %dma_wait3A_485 = tpu.memref_slice %arg4[%add3A_478, %dma_wait3A_484] : memref<589824x128xf32, #tpu.memory_space<hbm>> -> memref<128x128xf32, #tpu.memory_space<hbm>>
        %dma_wait3A_486 = arith.constant 0 : i32
        %dma_wait3A_487 = tpu.memref_slice %arg4[%add3A_478, %dma_wait3A_486] : memref<589824x128xf32, #tpu.memory_space<hbm>> -> memref<128x128xf32, #tpu.memory_space<hbm>>
        %dma_wait3A_488 = arith.constant 0 : i32
        %dma_wait3A_489 = arith.constant 0 : i32
        %dma_wait3A_490 = tpu.memref_slice %arg6[%dma_wait3A_479, %dma_wait3A_488, %dma_wait3A_489] : memref<4x128x128xf32, #tpu.memory_space<vmem>> -> memref<1x128x128xf32, #tpu.memory_space<vmem>>
        %dma_wait3A_491 = tpu.memref_squeeze %dma_wait3A_490 : memref<1x128x128xf32, #tpu.memory_space<vmem>> -> memref<128x128xf32, #tpu.memory_space<vmem>>
        tpu.wait_dma2 semaphore(%arg13 : memref<!tpu.dma_semaphore, #tpu.memory_space<semaphore_mem>>) src(%dma_wait3A_491 : memref<128x128xf32, #tpu.memory_space<vmem>>) dst(%dma_wait3A_487 : memref<128x128xf32, #tpu.memory_space<hbm>>)
        %add3A_492 = arith.constant 4 : i32
        %add3A_493 = arith.addi %mul3A_296, %add3A_492 : i32
        %add3A_494 = arith.constant 1 : i32
        %add3A_495 = arith.addi %add3A_493, %add3A_494 : i32
        %mul3A_496 = arith.constant 1 : i32
        %mul3A_497 = arith.muli %add3A_495, %mul3A_496 : i32
        %add3A_498 = arith.constant 0 : i32
        %add3A_499 = arith.addi %mul3A_497, %add3A_498 : i32
        %dma_start3A_500 = arith.constant 1 : i32
        %dma_start3A_501 = arith.constant 0 : i32
        %dma_start3A_502 = arith.constant 0 : i32
        %dma_start3A_503 = tpu.memref_slice %arg6[%dma_start3A_500, %dma_start3A_501, %dma_start3A_502] : memref<4x128x128xf32, #tpu.memory_space<vmem>> -> memref<1x128x128xf32, #tpu.memory_space<vmem>>
        %dma_start3A_504 = tpu.memref_squeeze %dma_start3A_503 : memref<1x128x128xf32, #tpu.memory_space<vmem>> -> memref<128x128xf32, #tpu.memory_space<vmem>>
        %dma_start3A_505 = arith.constant 0 : i32
        %dma_start3A_506 = tpu.memref_slice %arg5[%add3A_499, %dma_start3A_505] : memref<144x128xi32, #tpu.memory_space<vmem>> -> memref<1x128xi32, #tpu.memory_space<vmem>>
        %dma_start3A_507 = tpu.memref_squeeze %dma_start3A_506 : memref<1x128xi32, #tpu.memory_space<vmem>> -> memref<128xi32, #tpu.memory_space<vmem>>
        %dma_start3A_508 = arith.constant 0 : i32
        %dma_start3A_509 = arith.constant 0 : i32
        %dma_start3A_510 = tpu.memref_slice %arg9[%dma_start3A_508, %dma_start3A_509] : memref<257x128xf32, #tpu.memory_space<vmem_shared>> -> memref<257x128xf32, #tpu.memory_space<vmem_shared>>
        tpu.enqueue_indirect_dma source(%dma_start3A_510 : memref<257x128xf32, #tpu.memory_space<vmem_shared>>) target(%dma_start3A_504 : memref<128x128xf32, #tpu.memory_space<vmem>>) offsets(%dma_start3A_507 : memref<128xi32, #tpu.memory_space<vmem>>) semaphore(%arg12 : memref<!tpu.dma_semaphore, #tpu.memory_space<semaphore_mem>>)
        %add3A_511 = arith.constant 2 : i32
        %add3A_512 = arith.addi %mul3A_296, %add3A_511 : i32
        %mul3A_513 = arith.constant 128 : i32
        %mul3A_514 = arith.muli %add3A_512, %mul3A_513 : i32
        %add3A_515 = arith.addi %mul3A_2, %mul3A_514 : i32
        %dma_wait3A_516 = arith.constant 2 : i32
        %dma_wait3A_517 = arith.constant 0 : i32
        %dma_wait3A_518 = arith.constant 0 : i32
        %dma_wait3A_519 = tpu.memref_slice %arg6[%dma_wait3A_516, %dma_wait3A_517, %dma_wait3A_518] : memref<4x128x128xf32, #tpu.memory_space<vmem>> -> memref<1x128x128xf32, #tpu.memory_space<vmem>>
        %dma_wait3A_520 = tpu.memref_squeeze %dma_wait3A_519 : memref<1x128x128xf32, #tpu.memory_space<vmem>> -> memref<128x128xf32, #tpu.memory_space<vmem>>
        %dma_wait3A_521 = arith.constant 0 : i32
        %dma_wait3A_522 = tpu.memref_slice %arg4[%add3A_515, %dma_wait3A_521] : memref<589824x128xf32, #tpu.memory_space<hbm>> -> memref<128x128xf32, #tpu.memory_space<hbm>>
        %dma_wait3A_523 = arith.constant 0 : i32
        %dma_wait3A_524 = tpu.memref_slice %arg4[%add3A_515, %dma_wait3A_523] : memref<589824x128xf32, #tpu.memory_space<hbm>> -> memref<128x128xf32, #tpu.memory_space<hbm>>
        %dma_wait3A_525 = arith.constant 0 : i32
        %dma_wait3A_526 = arith.constant 0 : i32
        %dma_wait3A_527 = tpu.memref_slice %arg6[%dma_wait3A_516, %dma_wait3A_525, %dma_wait3A_526] : memref<4x128x128xf32, #tpu.memory_space<vmem>> -> memref<1x128x128xf32, #tpu.memory_space<vmem>>
        %dma_wait3A_528 = tpu.memref_squeeze %dma_wait3A_527 : memref<1x128x128xf32, #tpu.memory_space<vmem>> -> memref<128x128xf32, #tpu.memory_space<vmem>>
        tpu.wait_dma2 semaphore(%arg13 : memref<!tpu.dma_semaphore, #tpu.memory_space<semaphore_mem>>) src(%dma_wait3A_528 : memref<128x128xf32, #tpu.memory_space<vmem>>) dst(%dma_wait3A_524 : memref<128x128xf32, #tpu.memory_space<hbm>>)
        %add3A_529 = arith.constant 4 : i32
        %add3A_530 = arith.addi %mul3A_296, %add3A_529 : i32
        %add3A_531 = arith.constant 2 : i32
        %add3A_532 = arith.addi %add3A_530, %add3A_531 : i32
        %mul3A_533 = arith.constant 1 : i32
        %mul3A_534 = arith.muli %add3A_532, %mul3A_533 : i32
        %add3A_535 = arith.constant 0 : i32
        %add3A_536 = arith.addi %mul3A_534, %add3A_535 : i32
        %dma_start3A_537 = arith.constant 2 : i32
        %dma_start3A_538 = arith.constant 0 : i32
        %dma_start3A_539 = arith.constant 0 : i32
        %dma_start3A_540 = tpu.memref_slice %arg6[%dma_start3A_537, %dma_start3A_538, %dma_start3A_539] : memref<4x128x128xf32, #tpu.memory_space<vmem>> -> memref<1x128x128xf32, #tpu.memory_space<vmem>>
        %dma_start3A_541 = tpu.memref_squeeze %dma_start3A_540 : memref<1x128x128xf32, #tpu.memory_space<vmem>> -> memref<128x128xf32, #tpu.memory_space<vmem>>
        %dma_start3A_542 = arith.constant 0 : i32
        %dma_start3A_543 = tpu.memref_slice %arg5[%add3A_536, %dma_start3A_542] : memref<144x128xi32, #tpu.memory_space<vmem>> -> memref<1x128xi32, #tpu.memory_space<vmem>>
        %dma_start3A_544 = tpu.memref_squeeze %dma_start3A_543 : memref<1x128xi32, #tpu.memory_space<vmem>> -> memref<128xi32, #tpu.memory_space<vmem>>
        %dma_start3A_545 = arith.constant 0 : i32
        %dma_start3A_546 = arith.constant 0 : i32
        %dma_start3A_547 = tpu.memref_slice %arg9[%dma_start3A_545, %dma_start3A_546] : memref<257x128xf32, #tpu.memory_space<vmem_shared>> -> memref<257x128xf32, #tpu.memory_space<vmem_shared>>
        tpu.enqueue_indirect_dma source(%dma_start3A_547 : memref<257x128xf32, #tpu.memory_space<vmem_shared>>) target(%dma_start3A_541 : memref<128x128xf32, #tpu.memory_space<vmem>>) offsets(%dma_start3A_544 : memref<128xi32, #tpu.memory_space<vmem>>) semaphore(%arg12 : memref<!tpu.dma_semaphore, #tpu.memory_space<semaphore_mem>>)
        %add3A_548 = arith.constant 3 : i32
        %add3A_549 = arith.addi %mul3A_296, %add3A_548 : i32
        %mul3A_550 = arith.constant 128 : i32
        %mul3A_551 = arith.muli %add3A_549, %mul3A_550 : i32
        %add3A_552 = arith.addi %mul3A_2, %mul3A_551 : i32
        %dma_wait3A_553 = arith.constant 3 : i32
        %dma_wait3A_554 = arith.constant 0 : i32
        %dma_wait3A_555 = arith.constant 0 : i32
        %dma_wait3A_556 = tpu.memref_slice %arg6[%dma_wait3A_553, %dma_wait3A_554, %dma_wait3A_555] : memref<4x128x128xf32, #tpu.memory_space<vmem>> -> memref<1x128x128xf32, #tpu.memory_space<vmem>>
        %dma_wait3A_557 = tpu.memref_squeeze %dma_wait3A_556 : memref<1x128x128xf32, #tpu.memory_space<vmem>> -> memref<128x128xf32, #tpu.memory_space<vmem>>
        %dma_wait3A_558 = arith.constant 0 : i32
        %dma_wait3A_559 = tpu.memref_slice %arg4[%add3A_552, %dma_wait3A_558] : memref<589824x128xf32, #tpu.memory_space<hbm>> -> memref<128x128xf32, #tpu.memory_space<hbm>>
        %dma_wait3A_560 = arith.constant 0 : i32
        %dma_wait3A_561 = tpu.memref_slice %arg4[%add3A_552, %dma_wait3A_560] : memref<589824x128xf32, #tpu.memory_space<hbm>> -> memref<128x128xf32, #tpu.memory_space<hbm>>
        %dma_wait3A_562 = arith.constant 0 : i32
        %dma_wait3A_563 = arith.constant 0 : i32
        %dma_wait3A_564 = tpu.memref_slice %arg6[%dma_wait3A_553, %dma_wait3A_562, %dma_wait3A_563] : memref<4x128x128xf32, #tpu.memory_space<vmem>> -> memref<1x128x128xf32, #tpu.memory_space<vmem>>
        %dma_wait3A_565 = tpu.memref_squeeze %dma_wait3A_564 : memref<1x128x128xf32, #tpu.memory_space<vmem>> -> memref<128x128xf32, #tpu.memory_space<vmem>>
        tpu.wait_dma2 semaphore(%arg13 : memref<!tpu.dma_semaphore, #tpu.memory_space<semaphore_mem>>) src(%dma_wait3A_565 : memref<128x128xf32, #tpu.memory_space<vmem>>) dst(%dma_wait3A_561 : memref<128x128xf32, #tpu.memory_space<hbm>>)
        %add3A_566 = arith.constant 4 : i32
        %add3A_567 = arith.addi %mul3A_296, %add3A_566 : i32
        %add3A_568 = arith.constant 3 : i32
        %add3A_569 = arith.addi %add3A_567, %add3A_568 : i32
        %mul3A_570 = arith.constant 1 : i32
        %mul3A_571 = arith.muli %add3A_569, %mul3A_570 : i32
        %add3A_572 = arith.constant 0 : i32
        %add3A_573 = arith.addi %mul3A_571, %add3A_572 : i32
        %dma_start3A_574 = arith.constant 3 : i32
        %dma_start3A_575 = arith.constant 0 : i32
        %dma_start3A_576 = arith.constant 0 : i32
        %dma_start3A_577 = tpu.memref_slice %arg6[%dma_start3A_574, %dma_start3A_575, %dma_start3A_576] : memref<4x128x128xf32, #tpu.memory_space<vmem>> -> memref<1x128x128xf32, #tpu.memory_space<vmem>>
        %dma_start3A_578 = tpu.memref_squeeze %dma_start3A_577 : memref<1x128x128xf32, #tpu.memory_space<vmem>> -> memref<128x128xf32, #tpu.memory_space<vmem>>
        %dma_start3A_579 = arith.constant 0 : i32
        %dma_start3A_580 = tpu.memref_slice %arg5[%add3A_573, %dma_start3A_579] : memref<144x128xi32, #tpu.memory_space<vmem>> -> memref<1x128xi32, #tpu.memory_space<vmem>>
        %dma_start3A_581 = tpu.memref_squeeze %dma_start3A_580 : memref<1x128xi32, #tpu.memory_space<vmem>> -> memref<128xi32, #tpu.memory_space<vmem>>
        %dma_start3A_582 = arith.constant 0 : i32
        %dma_start3A_583 = arith.constant 0 : i32
        %dma_start3A_584 = tpu.memref_slice %arg9[%dma_start3A_582, %dma_start3A_583] : memref<257x128xf32, #tpu.memory_space<vmem_shared>> -> memref<257x128xf32, #tpu.memory_space<vmem_shared>>
        tpu.enqueue_indirect_dma source(%dma_start3A_584 : memref<257x128xf32, #tpu.memory_space<vmem_shared>>) target(%dma_start3A_578 : memref<128x128xf32, #tpu.memory_space<vmem>>) offsets(%dma_start3A_581 : memref<128xi32, #tpu.memory_space<vmem>>) semaphore(%arg12 : memref<!tpu.dma_semaphore, #tpu.memory_space<semaphore_mem>>)
      }
      %scan3A_121 = arith.constant 35 : i32
      %dma_wait3A_122 = arith.constant 140 : i32
      %dma_wait3A_123 = arith.constant 0 : i32
      %dma_wait3A_124 = arith.constant 0 : i32
      %dma_wait3A_125 = arith.constant 0 : i32
      %dma_wait3A_126 = tpu.memref_slice %arg6[%dma_wait3A_123, %dma_wait3A_124, %dma_wait3A_125] : memref<4x128x128xf32, #tpu.memory_space<vmem>> -> memref<1x128x128xf32, #tpu.memory_space<vmem>>
      %dma_wait3A_127 = tpu.memref_squeeze %dma_wait3A_126 : memref<1x128x128xf32, #tpu.memory_space<vmem>> -> memref<128x128xf32, #tpu.memory_space<vmem>>
      %dma_wait3A_128 = arith.constant 0 : i32
      %dma_wait3A_129 = tpu.memref_slice %arg5[%dma_wait3A_122, %dma_wait3A_128] : memref<144x128xi32, #tpu.memory_space<vmem>> -> memref<1x128xi32, #tpu.memory_space<vmem>>
      %dma_wait3A_130 = tpu.memref_squeeze %dma_wait3A_129 : memref<1x128xi32, #tpu.memory_space<vmem>> -> memref<128xi32, #tpu.memory_space<vmem>>
      %dma_wait3A_131 = arith.constant 0 : i32
      %dma_wait3A_132 = arith.constant 0 : i32
      %dma_wait3A_133 = tpu.memref_slice %arg9[%dma_wait3A_131, %dma_wait3A_132] : memref<257x128xf32, #tpu.memory_space<vmem_shared>> -> memref<257x128xf32, #tpu.memory_space<vmem_shared>>
      tpu.wait_indirect_dma semaphore(%arg12 : memref<!tpu.dma_semaphore, #tpu.memory_space<semaphore_mem>>) src(%dma_wait3A_133 : memref<257x128xf32, #tpu.memory_space<vmem_shared>>) dst(%dma_wait3A_127 : memref<128x128xf32, #tpu.memory_space<vmem>>)
      %add3A_134 = arith.constant 17920 : i32
      %add3A_135 = arith.addi %mul3A_2, %add3A_134 : i32
      %dma_start3A_136 = arith.constant 0 : i32
      %dma_start3A_137 = arith.constant 0 : i32
      %dma_start3A_138 = arith.constant 0 : i32
      %dma_start3A_139 = tpu.memref_slice %arg6[%dma_start3A_136, %dma_start3A_137, %dma_start3A_138] : memref<4x128x128xf32, #tpu.memory_space<vmem>> -> memref<1x128x128xf32, #tpu.memory_space<vmem>>
      %dma_start3A_140 = tpu.memref_squeeze %dma_start3A_139 : memref<1x128x128xf32, #tpu.memory_space<vmem>> -> memref<128x128xf32, #tpu.memory_space<vmem>>
      %dma_start3A_141 = arith.constant 0 : i32
      %dma_start3A_142 = tpu.memref_slice %arg4[%add3A_135, %dma_start3A_141] : memref<589824x128xf32, #tpu.memory_space<hbm>> -> memref<128x128xf32, #tpu.memory_space<hbm>>
      %dma_start3A_143 = arith.constant 0 : i32
      %dma_start3A_144 = tpu.memref_slice %arg4[%add3A_135, %dma_start3A_143] : memref<589824x128xf32, #tpu.memory_space<hbm>> -> memref<128x128xf32, #tpu.memory_space<hbm>>
      %dma_start3A_145 = arith.constant 0 : i32
      %dma_start3A_146 = arith.constant 0 : i32
      %dma_start3A_147 = tpu.memref_slice %arg6[%dma_start3A_136, %dma_start3A_145, %dma_start3A_146] : memref<4x128x128xf32, #tpu.memory_space<vmem>> -> memref<1x128x128xf32, #tpu.memory_space<vmem>>
      %dma_start3A_148 = tpu.memref_squeeze %dma_start3A_147 : memref<1x128x128xf32, #tpu.memory_space<vmem>> -> memref<128x128xf32, #tpu.memory_space<vmem>>
      tpu.enqueue_dma source(%dma_start3A_148 : memref<128x128xf32, #tpu.memory_space<vmem>>) target(%dma_start3A_144 : memref<128x128xf32, #tpu.memory_space<hbm>>) target_semaphore(%arg13 : memref<!tpu.dma_semaphore, #tpu.memory_space<semaphore_mem>>)
      %dma_wait3A_149 = arith.constant 141 : i32
      %dma_wait3A_150 = arith.constant 1 : i32
      %dma_wait3A_151 = arith.constant 0 : i32
      %dma_wait3A_152 = arith.constant 0 : i32
      %dma_wait3A_153 = tpu.memref_slice %arg6[%dma_wait3A_150, %dma_wait3A_151, %dma_wait3A_152] : memref<4x128x128xf32, #tpu.memory_space<vmem>> -> memref<1x128x128xf32, #tpu.memory_space<vmem>>
      %dma_wait3A_154 = tpu.memref_squeeze %dma_wait3A_153 : memref<1x128x128xf32, #tpu.memory_space<vmem>> -> memref<128x128xf32, #tpu.memory_space<vmem>>
      %dma_wait3A_155 = arith.constant 0 : i32
      %dma_wait3A_156 = tpu.memref_slice %arg5[%dma_wait3A_149, %dma_wait3A_155] : memref<144x128xi32, #tpu.memory_space<vmem>> -> memref<1x128xi32, #tpu.memory_space<vmem>>
      %dma_wait3A_157 = tpu.memref_squeeze %dma_wait3A_156 : memref<1x128xi32, #tpu.memory_space<vmem>> -> memref<128xi32, #tpu.memory_space<vmem>>
      %dma_wait3A_158 = arith.constant 0 : i32
      %dma_wait3A_159 = arith.constant 0 : i32
      %dma_wait3A_160 = tpu.memref_slice %arg9[%dma_wait3A_158, %dma_wait3A_159] : memref<257x128xf32, #tpu.memory_space<vmem_shared>> -> memref<257x128xf32, #tpu.memory_space<vmem_shared>>
      tpu.wait_indirect_dma semaphore(%arg12 : memref<!tpu.dma_semaphore, #tpu.memory_space<semaphore_mem>>) src(%dma_wait3A_160 : memref<257x128xf32, #tpu.memory_space<vmem_shared>>) dst(%dma_wait3A_154 : memref<128x128xf32, #tpu.memory_space<vmem>>)
      %add3A_161 = arith.constant 18048 : i32
      %add3A_162 = arith.addi %mul3A_2, %add3A_161 : i32
      %dma_start3A_163 = arith.constant 1 : i32
      %dma_start3A_164 = arith.constant 0 : i32
      %dma_start3A_165 = arith.constant 0 : i32
      %dma_start3A_166 = tpu.memref_slice %arg6[%dma_start3A_163, %dma_start3A_164, %dma_start3A_165] : memref<4x128x128xf32, #tpu.memory_space<vmem>> -> memref<1x128x128xf32, #tpu.memory_space<vmem>>
      %dma_start3A_167 = tpu.memref_squeeze %dma_start3A_166 : memref<1x128x128xf32, #tpu.memory_space<vmem>> -> memref<128x128xf32, #tpu.memory_space<vmem>>
      %dma_start3A_168 = arith.constant 0 : i32
      %dma_start3A_169 = tpu.memref_slice %arg4[%add3A_162, %dma_start3A_168] : memref<589824x128xf32, #tpu.memory_space<hbm>> -> memref<128x128xf32, #tpu.memory_space<hbm>>
      %dma_start3A_170 = arith.constant 0 : i32
      %dma_start3A_171 = tpu.memref_slice %arg4[%add3A_162, %dma_start3A_170] : memref<589824x128xf32, #tpu.memory_space<hbm>> -> memref<128x128xf32, #tpu.memory_space<hbm>>
      %dma_start3A_172 = arith.constant 0 : i32
      %dma_start3A_173 = arith.constant 0 : i32
      %dma_start3A_174 = tpu.memref_slice %arg6[%dma_start3A_163, %dma_start3A_172, %dma_start3A_173] : memref<4x128x128xf32, #tpu.memory_space<vmem>> -> memref<1x128x128xf32, #tpu.memory_space<vmem>>
      %dma_start3A_175 = tpu.memref_squeeze %dma_start3A_174 : memref<1x128x128xf32, #tpu.memory_space<vmem>> -> memref<128x128xf32, #tpu.memory_space<vmem>>
      tpu.enqueue_dma source(%dma_start3A_175 : memref<128x128xf32, #tpu.memory_space<vmem>>) target(%dma_start3A_171 : memref<128x128xf32, #tpu.memory_space<hbm>>) target_semaphore(%arg13 : memref<!tpu.dma_semaphore, #tpu.memory_space<semaphore_mem>>)
      %dma_wait3A_176 = arith.constant 142 : i32
      %dma_wait3A_177 = arith.constant 2 : i32
      %dma_wait3A_178 = arith.constant 0 : i32
      %dma_wait3A_179 = arith.constant 0 : i32
      %dma_wait3A_180 = tpu.memref_slice %arg6[%dma_wait3A_177, %dma_wait3A_178, %dma_wait3A_179] : memref<4x128x128xf32, #tpu.memory_space<vmem>> -> memref<1x128x128xf32, #tpu.memory_space<vmem>>
      %dma_wait3A_181 = tpu.memref_squeeze %dma_wait3A_180 : memref<1x128x128xf32, #tpu.memory_space<vmem>> -> memref<128x128xf32, #tpu.memory_space<vmem>>
      %dma_wait3A_182 = arith.constant 0 : i32
      %dma_wait3A_183 = tpu.memref_slice %arg5[%dma_wait3A_176, %dma_wait3A_182] : memref<144x128xi32, #tpu.memory_space<vmem>> -> memref<1x128xi32, #tpu.memory_space<vmem>>
      %dma_wait3A_184 = tpu.memref_squeeze %dma_wait3A_183 : memref<1x128xi32, #tpu.memory_space<vmem>> -> memref<128xi32, #tpu.memory_space<vmem>>
      %dma_wait3A_185 = arith.constant 0 : i32
      %dma_wait3A_186 = arith.constant 0 : i32
      %dma_wait3A_187 = tpu.memref_slice %arg9[%dma_wait3A_185, %dma_wait3A_186] : memref<257x128xf32, #tpu.memory_space<vmem_shared>> -> memref<257x128xf32, #tpu.memory_space<vmem_shared>>
      tpu.wait_indirect_dma semaphore(%arg12 : memref<!tpu.dma_semaphore, #tpu.memory_space<semaphore_mem>>) src(%dma_wait3A_187 : memref<257x128xf32, #tpu.memory_space<vmem_shared>>) dst(%dma_wait3A_181 : memref<128x128xf32, #tpu.memory_space<vmem>>)
      %add3A_188 = arith.constant 18176 : i32
      %add3A_189 = arith.addi %mul3A_2, %add3A_188 : i32
      %dma_start3A_190 = arith.constant 2 : i32
      %dma_start3A_191 = arith.constant 0 : i32
      %dma_start3A_192 = arith.constant 0 : i32
      %dma_start3A_193 = tpu.memref_slice %arg6[%dma_start3A_190, %dma_start3A_191, %dma_start3A_192] : memref<4x128x128xf32, #tpu.memory_space<vmem>> -> memref<1x128x128xf32, #tpu.memory_space<vmem>>
      %dma_start3A_194 = tpu.memref_squeeze %dma_start3A_193 : memref<1x128x128xf32, #tpu.memory_space<vmem>> -> memref<128x128xf32, #tpu.memory_space<vmem>>
      %dma_start3A_195 = arith.constant 0 : i32
      %dma_start3A_196 = tpu.memref_slice %arg4[%add3A_189, %dma_start3A_195] : memref<589824x128xf32, #tpu.memory_space<hbm>> -> memref<128x128xf32, #tpu.memory_space<hbm>>
      %dma_start3A_197 = arith.constant 0 : i32
      %dma_start3A_198 = tpu.memref_slice %arg4[%add3A_189, %dma_start3A_197] : memref<589824x128xf32, #tpu.memory_space<hbm>> -> memref<128x128xf32, #tpu.memory_space<hbm>>
      %dma_start3A_199 = arith.constant 0 : i32
      %dma_start3A_200 = arith.constant 0 : i32
      %dma_start3A_201 = tpu.memref_slice %arg6[%dma_start3A_190, %dma_start3A_199, %dma_start3A_200] : memref<4x128x128xf32, #tpu.memory_space<vmem>> -> memref<1x128x128xf32, #tpu.memory_space<vmem>>
      %dma_start3A_202 = tpu.memref_squeeze %dma_start3A_201 : memref<1x128x128xf32, #tpu.memory_space<vmem>> -> memref<128x128xf32, #tpu.memory_space<vmem>>
      tpu.enqueue_dma source(%dma_start3A_202 : memref<128x128xf32, #tpu.memory_space<vmem>>) target(%dma_start3A_198 : memref<128x128xf32, #tpu.memory_space<hbm>>) target_semaphore(%arg13 : memref<!tpu.dma_semaphore, #tpu.memory_space<semaphore_mem>>)
      %dma_wait3A_203 = arith.constant 143 : i32
      %dma_wait3A_204 = arith.constant 3 : i32
      %dma_wait3A_205 = arith.constant 0 : i32
      %dma_wait3A_206 = arith.constant 0 : i32
      %dma_wait3A_207 = tpu.memref_slice %arg6[%dma_wait3A_204, %dma_wait3A_205, %dma_wait3A_206] : memref<4x128x128xf32, #tpu.memory_space<vmem>> -> memref<1x128x128xf32, #tpu.memory_space<vmem>>
      %dma_wait3A_208 = tpu.memref_squeeze %dma_wait3A_207 : memref<1x128x128xf32, #tpu.memory_space<vmem>> -> memref<128x128xf32, #tpu.memory_space<vmem>>
      %dma_wait3A_209 = arith.constant 0 : i32
      %dma_wait3A_210 = tpu.memref_slice %arg5[%dma_wait3A_203, %dma_wait3A_209] : memref<144x128xi32, #tpu.memory_space<vmem>> -> memref<1x128xi32, #tpu.memory_space<vmem>>
      %dma_wait3A_211 = tpu.memref_squeeze %dma_wait3A_210 : memref<1x128xi32, #tpu.memory_space<vmem>> -> memref<128xi32, #tpu.memory_space<vmem>>
      %dma_wait3A_212 = arith.constant 0 : i32
      %dma_wait3A_213 = arith.constant 0 : i32
      %dma_wait3A_214 = tpu.memref_slice %arg9[%dma_wait3A_212, %dma_wait3A_213] : memref<257x128xf32, #tpu.memory_space<vmem_shared>> -> memref<257x128xf32, #tpu.memory_space<vmem_shared>>
      tpu.wait_indirect_dma semaphore(%arg12 : memref<!tpu.dma_semaphore, #tpu.memory_space<semaphore_mem>>) src(%dma_wait3A_214 : memref<257x128xf32, #tpu.memory_space<vmem_shared>>) dst(%dma_wait3A_208 : memref<128x128xf32, #tpu.memory_space<vmem>>)
      %add3A_215 = arith.constant 18304 : i32
      %add3A_216 = arith.addi %mul3A_2, %add3A_215 : i32
      %dma_start3A_217 = arith.constant 3 : i32
      %dma_start3A_218 = arith.constant 0 : i32
      %dma_start3A_219 = arith.constant 0 : i32
      %dma_start3A_220 = tpu.memref_slice %arg6[%dma_start3A_217, %dma_start3A_218, %dma_start3A_219] : memref<4x128x128xf32, #tpu.memory_space<vmem>> -> memref<1x128x128xf32, #tpu.memory_space<vmem>>
      %dma_start3A_221 = tpu.memref_squeeze %dma_start3A_220 : memref<1x128x128xf32, #tpu.memory_space<vmem>> -> memref<128x128xf32, #tpu.memory_space<vmem>>
      %dma_start3A_222 = arith.constant 0 : i32
      %dma_start3A_223 = tpu.memref_slice %arg4[%add3A_216, %dma_start3A_222] : memref<589824x128xf32, #tpu.memory_space<hbm>> -> memref<128x128xf32, #tpu.memory_space<hbm>>
      %dma_start3A_224 = arith.constant 0 : i32
      %dma_start3A_225 = tpu.memref_slice %arg4[%add3A_216, %dma_start3A_224] : memref<589824x128xf32, #tpu.memory_space<hbm>> -> memref<128x128xf32, #tpu.memory_space<hbm>>
      %dma_start3A_226 = arith.constant 0 : i32
      %dma_start3A_227 = arith.constant 0 : i32
      %dma_start3A_228 = tpu.memref_slice %arg6[%dma_start3A_217, %dma_start3A_226, %dma_start3A_227] : memref<4x128x128xf32, #tpu.memory_space<vmem>> -> memref<1x128x128xf32, #tpu.memory_space<vmem>>
      %dma_start3A_229 = tpu.memref_squeeze %dma_start3A_228 : memref<1x128x128xf32, #tpu.memory_space<vmem>> -> memref<128x128xf32, #tpu.memory_space<vmem>>
      tpu.enqueue_dma source(%dma_start3A_229 : memref<128x128xf32, #tpu.memory_space<vmem>>) target(%dma_start3A_225 : memref<128x128xf32, #tpu.memory_space<hbm>>) target_semaphore(%arg13 : memref<!tpu.dma_semaphore, #tpu.memory_space<semaphore_mem>>)
      %add3A_230 = arith.constant 17920 : i32
      %add3A_231 = arith.addi %mul3A_2, %add3A_230 : i32
      %dma_wait3A_232 = arith.constant 0 : i32
      %dma_wait3A_233 = arith.constant 0 : i32
      %dma_wait3A_234 = arith.constant 0 : i32
      %dma_wait3A_235 = tpu.memref_slice %arg6[%dma_wait3A_232, %dma_wait3A_233, %dma_wait3A_234] : memref<4x128x128xf32, #tpu.memory_space<vmem>> -> memref<1x128x128xf32, #tpu.memory_space<vmem>>
      %dma_wait3A_236 = tpu.memref_squeeze %dma_wait3A_235 : memref<1x128x128xf32, #tpu.memory_space<vmem>> -> memref<128x128xf32, #tpu.memory_space<vmem>>
      %dma_wait3A_237 = arith.constant 0 : i32
      %dma_wait3A_238 = tpu.memref_slice %arg4[%add3A_231, %dma_wait3A_237] : memref<589824x128xf32, #tpu.memory_space<hbm>> -> memref<128x128xf32, #tpu.memory_space<hbm>>
      %dma_wait3A_239 = arith.constant 0 : i32
      %dma_wait3A_240 = tpu.memref_slice %arg4[%add3A_231, %dma_wait3A_239] : memref<589824x128xf32, #tpu.memory_space<hbm>> -> memref<128x128xf32, #tpu.memory_space<hbm>>
      %dma_wait3A_241 = arith.constant 0 : i32
      %dma_wait3A_242 = arith.constant 0 : i32
      %dma_wait3A_243 = tpu.memref_slice %arg6[%dma_wait3A_232, %dma_wait3A_241, %dma_wait3A_242] : memref<4x128x128xf32, #tpu.memory_space<vmem>> -> memref<1x128x128xf32, #tpu.memory_space<vmem>>
      %dma_wait3A_244 = tpu.memref_squeeze %dma_wait3A_243 : memref<1x128x128xf32, #tpu.memory_space<vmem>> -> memref<128x128xf32, #tpu.memory_space<vmem>>
      tpu.wait_dma2 semaphore(%arg13 : memref<!tpu.dma_semaphore, #tpu.memory_space<semaphore_mem>>) src(%dma_wait3A_244 : memref<128x128xf32, #tpu.memory_space<vmem>>) dst(%dma_wait3A_240 : memref<128x128xf32, #tpu.memory_space<hbm>>)
      %add3A_245 = arith.constant 18048 : i32
      %add3A_246 = arith.addi %mul3A_2, %add3A_245 : i32
      %dma_wait3A_247 = arith.constant 1 : i32
      %dma_wait3A_248 = arith.constant 0 : i32
      %dma_wait3A_249 = arith.constant 0 : i32
      %dma_wait3A_250 = tpu.memref_slice %arg6[%dma_wait3A_247, %dma_wait3A_248, %dma_wait3A_249] : memref<4x128x128xf32, #tpu.memory_space<vmem>> -> memref<1x128x128xf32, #tpu.memory_space<vmem>>
      %dma_wait3A_251 = tpu.memref_squeeze %dma_wait3A_250 : memref<1x128x128xf32, #tpu.memory_space<vmem>> -> memref<128x128xf32, #tpu.memory_space<vmem>>
      %dma_wait3A_252 = arith.constant 0 : i32
      %dma_wait3A_253 = tpu.memref_slice %arg4[%add3A_246, %dma_wait3A_252] : memref<589824x128xf32, #tpu.memory_space<hbm>> -> memref<128x128xf32, #tpu.memory_space<hbm>>
      %dma_wait3A_254 = arith.constant 0 : i32
      %dma_wait3A_255 = tpu.memref_slice %arg4[%add3A_246, %dma_wait3A_254] : memref<589824x128xf32, #tpu.memory_space<hbm>> -> memref<128x128xf32, #tpu.memory_space<hbm>>
      %dma_wait3A_256 = arith.constant 0 : i32
      %dma_wait3A_257 = arith.constant 0 : i32
      %dma_wait3A_258 = tpu.memref_slice %arg6[%dma_wait3A_247, %dma_wait3A_256, %dma_wait3A_257] : memref<4x128x128xf32, #tpu.memory_space<vmem>> -> memref<1x128x128xf32, #tpu.memory_space<vmem>>
      %dma_wait3A_259 = tpu.memref_squeeze %dma_wait3A_258 : memref<1x128x128xf32, #tpu.memory_space<vmem>> -> memref<128x128xf32, #tpu.memory_space<vmem>>
      tpu.wait_dma2 semaphore(%arg13 : memref<!tpu.dma_semaphore, #tpu.memory_space<semaphore_mem>>) src(%dma_wait3A_259 : memref<128x128xf32, #tpu.memory_space<vmem>>) dst(%dma_wait3A_255 : memref<128x128xf32, #tpu.memory_space<hbm>>)
      %add3A_260 = arith.constant 18176 : i32
      %add3A_261 = arith.addi %mul3A_2, %add3A_260 : i32
      %dma_wait3A_262 = arith.constant 2 : i32
      %dma_wait3A_263 = arith.constant 0 : i32
      %dma_wait3A_264 = arith.constant 0 : i32
      %dma_wait3A_265 = tpu.memref_slice %arg6[%dma_wait3A_262, %dma_wait3A_263, %dma_wait3A_264] : memref<4x128x128xf32, #tpu.memory_space<vmem>> -> memref<1x128x128xf32, #tpu.memory_space<vmem>>
      %dma_wait3A_266 = tpu.memref_squeeze %dma_wait3A_265 : memref<1x128x128xf32, #tpu.memory_space<vmem>> -> memref<128x128xf32, #tpu.memory_space<vmem>>
      %dma_wait3A_267 = arith.constant 0 : i32
      %dma_wait3A_268 = tpu.memref_slice %arg4[%add3A_261, %dma_wait3A_267] : memref<589824x128xf32, #tpu.memory_space<hbm>> -> memref<128x128xf32, #tpu.memory_space<hbm>>
      %dma_wait3A_269 = arith.constant 0 : i32
      %dma_wait3A_270 = tpu.memref_slice %arg4[%add3A_261, %dma_wait3A_269] : memref<589824x128xf32, #tpu.memory_space<hbm>> -> memref<128x128xf32, #tpu.memory_space<hbm>>
      %dma_wait3A_271 = arith.constant 0 : i32
      %dma_wait3A_272 = arith.constant 0 : i32
      %dma_wait3A_273 = tpu.memref_slice %arg6[%dma_wait3A_262, %dma_wait3A_271, %dma_wait3A_272] : memref<4x128x128xf32, #tpu.memory_space<vmem>> -> memref<1x128x128xf32, #tpu.memory_space<vmem>>
      %dma_wait3A_274 = tpu.memref_squeeze %dma_wait3A_273 : memref<1x128x128xf32, #tpu.memory_space<vmem>> -> memref<128x128xf32, #tpu.memory_space<vmem>>
      tpu.wait_dma2 semaphore(%arg13 : memref<!tpu.dma_semaphore, #tpu.memory_space<semaphore_mem>>) src(%dma_wait3A_274 : memref<128x128xf32, #tpu.memory_space<vmem>>) dst(%dma_wait3A_270 : memref<128x128xf32, #tpu.memory_space<hbm>>)
      %add3A_275 = arith.constant 18304 : i32
      %add3A_276 = arith.addi %mul3A_2, %add3A_275 : i32
      %dma_wait3A_277 = arith.constant 3 : i32
      %dma_wait3A_278 = arith.constant 0 : i32
      %dma_wait3A_279 = arith.constant 0 : i32
      %dma_wait3A_280 = tpu.memref_slice %arg6[%dma_wait3A_277, %dma_wait3A_278, %dma_wait3A_279] : memref<4x128x128xf32, #tpu.memory_space<vmem>> -> memref<1x128x128xf32, #tpu.memory_space<vmem>>
      %dma_wait3A_281 = tpu.memref_squeeze %dma_wait3A_280 : memref<1x128x128xf32, #tpu.memory_space<vmem>> -> memref<128x128xf32, #tpu.memory_space<vmem>>
      %dma_wait3A_282 = arith.constant 0 : i32
      %dma_wait3A_283 = tpu.memref_slice %arg4[%add3A_276, %dma_wait3A_282] : memref<589824x128xf32, #tpu.memory_space<hbm>> -> memref<128x128xf32, #tpu.memory_space<hbm>>
      %dma_wait3A_284 = arith.constant 0 : i32
      %dma_wait3A_285 = tpu.memref_slice %arg4[%add3A_276, %dma_wait3A_284] : memref<589824x128xf32, #tpu.memory_space<hbm>> -> memref<128x128xf32, #tpu.memory_space<hbm>>
      %dma_wait3A_286 = arith.constant 0 : i32
      %dma_wait3A_287 = arith.constant 0 : i32
      %dma_wait3A_288 = tpu.memref_slice %arg6[%dma_wait3A_277, %dma_wait3A_286, %dma_wait3A_287] : memref<4x128x128xf32, #tpu.memory_space<vmem>> -> memref<1x128x128xf32, #tpu.memory_space<vmem>>
      %dma_wait3A_289 = tpu.memref_squeeze %dma_wait3A_288 : memref<1x128x128xf32, #tpu.memory_space<vmem>> -> memref<128x128xf32, #tpu.memory_space<vmem>>
      tpu.wait_dma2 semaphore(%arg13 : memref<!tpu.dma_semaphore, #tpu.memory_space<semaphore_mem>>) src(%dma_wait3A_289 : memref<128x128xf32, #tpu.memory_space<vmem>>) dst(%dma_wait3A_285 : memref<128x128xf32, #tpu.memory_space<hbm>>)
    } else {
    }
    %eq3A_60 = arith.constant 2 : i32
    %eq3A_61 = arith.cmpi eq, %select_n3A, %eq3A_60 : i32
    %convert_element_type3A_62 = arith.extui %eq3A_61 : i1 to i32
    %cond3A_63 = arith.constant 0 : i32
    %cond3A_64 = arith.cmpi ne, %convert_element_type3A_62, %cond3A_63 : i32
    scf.if %cond3A_64 {
      %dma_start3A_70 = arith.constant 0 : i32
      %dma_start3A_71 = arith.constant 0 : i32
      %dma_start3A_72 = arith.constant 0 : i32
      %dma_start3A_73 = arith.constant 0 : i32
      %dma_start3A_74 = tpu.memref_slice %arg6[%dma_start3A_71, %dma_start3A_72, %dma_start3A_73] : memref<4x128x128xf32, #tpu.memory_space<vmem>> -> memref<1x128x128xf32, #tpu.memory_space<vmem>>
      %dma_start3A_75 = tpu.memref_squeeze %dma_start3A_74 : memref<1x128x128xf32, #tpu.memory_space<vmem>> -> memref<128x128xf32, #tpu.memory_space<vmem>>
      %dma_start3A_76 = arith.constant 0 : i32
      %dma_start3A_77 = tpu.memref_slice %arg5[%dma_start3A_70, %dma_start3A_76] : memref<144x128xi32, #tpu.memory_space<vmem>> -> memref<1x128xi32, #tpu.memory_space<vmem>>
      %dma_start3A_78 = tpu.memref_squeeze %dma_start3A_77 : memref<1x128xi32, #tpu.memory_space<vmem>> -> memref<128xi32, #tpu.memory_space<vmem>>
      %dma_start3A_79 = arith.constant 0 : i32
      %dma_start3A_80 = arith.constant 0 : i32
      %dma_start3A_81 = tpu.memref_slice %arg10[%dma_start3A_79, %dma_start3A_80] : memref<257x128xf32, #tpu.memory_space<vmem_shared>> -> memref<257x128xf32, #tpu.memory_space<vmem_shared>>
      tpu.enqueue_indirect_dma source(%dma_start3A_81 : memref<257x128xf32, #tpu.memory_space<vmem_shared>>) target(%dma_start3A_75 : memref<128x128xf32, #tpu.memory_space<vmem>>) offsets(%dma_start3A_78 : memref<128xi32, #tpu.memory_space<vmem>>) semaphore(%arg12 : memref<!tpu.dma_semaphore, #tpu.memory_space<semaphore_mem>>)
      %dma_start3A_82 = arith.constant 1 : i32
      %dma_start3A_83 = arith.constant 1 : i32
      %dma_start3A_84 = arith.constant 0 : i32
      %dma_start3A_85 = arith.constant 0 : i32
      %dma_start3A_86 = tpu.memref_slice %arg6[%dma_start3A_83, %dma_start3A_84, %dma_start3A_85] : memref<4x128x128xf32, #tpu.memory_space<vmem>> -> memref<1x128x128xf32, #tpu.memory_space<vmem>>
      %dma_start3A_87 = tpu.memref_squeeze %dma_start3A_86 : memref<1x128x128xf32, #tpu.memory_space<vmem>> -> memref<128x128xf32, #tpu.memory_space<vmem>>
      %dma_start3A_88 = arith.constant 0 : i32
      %dma_start3A_89 = tpu.memref_slice %arg5[%dma_start3A_82, %dma_start3A_88] : memref<144x128xi32, #tpu.memory_space<vmem>> -> memref<1x128xi32, #tpu.memory_space<vmem>>
      %dma_start3A_90 = tpu.memref_squeeze %dma_start3A_89 : memref<1x128xi32, #tpu.memory_space<vmem>> -> memref<128xi32, #tpu.memory_space<vmem>>
      %dma_start3A_91 = arith.constant 0 : i32
      %dma_start3A_92 = arith.constant 0 : i32
      %dma_start3A_93 = tpu.memref_slice %arg10[%dma_start3A_91, %dma_start3A_92] : memref<257x128xf32, #tpu.memory_space<vmem_shared>> -> memref<257x128xf32, #tpu.memory_space<vmem_shared>>
      tpu.enqueue_indirect_dma source(%dma_start3A_93 : memref<257x128xf32, #tpu.memory_space<vmem_shared>>) target(%dma_start3A_87 : memref<128x128xf32, #tpu.memory_space<vmem>>) offsets(%dma_start3A_90 : memref<128xi32, #tpu.memory_space<vmem>>) semaphore(%arg12 : memref<!tpu.dma_semaphore, #tpu.memory_space<semaphore_mem>>)
      %dma_start3A_94 = arith.constant 2 : i32
      %dma_start3A_95 = arith.constant 2 : i32
      %dma_start3A_96 = arith.constant 0 : i32
      %dma_start3A_97 = arith.constant 0 : i32
      %dma_start3A_98 = tpu.memref_slice %arg6[%dma_start3A_95, %dma_start3A_96, %dma_start3A_97] : memref<4x128x128xf32, #tpu.memory_space<vmem>> -> memref<1x128x128xf32, #tpu.memory_space<vmem>>
      %dma_start3A_99 = tpu.memref_squeeze %dma_start3A_98 : memref<1x128x128xf32, #tpu.memory_space<vmem>> -> memref<128x128xf32, #tpu.memory_space<vmem>>
      %dma_start3A_100 = arith.constant 0 : i32
      %dma_start3A_101 = tpu.memref_slice %arg5[%dma_start3A_94, %dma_start3A_100] : memref<144x128xi32, #tpu.memory_space<vmem>> -> memref<1x128xi32, #tpu.memory_space<vmem>>
      %dma_start3A_102 = tpu.memref_squeeze %dma_start3A_101 : memref<1x128xi32, #tpu.memory_space<vmem>> -> memref<128xi32, #tpu.memory_space<vmem>>
      %dma_start3A_103 = arith.constant 0 : i32
      %dma_start3A_104 = arith.constant 0 : i32
      %dma_start3A_105 = tpu.memref_slice %arg10[%dma_start3A_103, %dma_start3A_104] : memref<257x128xf32, #tpu.memory_space<vmem_shared>> -> memref<257x128xf32, #tpu.memory_space<vmem_shared>>
      tpu.enqueue_indirect_dma source(%dma_start3A_105 : memref<257x128xf32, #tpu.memory_space<vmem_shared>>) target(%dma_start3A_99 : memref<128x128xf32, #tpu.memory_space<vmem>>) offsets(%dma_start3A_102 : memref<128xi32, #tpu.memory_space<vmem>>) semaphore(%arg12 : memref<!tpu.dma_semaphore, #tpu.memory_space<semaphore_mem>>)
      %dma_start3A_106 = arith.constant 3 : i32
      %dma_start3A_107 = arith.constant 3 : i32
      %dma_start3A_108 = arith.constant 0 : i32
      %dma_start3A_109 = arith.constant 0 : i32
      %dma_start3A_110 = tpu.memref_slice %arg6[%dma_start3A_107, %dma_start3A_108, %dma_start3A_109] : memref<4x128x128xf32, #tpu.memory_space<vmem>> -> memref<1x128x128xf32, #tpu.memory_space<vmem>>
      %dma_start3A_111 = tpu.memref_squeeze %dma_start3A_110 : memref<1x128x128xf32, #tpu.memory_space<vmem>> -> memref<128x128xf32, #tpu.memory_space<vmem>>
      %dma_start3A_112 = arith.constant 0 : i32
      %dma_start3A_113 = tpu.memref_slice %arg5[%dma_start3A_106, %dma_start3A_112] : memref<144x128xi32, #tpu.memory_space<vmem>> -> memref<1x128xi32, #tpu.memory_space<vmem>>
      %dma_start3A_114 = tpu.memref_squeeze %dma_start3A_113 : memref<1x128xi32, #tpu.memory_space<vmem>> -> memref<128xi32, #tpu.memory_space<vmem>>
      %dma_start3A_115 = arith.constant 0 : i32
      %dma_start3A_116 = arith.constant 0 : i32
      %dma_start3A_117 = tpu.memref_slice %arg10[%dma_start3A_115, %dma_start3A_116] : memref<257x128xf32, #tpu.memory_space<vmem_shared>> -> memref<257x128xf32, #tpu.memory_space<vmem_shared>>
      tpu.enqueue_indirect_dma source(%dma_start3A_117 : memref<257x128xf32, #tpu.memory_space<vmem_shared>>) target(%dma_start3A_111 : memref<128x128xf32, #tpu.memory_space<vmem>>) offsets(%dma_start3A_114 : memref<128xi32, #tpu.memory_space<vmem>>) semaphore(%arg12 : memref<!tpu.dma_semaphore, #tpu.memory_space<semaphore_mem>>)
      %scan3A = arith.constant 0 : i32
      %scan3A_118 = arith.constant 35 : i32
      %scan3A_119 = arith.addi %scan3A, %scan3A_118 : i32
      %scan3A_120 = arith.constant 1 : i32
      scf.for %scan3A_290 = %scan3A to %scan3A_119 step %scan3A_120  : i32 {
        %mul3A_291 = arith.constant 1 : i32
        %mul3A_292 = arith.muli %scan3A_290, %mul3A_291 : i32
        %add3A_293 = arith.constant 0 : i32
        %add3A_294 = arith.addi %add3A_293, %mul3A_292 : i32
        %mul3A_295 = arith.constant 4 : i32
        %mul3A_296 = arith.muli %add3A_294, %mul3A_295 : i32
        %add3A_297 = arith.constant 0 : i32
        %add3A_298 = arith.addi %mul3A_296, %add3A_297 : i32
        %mul3A_299 = arith.constant 1 : i32
        %mul3A_300 = arith.muli %add3A_298, %mul3A_299 : i32
        %add3A_301 = arith.constant 0 : i32
        %add3A_302 = arith.addi %mul3A_300, %add3A_301 : i32
        %dma_wait3A_303 = arith.constant 0 : i32
        %dma_wait3A_304 = arith.constant 0 : i32
        %dma_wait3A_305 = arith.constant 0 : i32
        %dma_wait3A_306 = tpu.memref_slice %arg6[%dma_wait3A_303, %dma_wait3A_304, %dma_wait3A_305] : memref<4x128x128xf32, #tpu.memory_space<vmem>> -> memref<1x128x128xf32, #tpu.memory_space<vmem>>
        %dma_wait3A_307 = tpu.memref_squeeze %dma_wait3A_306 : memref<1x128x128xf32, #tpu.memory_space<vmem>> -> memref<128x128xf32, #tpu.memory_space<vmem>>
        %dma_wait3A_308 = arith.constant 0 : i32
        %dma_wait3A_309 = tpu.memref_slice %arg5[%add3A_302, %dma_wait3A_308] : memref<144x128xi32, #tpu.memory_space<vmem>> -> memref<1x128xi32, #tpu.memory_space<vmem>>
        %dma_wait3A_310 = tpu.memref_squeeze %dma_wait3A_309 : memref<1x128xi32, #tpu.memory_space<vmem>> -> memref<128xi32, #tpu.memory_space<vmem>>
        %dma_wait3A_311 = arith.constant 0 : i32
        %dma_wait3A_312 = arith.constant 0 : i32
        %dma_wait3A_313 = tpu.memref_slice %arg10[%dma_wait3A_311, %dma_wait3A_312] : memref<257x128xf32, #tpu.memory_space<vmem_shared>> -> memref<257x128xf32, #tpu.memory_space<vmem_shared>>
        tpu.wait_indirect_dma semaphore(%arg12 : memref<!tpu.dma_semaphore, #tpu.memory_space<semaphore_mem>>) src(%dma_wait3A_313 : memref<257x128xf32, #tpu.memory_space<vmem_shared>>) dst(%dma_wait3A_307 : memref<128x128xf32, #tpu.memory_space<vmem>>)
        %add3A_314 = arith.constant 0 : i32
        %add3A_315 = arith.addi %mul3A_296, %add3A_314 : i32
        %mul3A_316 = arith.constant 128 : i32
        %mul3A_317 = arith.muli %add3A_315, %mul3A_316 : i32
        %add3A_318 = arith.addi %mul3A_2, %mul3A_317 : i32
        %dma_start3A_319 = arith.constant 0 : i32
        %dma_start3A_320 = arith.constant 0 : i32
        %dma_start3A_321 = arith.constant 0 : i32
        %dma_start3A_322 = tpu.memref_slice %arg6[%dma_start3A_319, %dma_start3A_320, %dma_start3A_321] : memref<4x128x128xf32, #tpu.memory_space<vmem>> -> memref<1x128x128xf32, #tpu.memory_space<vmem>>
        %dma_start3A_323 = tpu.memref_squeeze %dma_start3A_322 : memref<1x128x128xf32, #tpu.memory_space<vmem>> -> memref<128x128xf32, #tpu.memory_space<vmem>>
        %dma_start3A_324 = arith.constant 0 : i32
        %dma_start3A_325 = tpu.memref_slice %arg4[%add3A_318, %dma_start3A_324] : memref<589824x128xf32, #tpu.memory_space<hbm>> -> memref<128x128xf32, #tpu.memory_space<hbm>>
        %dma_start3A_326 = arith.constant 0 : i32
        %dma_start3A_327 = tpu.memref_slice %arg4[%add3A_318, %dma_start3A_326] : memref<589824x128xf32, #tpu.memory_space<hbm>> -> memref<128x128xf32, #tpu.memory_space<hbm>>
        %dma_start3A_328 = arith.constant 0 : i32
        %dma_start3A_329 = arith.constant 0 : i32
        %dma_start3A_330 = tpu.memref_slice %arg6[%dma_start3A_319, %dma_start3A_328, %dma_start3A_329] : memref<4x128x128xf32, #tpu.memory_space<vmem>> -> memref<1x128x128xf32, #tpu.memory_space<vmem>>
        %dma_start3A_331 = tpu.memref_squeeze %dma_start3A_330 : memref<1x128x128xf32, #tpu.memory_space<vmem>> -> memref<128x128xf32, #tpu.memory_space<vmem>>
        tpu.enqueue_dma source(%dma_start3A_331 : memref<128x128xf32, #tpu.memory_space<vmem>>) target(%dma_start3A_327 : memref<128x128xf32, #tpu.memory_space<hbm>>) target_semaphore(%arg13 : memref<!tpu.dma_semaphore, #tpu.memory_space<semaphore_mem>>)
        %add3A_332 = arith.constant 1 : i32
        %add3A_333 = arith.addi %mul3A_296, %add3A_332 : i32
        %mul3A_334 = arith.constant 1 : i32
        %mul3A_335 = arith.muli %add3A_333, %mul3A_334 : i32
        %add3A_336 = arith.constant 0 : i32
        %add3A_337 = arith.addi %mul3A_335, %add3A_336 : i32
        %dma_wait3A_338 = arith.constant 1 : i32
        %dma_wait3A_339 = arith.constant 0 : i32
        %dma_wait3A_340 = arith.constant 0 : i32
        %dma_wait3A_341 = tpu.memref_slice %arg6[%dma_wait3A_338, %dma_wait3A_339, %dma_wait3A_340] : memref<4x128x128xf32, #tpu.memory_space<vmem>> -> memref<1x128x128xf32, #tpu.memory_space<vmem>>
        %dma_wait3A_342 = tpu.memref_squeeze %dma_wait3A_341 : memref<1x128x128xf32, #tpu.memory_space<vmem>> -> memref<128x128xf32, #tpu.memory_space<vmem>>
        %dma_wait3A_343 = arith.constant 0 : i32
        %dma_wait3A_344 = tpu.memref_slice %arg5[%add3A_337, %dma_wait3A_343] : memref<144x128xi32, #tpu.memory_space<vmem>> -> memref<1x128xi32, #tpu.memory_space<vmem>>
        %dma_wait3A_345 = tpu.memref_squeeze %dma_wait3A_344 : memref<1x128xi32, #tpu.memory_space<vmem>> -> memref<128xi32, #tpu.memory_space<vmem>>
        %dma_wait3A_346 = arith.constant 0 : i32
        %dma_wait3A_347 = arith.constant 0 : i32
        %dma_wait3A_348 = tpu.memref_slice %arg10[%dma_wait3A_346, %dma_wait3A_347] : memref<257x128xf32, #tpu.memory_space<vmem_shared>> -> memref<257x128xf32, #tpu.memory_space<vmem_shared>>
        tpu.wait_indirect_dma semaphore(%arg12 : memref<!tpu.dma_semaphore, #tpu.memory_space<semaphore_mem>>) src(%dma_wait3A_348 : memref<257x128xf32, #tpu.memory_space<vmem_shared>>) dst(%dma_wait3A_342 : memref<128x128xf32, #tpu.memory_space<vmem>>)
        %add3A_349 = arith.constant 1 : i32
        %add3A_350 = arith.addi %mul3A_296, %add3A_349 : i32
        %mul3A_351 = arith.constant 128 : i32
        %mul3A_352 = arith.muli %add3A_350, %mul3A_351 : i32
        %add3A_353 = arith.addi %mul3A_2, %mul3A_352 : i32
        %dma_start3A_354 = arith.constant 1 : i32
        %dma_start3A_355 = arith.constant 0 : i32
        %dma_start3A_356 = arith.constant 0 : i32
        %dma_start3A_357 = tpu.memref_slice %arg6[%dma_start3A_354, %dma_start3A_355, %dma_start3A_356] : memref<4x128x128xf32, #tpu.memory_space<vmem>> -> memref<1x128x128xf32, #tpu.memory_space<vmem>>
        %dma_start3A_358 = tpu.memref_squeeze %dma_start3A_357 : memref<1x128x128xf32, #tpu.memory_space<vmem>> -> memref<128x128xf32, #tpu.memory_space<vmem>>
        %dma_start3A_359 = arith.constant 0 : i32
        %dma_start3A_360 = tpu.memref_slice %arg4[%add3A_353, %dma_start3A_359] : memref<589824x128xf32, #tpu.memory_space<hbm>> -> memref<128x128xf32, #tpu.memory_space<hbm>>
        %dma_start3A_361 = arith.constant 0 : i32
        %dma_start3A_362 = tpu.memref_slice %arg4[%add3A_353, %dma_start3A_361] : memref<589824x128xf32, #tpu.memory_space<hbm>> -> memref<128x128xf32, #tpu.memory_space<hbm>>
        %dma_start3A_363 = arith.constant 0 : i32
        %dma_start3A_364 = arith.constant 0 : i32
        %dma_start3A_365 = tpu.memref_slice %arg6[%dma_start3A_354, %dma_start3A_363, %dma_start3A_364] : memref<4x128x128xf32, #tpu.memory_space<vmem>> -> memref<1x128x128xf32, #tpu.memory_space<vmem>>
        %dma_start3A_366 = tpu.memref_squeeze %dma_start3A_365 : memref<1x128x128xf32, #tpu.memory_space<vmem>> -> memref<128x128xf32, #tpu.memory_space<vmem>>
        tpu.enqueue_dma source(%dma_start3A_366 : memref<128x128xf32, #tpu.memory_space<vmem>>) target(%dma_start3A_362 : memref<128x128xf32, #tpu.memory_space<hbm>>) target_semaphore(%arg13 : memref<!tpu.dma_semaphore, #tpu.memory_space<semaphore_mem>>)
        %add3A_367 = arith.constant 2 : i32
        %add3A_368 = arith.addi %mul3A_296, %add3A_367 : i32
        %mul3A_369 = arith.constant 1 : i32
        %mul3A_370 = arith.muli %add3A_368, %mul3A_369 : i32
        %add3A_371 = arith.constant 0 : i32
        %add3A_372 = arith.addi %mul3A_370, %add3A_371 : i32
        %dma_wait3A_373 = arith.constant 2 : i32
        %dma_wait3A_374 = arith.constant 0 : i32
        %dma_wait3A_375 = arith.constant 0 : i32
        %dma_wait3A_376 = tpu.memref_slice %arg6[%dma_wait3A_373, %dma_wait3A_374, %dma_wait3A_375] : memref<4x128x128xf32, #tpu.memory_space<vmem>> -> memref<1x128x128xf32, #tpu.memory_space<vmem>>
        %dma_wait3A_377 = tpu.memref_squeeze %dma_wait3A_376 : memref<1x128x128xf32, #tpu.memory_space<vmem>> -> memref<128x128xf32, #tpu.memory_space<vmem>>
        %dma_wait3A_378 = arith.constant 0 : i32
        %dma_wait3A_379 = tpu.memref_slice %arg5[%add3A_372, %dma_wait3A_378] : memref<144x128xi32, #tpu.memory_space<vmem>> -> memref<1x128xi32, #tpu.memory_space<vmem>>
        %dma_wait3A_380 = tpu.memref_squeeze %dma_wait3A_379 : memref<1x128xi32, #tpu.memory_space<vmem>> -> memref<128xi32, #tpu.memory_space<vmem>>
        %dma_wait3A_381 = arith.constant 0 : i32
        %dma_wait3A_382 = arith.constant 0 : i32
        %dma_wait3A_383 = tpu.memref_slice %arg10[%dma_wait3A_381, %dma_wait3A_382] : memref<257x128xf32, #tpu.memory_space<vmem_shared>> -> memref<257x128xf32, #tpu.memory_space<vmem_shared>>
        tpu.wait_indirect_dma semaphore(%arg12 : memref<!tpu.dma_semaphore, #tpu.memory_space<semaphore_mem>>) src(%dma_wait3A_383 : memref<257x128xf32, #tpu.memory_space<vmem_shared>>) dst(%dma_wait3A_377 : memref<128x128xf32, #tpu.memory_space<vmem>>)
        %add3A_384 = arith.constant 2 : i32
        %add3A_385 = arith.addi %mul3A_296, %add3A_384 : i32
        %mul3A_386 = arith.constant 128 : i32
        %mul3A_387 = arith.muli %add3A_385, %mul3A_386 : i32
        %add3A_388 = arith.addi %mul3A_2, %mul3A_387 : i32
        %dma_start3A_389 = arith.constant 2 : i32
        %dma_start3A_390 = arith.constant 0 : i32
        %dma_start3A_391 = arith.constant 0 : i32
        %dma_start3A_392 = tpu.memref_slice %arg6[%dma_start3A_389, %dma_start3A_390, %dma_start3A_391] : memref<4x128x128xf32, #tpu.memory_space<vmem>> -> memref<1x128x128xf32, #tpu.memory_space<vmem>>
        %dma_start3A_393 = tpu.memref_squeeze %dma_start3A_392 : memref<1x128x128xf32, #tpu.memory_space<vmem>> -> memref<128x128xf32, #tpu.memory_space<vmem>>
        %dma_start3A_394 = arith.constant 0 : i32
        %dma_start3A_395 = tpu.memref_slice %arg4[%add3A_388, %dma_start3A_394] : memref<589824x128xf32, #tpu.memory_space<hbm>> -> memref<128x128xf32, #tpu.memory_space<hbm>>
        %dma_start3A_396 = arith.constant 0 : i32
        %dma_start3A_397 = tpu.memref_slice %arg4[%add3A_388, %dma_start3A_396] : memref<589824x128xf32, #tpu.memory_space<hbm>> -> memref<128x128xf32, #tpu.memory_space<hbm>>
        %dma_start3A_398 = arith.constant 0 : i32
        %dma_start3A_399 = arith.constant 0 : i32
        %dma_start3A_400 = tpu.memref_slice %arg6[%dma_start3A_389, %dma_start3A_398, %dma_start3A_399] : memref<4x128x128xf32, #tpu.memory_space<vmem>> -> memref<1x128x128xf32, #tpu.memory_space<vmem>>
        %dma_start3A_401 = tpu.memref_squeeze %dma_start3A_400 : memref<1x128x128xf32, #tpu.memory_space<vmem>> -> memref<128x128xf32, #tpu.memory_space<vmem>>
        tpu.enqueue_dma source(%dma_start3A_401 : memref<128x128xf32, #tpu.memory_space<vmem>>) target(%dma_start3A_397 : memref<128x128xf32, #tpu.memory_space<hbm>>) target_semaphore(%arg13 : memref<!tpu.dma_semaphore, #tpu.memory_space<semaphore_mem>>)
        %add3A_402 = arith.constant 3 : i32
        %add3A_403 = arith.addi %mul3A_296, %add3A_402 : i32
        %mul3A_404 = arith.constant 1 : i32
        %mul3A_405 = arith.muli %add3A_403, %mul3A_404 : i32
        %add3A_406 = arith.constant 0 : i32
        %add3A_407 = arith.addi %mul3A_405, %add3A_406 : i32
        %dma_wait3A_408 = arith.constant 3 : i32
        %dma_wait3A_409 = arith.constant 0 : i32
        %dma_wait3A_410 = arith.constant 0 : i32
        %dma_wait3A_411 = tpu.memref_slice %arg6[%dma_wait3A_408, %dma_wait3A_409, %dma_wait3A_410] : memref<4x128x128xf32, #tpu.memory_space<vmem>> -> memref<1x128x128xf32, #tpu.memory_space<vmem>>
        %dma_wait3A_412 = tpu.memref_squeeze %dma_wait3A_411 : memref<1x128x128xf32, #tpu.memory_space<vmem>> -> memref<128x128xf32, #tpu.memory_space<vmem>>
        %dma_wait3A_413 = arith.constant 0 : i32
        %dma_wait3A_414 = tpu.memref_slice %arg5[%add3A_407, %dma_wait3A_413] : memref<144x128xi32, #tpu.memory_space<vmem>> -> memref<1x128xi32, #tpu.memory_space<vmem>>
        %dma_wait3A_415 = tpu.memref_squeeze %dma_wait3A_414 : memref<1x128xi32, #tpu.memory_space<vmem>> -> memref<128xi32, #tpu.memory_space<vmem>>
        %dma_wait3A_416 = arith.constant 0 : i32
        %dma_wait3A_417 = arith.constant 0 : i32
        %dma_wait3A_418 = tpu.memref_slice %arg10[%dma_wait3A_416, %dma_wait3A_417] : memref<257x128xf32, #tpu.memory_space<vmem_shared>> -> memref<257x128xf32, #tpu.memory_space<vmem_shared>>
        tpu.wait_indirect_dma semaphore(%arg12 : memref<!tpu.dma_semaphore, #tpu.memory_space<semaphore_mem>>) src(%dma_wait3A_418 : memref<257x128xf32, #tpu.memory_space<vmem_shared>>) dst(%dma_wait3A_412 : memref<128x128xf32, #tpu.memory_space<vmem>>)
        %add3A_419 = arith.constant 3 : i32
        %add3A_420 = arith.addi %mul3A_296, %add3A_419 : i32
        %mul3A_421 = arith.constant 128 : i32
        %mul3A_422 = arith.muli %add3A_420, %mul3A_421 : i32
        %add3A_423 = arith.addi %mul3A_2, %mul3A_422 : i32
        %dma_start3A_424 = arith.constant 3 : i32
        %dma_start3A_425 = arith.constant 0 : i32
        %dma_start3A_426 = arith.constant 0 : i32
        %dma_start3A_427 = tpu.memref_slice %arg6[%dma_start3A_424, %dma_start3A_425, %dma_start3A_426] : memref<4x128x128xf32, #tpu.memory_space<vmem>> -> memref<1x128x128xf32, #tpu.memory_space<vmem>>
        %dma_start3A_428 = tpu.memref_squeeze %dma_start3A_427 : memref<1x128x128xf32, #tpu.memory_space<vmem>> -> memref<128x128xf32, #tpu.memory_space<vmem>>
        %dma_start3A_429 = arith.constant 0 : i32
        %dma_start3A_430 = tpu.memref_slice %arg4[%add3A_423, %dma_start3A_429] : memref<589824x128xf32, #tpu.memory_space<hbm>> -> memref<128x128xf32, #tpu.memory_space<hbm>>
        %dma_start3A_431 = arith.constant 0 : i32
        %dma_start3A_432 = tpu.memref_slice %arg4[%add3A_423, %dma_start3A_431] : memref<589824x128xf32, #tpu.memory_space<hbm>> -> memref<128x128xf32, #tpu.memory_space<hbm>>
        %dma_start3A_433 = arith.constant 0 : i32
        %dma_start3A_434 = arith.constant 0 : i32
        %dma_start3A_435 = tpu.memref_slice %arg6[%dma_start3A_424, %dma_start3A_433, %dma_start3A_434] : memref<4x128x128xf32, #tpu.memory_space<vmem>> -> memref<1x128x128xf32, #tpu.memory_space<vmem>>
        %dma_start3A_436 = tpu.memref_squeeze %dma_start3A_435 : memref<1x128x128xf32, #tpu.memory_space<vmem>> -> memref<128x128xf32, #tpu.memory_space<vmem>>
        tpu.enqueue_dma source(%dma_start3A_436 : memref<128x128xf32, #tpu.memory_space<vmem>>) target(%dma_start3A_432 : memref<128x128xf32, #tpu.memory_space<hbm>>) target_semaphore(%arg13 : memref<!tpu.dma_semaphore, #tpu.memory_space<semaphore_mem>>)
        %add3A_437 = arith.constant 0 : i32
        %add3A_438 = arith.addi %mul3A_296, %add3A_437 : i32
        %mul3A_439 = arith.constant 128 : i32
        %mul3A_440 = arith.muli %add3A_438, %mul3A_439 : i32
        %add3A_441 = arith.addi %mul3A_2, %mul3A_440 : i32
        %dma_wait3A_442 = arith.constant 0 : i32
        %dma_wait3A_443 = arith.constant 0 : i32
        %dma_wait3A_444 = arith.constant 0 : i32
        %dma_wait3A_445 = tpu.memref_slice %arg6[%dma_wait3A_442, %dma_wait3A_443, %dma_wait3A_444] : memref<4x128x128xf32, #tpu.memory_space<vmem>> -> memref<1x128x128xf32, #tpu.memory_space<vmem>>
        %dma_wait3A_446 = tpu.memref_squeeze %dma_wait3A_445 : memref<1x128x128xf32, #tpu.memory_space<vmem>> -> memref<128x128xf32, #tpu.memory_space<vmem>>
        %dma_wait3A_447 = arith.constant 0 : i32
        %dma_wait3A_448 = tpu.memref_slice %arg4[%add3A_441, %dma_wait3A_447] : memref<589824x128xf32, #tpu.memory_space<hbm>> -> memref<128x128xf32, #tpu.memory_space<hbm>>
        %dma_wait3A_449 = arith.constant 0 : i32
        %dma_wait3A_450 = tpu.memref_slice %arg4[%add3A_441, %dma_wait3A_449] : memref<589824x128xf32, #tpu.memory_space<hbm>> -> memref<128x128xf32, #tpu.memory_space<hbm>>
        %dma_wait3A_451 = arith.constant 0 : i32
        %dma_wait3A_452 = arith.constant 0 : i32
        %dma_wait3A_453 = tpu.memref_slice %arg6[%dma_wait3A_442, %dma_wait3A_451, %dma_wait3A_452] : memref<4x128x128xf32, #tpu.memory_space<vmem>> -> memref<1x128x128xf32, #tpu.memory_space<vmem>>
        %dma_wait3A_454 = tpu.memref_squeeze %dma_wait3A_453 : memref<1x128x128xf32, #tpu.memory_space<vmem>> -> memref<128x128xf32, #tpu.memory_space<vmem>>
        tpu.wait_dma2 semaphore(%arg13 : memref<!tpu.dma_semaphore, #tpu.memory_space<semaphore_mem>>) src(%dma_wait3A_454 : memref<128x128xf32, #tpu.memory_space<vmem>>) dst(%dma_wait3A_450 : memref<128x128xf32, #tpu.memory_space<hbm>>)
        %add3A_455 = arith.constant 4 : i32
        %add3A_456 = arith.addi %mul3A_296, %add3A_455 : i32
        %add3A_457 = arith.constant 0 : i32
        %add3A_458 = arith.addi %add3A_456, %add3A_457 : i32
        %mul3A_459 = arith.constant 1 : i32
        %mul3A_460 = arith.muli %add3A_458, %mul3A_459 : i32
        %add3A_461 = arith.constant 0 : i32
        %add3A_462 = arith.addi %mul3A_460, %add3A_461 : i32
        %dma_start3A_463 = arith.constant 0 : i32
        %dma_start3A_464 = arith.constant 0 : i32
        %dma_start3A_465 = arith.constant 0 : i32
        %dma_start3A_466 = tpu.memref_slice %arg6[%dma_start3A_463, %dma_start3A_464, %dma_start3A_465] : memref<4x128x128xf32, #tpu.memory_space<vmem>> -> memref<1x128x128xf32, #tpu.memory_space<vmem>>
        %dma_start3A_467 = tpu.memref_squeeze %dma_start3A_466 : memref<1x128x128xf32, #tpu.memory_space<vmem>> -> memref<128x128xf32, #tpu.memory_space<vmem>>
        %dma_start3A_468 = arith.constant 0 : i32
        %dma_start3A_469 = tpu.memref_slice %arg5[%add3A_462, %dma_start3A_468] : memref<144x128xi32, #tpu.memory_space<vmem>> -> memref<1x128xi32, #tpu.memory_space<vmem>>
        %dma_start3A_470 = tpu.memref_squeeze %dma_start3A_469 : memref<1x128xi32, #tpu.memory_space<vmem>> -> memref<128xi32, #tpu.memory_space<vmem>>
        %dma_start3A_471 = arith.constant 0 : i32
        %dma_start3A_472 = arith.constant 0 : i32
        %dma_start3A_473 = tpu.memref_slice %arg10[%dma_start3A_471, %dma_start3A_472] : memref<257x128xf32, #tpu.memory_space<vmem_shared>> -> memref<257x128xf32, #tpu.memory_space<vmem_shared>>
        tpu.enqueue_indirect_dma source(%dma_start3A_473 : memref<257x128xf32, #tpu.memory_space<vmem_shared>>) target(%dma_start3A_467 : memref<128x128xf32, #tpu.memory_space<vmem>>) offsets(%dma_start3A_470 : memref<128xi32, #tpu.memory_space<vmem>>) semaphore(%arg12 : memref<!tpu.dma_semaphore, #tpu.memory_space<semaphore_mem>>)
        %add3A_474 = arith.constant 1 : i32
        %add3A_475 = arith.addi %mul3A_296, %add3A_474 : i32
        %mul3A_476 = arith.constant 128 : i32
        %mul3A_477 = arith.muli %add3A_475, %mul3A_476 : i32
        %add3A_478 = arith.addi %mul3A_2, %mul3A_477 : i32
        %dma_wait3A_479 = arith.constant 1 : i32
        %dma_wait3A_480 = arith.constant 0 : i32
        %dma_wait3A_481 = arith.constant 0 : i32
        %dma_wait3A_482 = tpu.memref_slice %arg6[%dma_wait3A_479, %dma_wait3A_480, %dma_wait3A_481] : memref<4x128x128xf32, #tpu.memory_space<vmem>> -> memref<1x128x128xf32, #tpu.memory_space<vmem>>
        %dma_wait3A_483 = tpu.memref_squeeze %dma_wait3A_482 : memref<1x128x128xf32, #tpu.memory_space<vmem>> -> memref<128x128xf32, #tpu.memory_space<vmem>>
        %dma_wait3A_484 = arith.constant 0 : i32
        %dma_wait3A_485 = tpu.memref_slice %arg4[%add3A_478, %dma_wait3A_484] : memref<589824x128xf32, #tpu.memory_space<hbm>> -> memref<128x128xf32, #tpu.memory_space<hbm>>
        %dma_wait3A_486 = arith.constant 0 : i32
        %dma_wait3A_487 = tpu.memref_slice %arg4[%add3A_478, %dma_wait3A_486] : memref<589824x128xf32, #tpu.memory_space<hbm>> -> memref<128x128xf32, #tpu.memory_space<hbm>>
        %dma_wait3A_488 = arith.constant 0 : i32
        %dma_wait3A_489 = arith.constant 0 : i32
        %dma_wait3A_490 = tpu.memref_slice %arg6[%dma_wait3A_479, %dma_wait3A_488, %dma_wait3A_489] : memref<4x128x128xf32, #tpu.memory_space<vmem>> -> memref<1x128x128xf32, #tpu.memory_space<vmem>>
        %dma_wait3A_491 = tpu.memref_squeeze %dma_wait3A_490 : memref<1x128x128xf32, #tpu.memory_space<vmem>> -> memref<128x128xf32, #tpu.memory_space<vmem>>
        tpu.wait_dma2 semaphore(%arg13 : memref<!tpu.dma_semaphore, #tpu.memory_space<semaphore_mem>>) src(%dma_wait3A_491 : memref<128x128xf32, #tpu.memory_space<vmem>>) dst(%dma_wait3A_487 : memref<128x128xf32, #tpu.memory_space<hbm>>)
        %add3A_492 = arith.constant 4 : i32
        %add3A_493 = arith.addi %mul3A_296, %add3A_492 : i32
        %add3A_494 = arith.constant 1 : i32
        %add3A_495 = arith.addi %add3A_493, %add3A_494 : i32
        %mul3A_496 = arith.constant 1 : i32
        %mul3A_497 = arith.muli %add3A_495, %mul3A_496 : i32
        %add3A_498 = arith.constant 0 : i32
        %add3A_499 = arith.addi %mul3A_497, %add3A_498 : i32
        %dma_start3A_500 = arith.constant 1 : i32
        %dma_start3A_501 = arith.constant 0 : i32
        %dma_start3A_502 = arith.constant 0 : i32
        %dma_start3A_503 = tpu.memref_slice %arg6[%dma_start3A_500, %dma_start3A_501, %dma_start3A_502] : memref<4x128x128xf32, #tpu.memory_space<vmem>> -> memref<1x128x128xf32, #tpu.memory_space<vmem>>
        %dma_start3A_504 = tpu.memref_squeeze %dma_start3A_503 : memref<1x128x128xf32, #tpu.memory_space<vmem>> -> memref<128x128xf32, #tpu.memory_space<vmem>>
        %dma_start3A_505 = arith.constant 0 : i32
        %dma_start3A_506 = tpu.memref_slice %arg5[%add3A_499, %dma_start3A_505] : memref<144x128xi32, #tpu.memory_space<vmem>> -> memref<1x128xi32, #tpu.memory_space<vmem>>
        %dma_start3A_507 = tpu.memref_squeeze %dma_start3A_506 : memref<1x128xi32, #tpu.memory_space<vmem>> -> memref<128xi32, #tpu.memory_space<vmem>>
        %dma_start3A_508 = arith.constant 0 : i32
        %dma_start3A_509 = arith.constant 0 : i32
        %dma_start3A_510 = tpu.memref_slice %arg10[%dma_start3A_508, %dma_start3A_509] : memref<257x128xf32, #tpu.memory_space<vmem_shared>> -> memref<257x128xf32, #tpu.memory_space<vmem_shared>>
        tpu.enqueue_indirect_dma source(%dma_start3A_510 : memref<257x128xf32, #tpu.memory_space<vmem_shared>>) target(%dma_start3A_504 : memref<128x128xf32, #tpu.memory_space<vmem>>) offsets(%dma_start3A_507 : memref<128xi32, #tpu.memory_space<vmem>>) semaphore(%arg12 : memref<!tpu.dma_semaphore, #tpu.memory_space<semaphore_mem>>)
        %add3A_511 = arith.constant 2 : i32
        %add3A_512 = arith.addi %mul3A_296, %add3A_511 : i32
        %mul3A_513 = arith.constant 128 : i32
        %mul3A_514 = arith.muli %add3A_512, %mul3A_513 : i32
        %add3A_515 = arith.addi %mul3A_2, %mul3A_514 : i32
        %dma_wait3A_516 = arith.constant 2 : i32
        %dma_wait3A_517 = arith.constant 0 : i32
        %dma_wait3A_518 = arith.constant 0 : i32
        %dma_wait3A_519 = tpu.memref_slice %arg6[%dma_wait3A_516, %dma_wait3A_517, %dma_wait3A_518] : memref<4x128x128xf32, #tpu.memory_space<vmem>> -> memref<1x128x128xf32, #tpu.memory_space<vmem>>
        %dma_wait3A_520 = tpu.memref_squeeze %dma_wait3A_519 : memref<1x128x128xf32, #tpu.memory_space<vmem>> -> memref<128x128xf32, #tpu.memory_space<vmem>>
        %dma_wait3A_521 = arith.constant 0 : i32
        %dma_wait3A_522 = tpu.memref_slice %arg4[%add3A_515, %dma_wait3A_521] : memref<589824x128xf32, #tpu.memory_space<hbm>> -> memref<128x128xf32, #tpu.memory_space<hbm>>
        %dma_wait3A_523 = arith.constant 0 : i32
        %dma_wait3A_524 = tpu.memref_slice %arg4[%add3A_515, %dma_wait3A_523] : memref<589824x128xf32, #tpu.memory_space<hbm>> -> memref<128x128xf32, #tpu.memory_space<hbm>>
        %dma_wait3A_525 = arith.constant 0 : i32
        %dma_wait3A_526 = arith.constant 0 : i32
        %dma_wait3A_527 = tpu.memref_slice %arg6[%dma_wait3A_516, %dma_wait3A_525, %dma_wait3A_526] : memref<4x128x128xf32, #tpu.memory_space<vmem>> -> memref<1x128x128xf32, #tpu.memory_space<vmem>>
        %dma_wait3A_528 = tpu.memref_squeeze %dma_wait3A_527 : memref<1x128x128xf32, #tpu.memory_space<vmem>> -> memref<128x128xf32, #tpu.memory_space<vmem>>
        tpu.wait_dma2 semaphore(%arg13 : memref<!tpu.dma_semaphore, #tpu.memory_space<semaphore_mem>>) src(%dma_wait3A_528 : memref<128x128xf32, #tpu.memory_space<vmem>>) dst(%dma_wait3A_524 : memref<128x128xf32, #tpu.memory_space<hbm>>)
        %add3A_529 = arith.constant 4 : i32
        %add3A_530 = arith.addi %mul3A_296, %add3A_529 : i32
        %add3A_531 = arith.constant 2 : i32
        %add3A_532 = arith.addi %add3A_530, %add3A_531 : i32
        %mul3A_533 = arith.constant 1 : i32
        %mul3A_534 = arith.muli %add3A_532, %mul3A_533 : i32
        %add3A_535 = arith.constant 0 : i32
        %add3A_536 = arith.addi %mul3A_534, %add3A_535 : i32
        %dma_start3A_537 = arith.constant 2 : i32
        %dma_start3A_538 = arith.constant 0 : i32
        %dma_start3A_539 = arith.constant 0 : i32
        %dma_start3A_540 = tpu.memref_slice %arg6[%dma_start3A_537, %dma_start3A_538, %dma_start3A_539] : memref<4x128x128xf32, #tpu.memory_space<vmem>> -> memref<1x128x128xf32, #tpu.memory_space<vmem>>
        %dma_start3A_541 = tpu.memref_squeeze %dma_start3A_540 : memref<1x128x128xf32, #tpu.memory_space<vmem>> -> memref<128x128xf32, #tpu.memory_space<vmem>>
        %dma_start3A_542 = arith.constant 0 : i32
        %dma_start3A_543 = tpu.memref_slice %arg5[%add3A_536, %dma_start3A_542] : memref<144x128xi32, #tpu.memory_space<vmem>> -> memref<1x128xi32, #tpu.memory_space<vmem>>
        %dma_start3A_544 = tpu.memref_squeeze %dma_start3A_543 : memref<1x128xi32, #tpu.memory_space<vmem>> -> memref<128xi32, #tpu.memory_space<vmem>>
        %dma_start3A_545 = arith.constant 0 : i32
        %dma_start3A_546 = arith.constant 0 : i32
        %dma_start3A_547 = tpu.memref_slice %arg10[%dma_start3A_545, %dma_start3A_546] : memref<257x128xf32, #tpu.memory_space<vmem_shared>> -> memref<257x128xf32, #tpu.memory_space<vmem_shared>>
        tpu.enqueue_indirect_dma source(%dma_start3A_547 : memref<257x128xf32, #tpu.memory_space<vmem_shared>>) target(%dma_start3A_541 : memref<128x128xf32, #tpu.memory_space<vmem>>) offsets(%dma_start3A_544 : memref<128xi32, #tpu.memory_space<vmem>>) semaphore(%arg12 : memref<!tpu.dma_semaphore, #tpu.memory_space<semaphore_mem>>)
        %add3A_548 = arith.constant 3 : i32
        %add3A_549 = arith.addi %mul3A_296, %add3A_548 : i32
        %mul3A_550 = arith.constant 128 : i32
        %mul3A_551 = arith.muli %add3A_549, %mul3A_550 : i32
        %add3A_552 = arith.addi %mul3A_2, %mul3A_551 : i32
        %dma_wait3A_553 = arith.constant 3 : i32
        %dma_wait3A_554 = arith.constant 0 : i32
        %dma_wait3A_555 = arith.constant 0 : i32
        %dma_wait3A_556 = tpu.memref_slice %arg6[%dma_wait3A_553, %dma_wait3A_554, %dma_wait3A_555] : memref<4x128x128xf32, #tpu.memory_space<vmem>> -> memref<1x128x128xf32, #tpu.memory_space<vmem>>
        %dma_wait3A_557 = tpu.memref_squeeze %dma_wait3A_556 : memref<1x128x128xf32, #tpu.memory_space<vmem>> -> memref<128x128xf32, #tpu.memory_space<vmem>>
        %dma_wait3A_558 = arith.constant 0 : i32
        %dma_wait3A_559 = tpu.memref_slice %arg4[%add3A_552, %dma_wait3A_558] : memref<589824x128xf32, #tpu.memory_space<hbm>> -> memref<128x128xf32, #tpu.memory_space<hbm>>
        %dma_wait3A_560 = arith.constant 0 : i32
        %dma_wait3A_561 = tpu.memref_slice %arg4[%add3A_552, %dma_wait3A_560] : memref<589824x128xf32, #tpu.memory_space<hbm>> -> memref<128x128xf32, #tpu.memory_space<hbm>>
        %dma_wait3A_562 = arith.constant 0 : i32
        %dma_wait3A_563 = arith.constant 0 : i32
        %dma_wait3A_564 = tpu.memref_slice %arg6[%dma_wait3A_553, %dma_wait3A_562, %dma_wait3A_563] : memref<4x128x128xf32, #tpu.memory_space<vmem>> -> memref<1x128x128xf32, #tpu.memory_space<vmem>>
        %dma_wait3A_565 = tpu.memref_squeeze %dma_wait3A_564 : memref<1x128x128xf32, #tpu.memory_space<vmem>> -> memref<128x128xf32, #tpu.memory_space<vmem>>
        tpu.wait_dma2 semaphore(%arg13 : memref<!tpu.dma_semaphore, #tpu.memory_space<semaphore_mem>>) src(%dma_wait3A_565 : memref<128x128xf32, #tpu.memory_space<vmem>>) dst(%dma_wait3A_561 : memref<128x128xf32, #tpu.memory_space<hbm>>)
        %add3A_566 = arith.constant 4 : i32
        %add3A_567 = arith.addi %mul3A_296, %add3A_566 : i32
        %add3A_568 = arith.constant 3 : i32
        %add3A_569 = arith.addi %add3A_567, %add3A_568 : i32
        %mul3A_570 = arith.constant 1 : i32
        %mul3A_571 = arith.muli %add3A_569, %mul3A_570 : i32
        %add3A_572 = arith.constant 0 : i32
        %add3A_573 = arith.addi %mul3A_571, %add3A_572 : i32
        %dma_start3A_574 = arith.constant 3 : i32
        %dma_start3A_575 = arith.constant 0 : i32
        %dma_start3A_576 = arith.constant 0 : i32
        %dma_start3A_577 = tpu.memref_slice %arg6[%dma_start3A_574, %dma_start3A_575, %dma_start3A_576] : memref<4x128x128xf32, #tpu.memory_space<vmem>> -> memref<1x128x128xf32, #tpu.memory_space<vmem>>
        %dma_start3A_578 = tpu.memref_squeeze %dma_start3A_577 : memref<1x128x128xf32, #tpu.memory_space<vmem>> -> memref<128x128xf32, #tpu.memory_space<vmem>>
        %dma_start3A_579 = arith.constant 0 : i32
        %dma_start3A_580 = tpu.memref_slice %arg5[%add3A_573, %dma_start3A_579] : memref<144x128xi32, #tpu.memory_space<vmem>> -> memref<1x128xi32, #tpu.memory_space<vmem>>
        %dma_start3A_581 = tpu.memref_squeeze %dma_start3A_580 : memref<1x128xi32, #tpu.memory_space<vmem>> -> memref<128xi32, #tpu.memory_space<vmem>>
        %dma_start3A_582 = arith.constant 0 : i32
        %dma_start3A_583 = arith.constant 0 : i32
        %dma_start3A_584 = tpu.memref_slice %arg10[%dma_start3A_582, %dma_start3A_583] : memref<257x128xf32, #tpu.memory_space<vmem_shared>> -> memref<257x128xf32, #tpu.memory_space<vmem_shared>>
        tpu.enqueue_indirect_dma source(%dma_start3A_584 : memref<257x128xf32, #tpu.memory_space<vmem_shared>>) target(%dma_start3A_578 : memref<128x128xf32, #tpu.memory_space<vmem>>) offsets(%dma_start3A_581 : memref<128xi32, #tpu.memory_space<vmem>>) semaphore(%arg12 : memref<!tpu.dma_semaphore, #tpu.memory_space<semaphore_mem>>)
      }
      %scan3A_121 = arith.constant 35 : i32
      %dma_wait3A_122 = arith.constant 140 : i32
      %dma_wait3A_123 = arith.constant 0 : i32
      %dma_wait3A_124 = arith.constant 0 : i32
      %dma_wait3A_125 = arith.constant 0 : i32
      %dma_wait3A_126 = tpu.memref_slice %arg6[%dma_wait3A_123, %dma_wait3A_124, %dma_wait3A_125] : memref<4x128x128xf32, #tpu.memory_space<vmem>> -> memref<1x128x128xf32, #tpu.memory_space<vmem>>
      %dma_wait3A_127 = tpu.memref_squeeze %dma_wait3A_126 : memref<1x128x128xf32, #tpu.memory_space<vmem>> -> memref<128x128xf32, #tpu.memory_space<vmem>>
      %dma_wait3A_128 = arith.constant 0 : i32
      %dma_wait3A_129 = tpu.memref_slice %arg5[%dma_wait3A_122, %dma_wait3A_128] : memref<144x128xi32, #tpu.memory_space<vmem>> -> memref<1x128xi32, #tpu.memory_space<vmem>>
      %dma_wait3A_130 = tpu.memref_squeeze %dma_wait3A_129 : memref<1x128xi32, #tpu.memory_space<vmem>> -> memref<128xi32, #tpu.memory_space<vmem>>
      %dma_wait3A_131 = arith.constant 0 : i32
      %dma_wait3A_132 = arith.constant 0 : i32
      %dma_wait3A_133 = tpu.memref_slice %arg10[%dma_wait3A_131, %dma_wait3A_132] : memref<257x128xf32, #tpu.memory_space<vmem_shared>> -> memref<257x128xf32, #tpu.memory_space<vmem_shared>>
      tpu.wait_indirect_dma semaphore(%arg12 : memref<!tpu.dma_semaphore, #tpu.memory_space<semaphore_mem>>) src(%dma_wait3A_133 : memref<257x128xf32, #tpu.memory_space<vmem_shared>>) dst(%dma_wait3A_127 : memref<128x128xf32, #tpu.memory_space<vmem>>)
      %add3A_134 = arith.constant 17920 : i32
      %add3A_135 = arith.addi %mul3A_2, %add3A_134 : i32
      %dma_start3A_136 = arith.constant 0 : i32
      %dma_start3A_137 = arith.constant 0 : i32
      %dma_start3A_138 = arith.constant 0 : i32
      %dma_start3A_139 = tpu.memref_slice %arg6[%dma_start3A_136, %dma_start3A_137, %dma_start3A_138] : memref<4x128x128xf32, #tpu.memory_space<vmem>> -> memref<1x128x128xf32, #tpu.memory_space<vmem>>
      %dma_start3A_140 = tpu.memref_squeeze %dma_start3A_139 : memref<1x128x128xf32, #tpu.memory_space<vmem>> -> memref<128x128xf32, #tpu.memory_space<vmem>>
      %dma_start3A_141 = arith.constant 0 : i32
      %dma_start3A_142 = tpu.memref_slice %arg4[%add3A_135, %dma_start3A_141] : memref<589824x128xf32, #tpu.memory_space<hbm>> -> memref<128x128xf32, #tpu.memory_space<hbm>>
      %dma_start3A_143 = arith.constant 0 : i32
      %dma_start3A_144 = tpu.memref_slice %arg4[%add3A_135, %dma_start3A_143] : memref<589824x128xf32, #tpu.memory_space<hbm>> -> memref<128x128xf32, #tpu.memory_space<hbm>>
      %dma_start3A_145 = arith.constant 0 : i32
      %dma_start3A_146 = arith.constant 0 : i32
      %dma_start3A_147 = tpu.memref_slice %arg6[%dma_start3A_136, %dma_start3A_145, %dma_start3A_146] : memref<4x128x128xf32, #tpu.memory_space<vmem>> -> memref<1x128x128xf32, #tpu.memory_space<vmem>>
      %dma_start3A_148 = tpu.memref_squeeze %dma_start3A_147 : memref<1x128x128xf32, #tpu.memory_space<vmem>> -> memref<128x128xf32, #tpu.memory_space<vmem>>
      tpu.enqueue_dma source(%dma_start3A_148 : memref<128x128xf32, #tpu.memory_space<vmem>>) target(%dma_start3A_144 : memref<128x128xf32, #tpu.memory_space<hbm>>) target_semaphore(%arg13 : memref<!tpu.dma_semaphore, #tpu.memory_space<semaphore_mem>>)
      %dma_wait3A_149 = arith.constant 141 : i32
      %dma_wait3A_150 = arith.constant 1 : i32
      %dma_wait3A_151 = arith.constant 0 : i32
      %dma_wait3A_152 = arith.constant 0 : i32
      %dma_wait3A_153 = tpu.memref_slice %arg6[%dma_wait3A_150, %dma_wait3A_151, %dma_wait3A_152] : memref<4x128x128xf32, #tpu.memory_space<vmem>> -> memref<1x128x128xf32, #tpu.memory_space<vmem>>
      %dma_wait3A_154 = tpu.memref_squeeze %dma_wait3A_153 : memref<1x128x128xf32, #tpu.memory_space<vmem>> -> memref<128x128xf32, #tpu.memory_space<vmem>>
      %dma_wait3A_155 = arith.constant 0 : i32
      %dma_wait3A_156 = tpu.memref_slice %arg5[%dma_wait3A_149, %dma_wait3A_155] : memref<144x128xi32, #tpu.memory_space<vmem>> -> memref<1x128xi32, #tpu.memory_space<vmem>>
      %dma_wait3A_157 = tpu.memref_squeeze %dma_wait3A_156 : memref<1x128xi32, #tpu.memory_space<vmem>> -> memref<128xi32, #tpu.memory_space<vmem>>
      %dma_wait3A_158 = arith.constant 0 : i32
      %dma_wait3A_159 = arith.constant 0 : i32
      %dma_wait3A_160 = tpu.memref_slice %arg10[%dma_wait3A_158, %dma_wait3A_159] : memref<257x128xf32, #tpu.memory_space<vmem_shared>> -> memref<257x128xf32, #tpu.memory_space<vmem_shared>>
      tpu.wait_indirect_dma semaphore(%arg12 : memref<!tpu.dma_semaphore, #tpu.memory_space<semaphore_mem>>) src(%dma_wait3A_160 : memref<257x128xf32, #tpu.memory_space<vmem_shared>>) dst(%dma_wait3A_154 : memref<128x128xf32, #tpu.memory_space<vmem>>)
      %add3A_161 = arith.constant 18048 : i32
      %add3A_162 = arith.addi %mul3A_2, %add3A_161 : i32
      %dma_start3A_163 = arith.constant 1 : i32
      %dma_start3A_164 = arith.constant 0 : i32
      %dma_start3A_165 = arith.constant 0 : i32
      %dma_start3A_166 = tpu.memref_slice %arg6[%dma_start3A_163, %dma_start3A_164, %dma_start3A_165] : memref<4x128x128xf32, #tpu.memory_space<vmem>> -> memref<1x128x128xf32, #tpu.memory_space<vmem>>
      %dma_start3A_167 = tpu.memref_squeeze %dma_start3A_166 : memref<1x128x128xf32, #tpu.memory_space<vmem>> -> memref<128x128xf32, #tpu.memory_space<vmem>>
      %dma_start3A_168 = arith.constant 0 : i32
      %dma_start3A_169 = tpu.memref_slice %arg4[%add3A_162, %dma_start3A_168] : memref<589824x128xf32, #tpu.memory_space<hbm>> -> memref<128x128xf32, #tpu.memory_space<hbm>>
      %dma_start3A_170 = arith.constant 0 : i32
      %dma_start3A_171 = tpu.memref_slice %arg4[%add3A_162, %dma_start3A_170] : memref<589824x128xf32, #tpu.memory_space<hbm>> -> memref<128x128xf32, #tpu.memory_space<hbm>>
      %dma_start3A_172 = arith.constant 0 : i32
      %dma_start3A_173 = arith.constant 0 : i32
      %dma_start3A_174 = tpu.memref_slice %arg6[%dma_start3A_163, %dma_start3A_172, %dma_start3A_173] : memref<4x128x128xf32, #tpu.memory_space<vmem>> -> memref<1x128x128xf32, #tpu.memory_space<vmem>>
      %dma_start3A_175 = tpu.memref_squeeze %dma_start3A_174 : memref<1x128x128xf32, #tpu.memory_space<vmem>> -> memref<128x128xf32, #tpu.memory_space<vmem>>
      tpu.enqueue_dma source(%dma_start3A_175 : memref<128x128xf32, #tpu.memory_space<vmem>>) target(%dma_start3A_171 : memref<128x128xf32, #tpu.memory_space<hbm>>) target_semaphore(%arg13 : memref<!tpu.dma_semaphore, #tpu.memory_space<semaphore_mem>>)
      %dma_wait3A_176 = arith.constant 142 : i32
      %dma_wait3A_177 = arith.constant 2 : i32
      %dma_wait3A_178 = arith.constant 0 : i32
      %dma_wait3A_179 = arith.constant 0 : i32
      %dma_wait3A_180 = tpu.memref_slice %arg6[%dma_wait3A_177, %dma_wait3A_178, %dma_wait3A_179] : memref<4x128x128xf32, #tpu.memory_space<vmem>> -> memref<1x128x128xf32, #tpu.memory_space<vmem>>
      %dma_wait3A_181 = tpu.memref_squeeze %dma_wait3A_180 : memref<1x128x128xf32, #tpu.memory_space<vmem>> -> memref<128x128xf32, #tpu.memory_space<vmem>>
      %dma_wait3A_182 = arith.constant 0 : i32
      %dma_wait3A_183 = tpu.memref_slice %arg5[%dma_wait3A_176, %dma_wait3A_182] : memref<144x128xi32, #tpu.memory_space<vmem>> -> memref<1x128xi32, #tpu.memory_space<vmem>>
      %dma_wait3A_184 = tpu.memref_squeeze %dma_wait3A_183 : memref<1x128xi32, #tpu.memory_space<vmem>> -> memref<128xi32, #tpu.memory_space<vmem>>
      %dma_wait3A_185 = arith.constant 0 : i32
      %dma_wait3A_186 = arith.constant 0 : i32
      %dma_wait3A_187 = tpu.memref_slice %arg10[%dma_wait3A_185, %dma_wait3A_186] : memref<257x128xf32, #tpu.memory_space<vmem_shared>> -> memref<257x128xf32, #tpu.memory_space<vmem_shared>>
      tpu.wait_indirect_dma semaphore(%arg12 : memref<!tpu.dma_semaphore, #tpu.memory_space<semaphore_mem>>) src(%dma_wait3A_187 : memref<257x128xf32, #tpu.memory_space<vmem_shared>>) dst(%dma_wait3A_181 : memref<128x128xf32, #tpu.memory_space<vmem>>)
      %add3A_188 = arith.constant 18176 : i32
      %add3A_189 = arith.addi %mul3A_2, %add3A_188 : i32
      %dma_start3A_190 = arith.constant 2 : i32
      %dma_start3A_191 = arith.constant 0 : i32
      %dma_start3A_192 = arith.constant 0 : i32
      %dma_start3A_193 = tpu.memref_slice %arg6[%dma_start3A_190, %dma_start3A_191, %dma_start3A_192] : memref<4x128x128xf32, #tpu.memory_space<vmem>> -> memref<1x128x128xf32, #tpu.memory_space<vmem>>
      %dma_start3A_194 = tpu.memref_squeeze %dma_start3A_193 : memref<1x128x128xf32, #tpu.memory_space<vmem>> -> memref<128x128xf32, #tpu.memory_space<vmem>>
      %dma_start3A_195 = arith.constant 0 : i32
      %dma_start3A_196 = tpu.memref_slice %arg4[%add3A_189, %dma_start3A_195] : memref<589824x128xf32, #tpu.memory_space<hbm>> -> memref<128x128xf32, #tpu.memory_space<hbm>>
      %dma_start3A_197 = arith.constant 0 : i32
      %dma_start3A_198 = tpu.memref_slice %arg4[%add3A_189, %dma_start3A_197] : memref<589824x128xf32, #tpu.memory_space<hbm>> -> memref<128x128xf32, #tpu.memory_space<hbm>>
      %dma_start3A_199 = arith.constant 0 : i32
      %dma_start3A_200 = arith.constant 0 : i32
      %dma_start3A_201 = tpu.memref_slice %arg6[%dma_start3A_190, %dma_start3A_199, %dma_start3A_200] : memref<4x128x128xf32, #tpu.memory_space<vmem>> -> memref<1x128x128xf32, #tpu.memory_space<vmem>>
      %dma_start3A_202 = tpu.memref_squeeze %dma_start3A_201 : memref<1x128x128xf32, #tpu.memory_space<vmem>> -> memref<128x128xf32, #tpu.memory_space<vmem>>
      tpu.enqueue_dma source(%dma_start3A_202 : memref<128x128xf32, #tpu.memory_space<vmem>>) target(%dma_start3A_198 : memref<128x128xf32, #tpu.memory_space<hbm>>) target_semaphore(%arg13 : memref<!tpu.dma_semaphore, #tpu.memory_space<semaphore_mem>>)
      %dma_wait3A_203 = arith.constant 143 : i32
      %dma_wait3A_204 = arith.constant 3 : i32
      %dma_wait3A_205 = arith.constant 0 : i32
      %dma_wait3A_206 = arith.constant 0 : i32
      %dma_wait3A_207 = tpu.memref_slice %arg6[%dma_wait3A_204, %dma_wait3A_205, %dma_wait3A_206] : memref<4x128x128xf32, #tpu.memory_space<vmem>> -> memref<1x128x128xf32, #tpu.memory_space<vmem>>
      %dma_wait3A_208 = tpu.memref_squeeze %dma_wait3A_207 : memref<1x128x128xf32, #tpu.memory_space<vmem>> -> memref<128x128xf32, #tpu.memory_space<vmem>>
      %dma_wait3A_209 = arith.constant 0 : i32
      %dma_wait3A_210 = tpu.memref_slice %arg5[%dma_wait3A_203, %dma_wait3A_209] : memref<144x128xi32, #tpu.memory_space<vmem>> -> memref<1x128xi32, #tpu.memory_space<vmem>>
      %dma_wait3A_211 = tpu.memref_squeeze %dma_wait3A_210 : memref<1x128xi32, #tpu.memory_space<vmem>> -> memref<128xi32, #tpu.memory_space<vmem>>
      %dma_wait3A_212 = arith.constant 0 : i32
      %dma_wait3A_213 = arith.constant 0 : i32
      %dma_wait3A_214 = tpu.memref_slice %arg10[%dma_wait3A_212, %dma_wait3A_213] : memref<257x128xf32, #tpu.memory_space<vmem_shared>> -> memref<257x128xf32, #tpu.memory_space<vmem_shared>>
      tpu.wait_indirect_dma semaphore(%arg12 : memref<!tpu.dma_semaphore, #tpu.memory_space<semaphore_mem>>) src(%dma_wait3A_214 : memref<257x128xf32, #tpu.memory_space<vmem_shared>>) dst(%dma_wait3A_208 : memref<128x128xf32, #tpu.memory_space<vmem>>)
      %add3A_215 = arith.constant 18304 : i32
      %add3A_216 = arith.addi %mul3A_2, %add3A_215 : i32
      %dma_start3A_217 = arith.constant 3 : i32
      %dma_start3A_218 = arith.constant 0 : i32
      %dma_start3A_219 = arith.constant 0 : i32
      %dma_start3A_220 = tpu.memref_slice %arg6[%dma_start3A_217, %dma_start3A_218, %dma_start3A_219] : memref<4x128x128xf32, #tpu.memory_space<vmem>> -> memref<1x128x128xf32, #tpu.memory_space<vmem>>
      %dma_start3A_221 = tpu.memref_squeeze %dma_start3A_220 : memref<1x128x128xf32, #tpu.memory_space<vmem>> -> memref<128x128xf32, #tpu.memory_space<vmem>>
      %dma_start3A_222 = arith.constant 0 : i32
      %dma_start3A_223 = tpu.memref_slice %arg4[%add3A_216, %dma_start3A_222] : memref<589824x128xf32, #tpu.memory_space<hbm>> -> memref<128x128xf32, #tpu.memory_space<hbm>>
      %dma_start3A_224 = arith.constant 0 : i32
      %dma_start3A_225 = tpu.memref_slice %arg4[%add3A_216, %dma_start3A_224] : memref<589824x128xf32, #tpu.memory_space<hbm>> -> memref<128x128xf32, #tpu.memory_space<hbm>>
      %dma_start3A_226 = arith.constant 0 : i32
      %dma_start3A_227 = arith.constant 0 : i32
      %dma_start3A_228 = tpu.memref_slice %arg6[%dma_start3A_217, %dma_start3A_226, %dma_start3A_227] : memref<4x128x128xf32, #tpu.memory_space<vmem>> -> memref<1x128x128xf32, #tpu.memory_space<vmem>>
      %dma_start3A_229 = tpu.memref_squeeze %dma_start3A_228 : memref<1x128x128xf32, #tpu.memory_space<vmem>> -> memref<128x128xf32, #tpu.memory_space<vmem>>
      tpu.enqueue_dma source(%dma_start3A_229 : memref<128x128xf32, #tpu.memory_space<vmem>>) target(%dma_start3A_225 : memref<128x128xf32, #tpu.memory_space<hbm>>) target_semaphore(%arg13 : memref<!tpu.dma_semaphore, #tpu.memory_space<semaphore_mem>>)
      %add3A_230 = arith.constant 17920 : i32
      %add3A_231 = arith.addi %mul3A_2, %add3A_230 : i32
      %dma_wait3A_232 = arith.constant 0 : i32
      %dma_wait3A_233 = arith.constant 0 : i32
      %dma_wait3A_234 = arith.constant 0 : i32
      %dma_wait3A_235 = tpu.memref_slice %arg6[%dma_wait3A_232, %dma_wait3A_233, %dma_wait3A_234] : memref<4x128x128xf32, #tpu.memory_space<vmem>> -> memref<1x128x128xf32, #tpu.memory_space<vmem>>
      %dma_wait3A_236 = tpu.memref_squeeze %dma_wait3A_235 : memref<1x128x128xf32, #tpu.memory_space<vmem>> -> memref<128x128xf32, #tpu.memory_space<vmem>>
      %dma_wait3A_237 = arith.constant 0 : i32
      %dma_wait3A_238 = tpu.memref_slice %arg4[%add3A_231, %dma_wait3A_237] : memref<589824x128xf32, #tpu.memory_space<hbm>> -> memref<128x128xf32, #tpu.memory_space<hbm>>
      %dma_wait3A_239 = arith.constant 0 : i32
      %dma_wait3A_240 = tpu.memref_slice %arg4[%add3A_231, %dma_wait3A_239] : memref<589824x128xf32, #tpu.memory_space<hbm>> -> memref<128x128xf32, #tpu.memory_space<hbm>>
      %dma_wait3A_241 = arith.constant 0 : i32
      %dma_wait3A_242 = arith.constant 0 : i32
      %dma_wait3A_243 = tpu.memref_slice %arg6[%dma_wait3A_232, %dma_wait3A_241, %dma_wait3A_242] : memref<4x128x128xf32, #tpu.memory_space<vmem>> -> memref<1x128x128xf32, #tpu.memory_space<vmem>>
      %dma_wait3A_244 = tpu.memref_squeeze %dma_wait3A_243 : memref<1x128x128xf32, #tpu.memory_space<vmem>> -> memref<128x128xf32, #tpu.memory_space<vmem>>
      tpu.wait_dma2 semaphore(%arg13 : memref<!tpu.dma_semaphore, #tpu.memory_space<semaphore_mem>>) src(%dma_wait3A_244 : memref<128x128xf32, #tpu.memory_space<vmem>>) dst(%dma_wait3A_240 : memref<128x128xf32, #tpu.memory_space<hbm>>)
      %add3A_245 = arith.constant 18048 : i32
      %add3A_246 = arith.addi %mul3A_2, %add3A_245 : i32
      %dma_wait3A_247 = arith.constant 1 : i32
      %dma_wait3A_248 = arith.constant 0 : i32
      %dma_wait3A_249 = arith.constant 0 : i32
      %dma_wait3A_250 = tpu.memref_slice %arg6[%dma_wait3A_247, %dma_wait3A_248, %dma_wait3A_249] : memref<4x128x128xf32, #tpu.memory_space<vmem>> -> memref<1x128x128xf32, #tpu.memory_space<vmem>>
      %dma_wait3A_251 = tpu.memref_squeeze %dma_wait3A_250 : memref<1x128x128xf32, #tpu.memory_space<vmem>> -> memref<128x128xf32, #tpu.memory_space<vmem>>
      %dma_wait3A_252 = arith.constant 0 : i32
      %dma_wait3A_253 = tpu.memref_slice %arg4[%add3A_246, %dma_wait3A_252] : memref<589824x128xf32, #tpu.memory_space<hbm>> -> memref<128x128xf32, #tpu.memory_space<hbm>>
      %dma_wait3A_254 = arith.constant 0 : i32
      %dma_wait3A_255 = tpu.memref_slice %arg4[%add3A_246, %dma_wait3A_254] : memref<589824x128xf32, #tpu.memory_space<hbm>> -> memref<128x128xf32, #tpu.memory_space<hbm>>
      %dma_wait3A_256 = arith.constant 0 : i32
      %dma_wait3A_257 = arith.constant 0 : i32
      %dma_wait3A_258 = tpu.memref_slice %arg6[%dma_wait3A_247, %dma_wait3A_256, %dma_wait3A_257] : memref<4x128x128xf32, #tpu.memory_space<vmem>> -> memref<1x128x128xf32, #tpu.memory_space<vmem>>
      %dma_wait3A_259 = tpu.memref_squeeze %dma_wait3A_258 : memref<1x128x128xf32, #tpu.memory_space<vmem>> -> memref<128x128xf32, #tpu.memory_space<vmem>>
      tpu.wait_dma2 semaphore(%arg13 : memref<!tpu.dma_semaphore, #tpu.memory_space<semaphore_mem>>) src(%dma_wait3A_259 : memref<128x128xf32, #tpu.memory_space<vmem>>) dst(%dma_wait3A_255 : memref<128x128xf32, #tpu.memory_space<hbm>>)
      %add3A_260 = arith.constant 18176 : i32
      %add3A_261 = arith.addi %mul3A_2, %add3A_260 : i32
      %dma_wait3A_262 = arith.constant 2 : i32
      %dma_wait3A_263 = arith.constant 0 : i32
      %dma_wait3A_264 = arith.constant 0 : i32
      %dma_wait3A_265 = tpu.memref_slice %arg6[%dma_wait3A_262, %dma_wait3A_263, %dma_wait3A_264] : memref<4x128x128xf32, #tpu.memory_space<vmem>> -> memref<1x128x128xf32, #tpu.memory_space<vmem>>
      %dma_wait3A_266 = tpu.memref_squeeze %dma_wait3A_265 : memref<1x128x128xf32, #tpu.memory_space<vmem>> -> memref<128x128xf32, #tpu.memory_space<vmem>>
      %dma_wait3A_267 = arith.constant 0 : i32
      %dma_wait3A_268 = tpu.memref_slice %arg4[%add3A_261, %dma_wait3A_267] : memref<589824x128xf32, #tpu.memory_space<hbm>> -> memref<128x128xf32, #tpu.memory_space<hbm>>
      %dma_wait3A_269 = arith.constant 0 : i32
      %dma_wait3A_270 = tpu.memref_slice %arg4[%add3A_261, %dma_wait3A_269] : memref<589824x128xf32, #tpu.memory_space<hbm>> -> memref<128x128xf32, #tpu.memory_space<hbm>>
      %dma_wait3A_271 = arith.constant 0 : i32
      %dma_wait3A_272 = arith.constant 0 : i32
      %dma_wait3A_273 = tpu.memref_slice %arg6[%dma_wait3A_262, %dma_wait3A_271, %dma_wait3A_272] : memref<4x128x128xf32, #tpu.memory_space<vmem>> -> memref<1x128x128xf32, #tpu.memory_space<vmem>>
      %dma_wait3A_274 = tpu.memref_squeeze %dma_wait3A_273 : memref<1x128x128xf32, #tpu.memory_space<vmem>> -> memref<128x128xf32, #tpu.memory_space<vmem>>
      tpu.wait_dma2 semaphore(%arg13 : memref<!tpu.dma_semaphore, #tpu.memory_space<semaphore_mem>>) src(%dma_wait3A_274 : memref<128x128xf32, #tpu.memory_space<vmem>>) dst(%dma_wait3A_270 : memref<128x128xf32, #tpu.memory_space<hbm>>)
      %add3A_275 = arith.constant 18304 : i32
      %add3A_276 = arith.addi %mul3A_2, %add3A_275 : i32
      %dma_wait3A_277 = arith.constant 3 : i32
      %dma_wait3A_278 = arith.constant 0 : i32
      %dma_wait3A_279 = arith.constant 0 : i32
      %dma_wait3A_280 = tpu.memref_slice %arg6[%dma_wait3A_277, %dma_wait3A_278, %dma_wait3A_279] : memref<4x128x128xf32, #tpu.memory_space<vmem>> -> memref<1x128x128xf32, #tpu.memory_space<vmem>>
      %dma_wait3A_281 = tpu.memref_squeeze %dma_wait3A_280 : memref<1x128x128xf32, #tpu.memory_space<vmem>> -> memref<128x128xf32, #tpu.memory_space<vmem>>
      %dma_wait3A_282 = arith.constant 0 : i32
      %dma_wait3A_283 = tpu.memref_slice %arg4[%add3A_276, %dma_wait3A_282] : memref<589824x128xf32, #tpu.memory_space<hbm>> -> memref<128x128xf32, #tpu.memory_space<hbm>>
      %dma_wait3A_284 = arith.constant 0 : i32
      %dma_wait3A_285 = tpu.memref_slice %arg4[%add3A_276, %dma_wait3A_284] : memref<589824x128xf32, #tpu.memory_space<hbm>> -> memref<128x128xf32, #tpu.memory_space<hbm>>
      %dma_wait3A_286 = arith.constant 0 : i32
      %dma_wait3A_287 = arith.constant 0 : i32
      %dma_wait3A_288 = tpu.memref_slice %arg6[%dma_wait3A_277, %dma_wait3A_286, %dma_wait3A_287] : memref<4x128x128xf32, #tpu.memory_space<vmem>> -> memref<1x128x128xf32, #tpu.memory_space<vmem>>
      %dma_wait3A_289 = tpu.memref_squeeze %dma_wait3A_288 : memref<1x128x128xf32, #tpu.memory_space<vmem>> -> memref<128x128xf32, #tpu.memory_space<vmem>>
      tpu.wait_dma2 semaphore(%arg13 : memref<!tpu.dma_semaphore, #tpu.memory_space<semaphore_mem>>) src(%dma_wait3A_289 : memref<128x128xf32, #tpu.memory_space<vmem>>) dst(%dma_wait3A_285 : memref<128x128xf32, #tpu.memory_space<hbm>>)
    } else {
    }
    %eq3A_65 = arith.constant 3 : i32
    %eq3A_66 = arith.cmpi eq, %select_n3A, %eq3A_65 : i32
    %convert_element_type3A_67 = arith.extui %eq3A_66 : i1 to i32
    %cond3A_68 = arith.constant 0 : i32
    %cond3A_69 = arith.cmpi ne, %convert_element_type3A_67, %cond3A_68 : i32
    scf.if %cond3A_69 {
      %dma_start3A_70 = arith.constant 0 : i32
      %dma_start3A_71 = arith.constant 0 : i32
      %dma_start3A_72 = arith.constant 0 : i32
      %dma_start3A_73 = arith.constant 0 : i32
      %dma_start3A_74 = tpu.memref_slice %arg6[%dma_start3A_71, %dma_start3A_72, %dma_start3A_73] : memref<4x128x128xf32, #tpu.memory_space<vmem>> -> memref<1x128x128xf32, #tpu.memory_space<vmem>>
      %dma_start3A_75 = tpu.memref_squeeze %dma_start3A_74 : memref<1x128x128xf32, #tpu.memory_space<vmem>> -> memref<128x128xf32, #tpu.memory_space<vmem>>
      %dma_start3A_76 = arith.constant 0 : i32
      %dma_start3A_77 = tpu.memref_slice %arg5[%dma_start3A_70, %dma_start3A_76] : memref<144x128xi32, #tpu.memory_space<vmem>> -> memref<1x128xi32, #tpu.memory_space<vmem>>
      %dma_start3A_78 = tpu.memref_squeeze %dma_start3A_77 : memref<1x128xi32, #tpu.memory_space<vmem>> -> memref<128xi32, #tpu.memory_space<vmem>>
      %dma_start3A_79 = arith.constant 0 : i32
      %dma_start3A_80 = arith.constant 0 : i32
      %dma_start3A_81 = tpu.memref_slice %arg11[%dma_start3A_79, %dma_start3A_80] : memref<257x128xf32, #tpu.memory_space<vmem_shared>> -> memref<257x128xf32, #tpu.memory_space<vmem_shared>>
      tpu.enqueue_indirect_dma source(%dma_start3A_81 : memref<257x128xf32, #tpu.memory_space<vmem_shared>>) target(%dma_start3A_75 : memref<128x128xf32, #tpu.memory_space<vmem>>) offsets(%dma_start3A_78 : memref<128xi32, #tpu.memory_space<vmem>>) semaphore(%arg12 : memref<!tpu.dma_semaphore, #tpu.memory_space<semaphore_mem>>)
      %dma_start3A_82 = arith.constant 1 : i32
      %dma_start3A_83 = arith.constant 1 : i32
      %dma_start3A_84 = arith.constant 0 : i32
      %dma_start3A_85 = arith.constant 0 : i32
      %dma_start3A_86 = tpu.memref_slice %arg6[%dma_start3A_83, %dma_start3A_84, %dma_start3A_85] : memref<4x128x128xf32, #tpu.memory_space<vmem>> -> memref<1x128x128xf32, #tpu.memory_space<vmem>>
      %dma_start3A_87 = tpu.memref_squeeze %dma_start3A_86 : memref<1x128x128xf32, #tpu.memory_space<vmem>> -> memref<128x128xf32, #tpu.memory_space<vmem>>
      %dma_start3A_88 = arith.constant 0 : i32
      %dma_start3A_89 = tpu.memref_slice %arg5[%dma_start3A_82, %dma_start3A_88] : memref<144x128xi32, #tpu.memory_space<vmem>> -> memref<1x128xi32, #tpu.memory_space<vmem>>
      %dma_start3A_90 = tpu.memref_squeeze %dma_start3A_89 : memref<1x128xi32, #tpu.memory_space<vmem>> -> memref<128xi32, #tpu.memory_space<vmem>>
      %dma_start3A_91 = arith.constant 0 : i32
      %dma_start3A_92 = arith.constant 0 : i32
      %dma_start3A_93 = tpu.memref_slice %arg11[%dma_start3A_91, %dma_start3A_92] : memref<257x128xf32, #tpu.memory_space<vmem_shared>> -> memref<257x128xf32, #tpu.memory_space<vmem_shared>>
      tpu.enqueue_indirect_dma source(%dma_start3A_93 : memref<257x128xf32, #tpu.memory_space<vmem_shared>>) target(%dma_start3A_87 : memref<128x128xf32, #tpu.memory_space<vmem>>) offsets(%dma_start3A_90 : memref<128xi32, #tpu.memory_space<vmem>>) semaphore(%arg12 : memref<!tpu.dma_semaphore, #tpu.memory_space<semaphore_mem>>)
      %dma_start3A_94 = arith.constant 2 : i32
      %dma_start3A_95 = arith.constant 2 : i32
      %dma_start3A_96 = arith.constant 0 : i32
      %dma_start3A_97 = arith.constant 0 : i32
      %dma_start3A_98 = tpu.memref_slice %arg6[%dma_start3A_95, %dma_start3A_96, %dma_start3A_97] : memref<4x128x128xf32, #tpu.memory_space<vmem>> -> memref<1x128x128xf32, #tpu.memory_space<vmem>>
      %dma_start3A_99 = tpu.memref_squeeze %dma_start3A_98 : memref<1x128x128xf32, #tpu.memory_space<vmem>> -> memref<128x128xf32, #tpu.memory_space<vmem>>
      %dma_start3A_100 = arith.constant 0 : i32
      %dma_start3A_101 = tpu.memref_slice %arg5[%dma_start3A_94, %dma_start3A_100] : memref<144x128xi32, #tpu.memory_space<vmem>> -> memref<1x128xi32, #tpu.memory_space<vmem>>
      %dma_start3A_102 = tpu.memref_squeeze %dma_start3A_101 : memref<1x128xi32, #tpu.memory_space<vmem>> -> memref<128xi32, #tpu.memory_space<vmem>>
      %dma_start3A_103 = arith.constant 0 : i32
      %dma_start3A_104 = arith.constant 0 : i32
      %dma_start3A_105 = tpu.memref_slice %arg11[%dma_start3A_103, %dma_start3A_104] : memref<257x128xf32, #tpu.memory_space<vmem_shared>> -> memref<257x128xf32, #tpu.memory_space<vmem_shared>>
      tpu.enqueue_indirect_dma source(%dma_start3A_105 : memref<257x128xf32, #tpu.memory_space<vmem_shared>>) target(%dma_start3A_99 : memref<128x128xf32, #tpu.memory_space<vmem>>) offsets(%dma_start3A_102 : memref<128xi32, #tpu.memory_space<vmem>>) semaphore(%arg12 : memref<!tpu.dma_semaphore, #tpu.memory_space<semaphore_mem>>)
      %dma_start3A_106 = arith.constant 3 : i32
      %dma_start3A_107 = arith.constant 3 : i32
      %dma_start3A_108 = arith.constant 0 : i32
      %dma_start3A_109 = arith.constant 0 : i32
      %dma_start3A_110 = tpu.memref_slice %arg6[%dma_start3A_107, %dma_start3A_108, %dma_start3A_109] : memref<4x128x128xf32, #tpu.memory_space<vmem>> -> memref<1x128x128xf32, #tpu.memory_space<vmem>>
      %dma_start3A_111 = tpu.memref_squeeze %dma_start3A_110 : memref<1x128x128xf32, #tpu.memory_space<vmem>> -> memref<128x128xf32, #tpu.memory_space<vmem>>
      %dma_start3A_112 = arith.constant 0 : i32
      %dma_start3A_113 = tpu.memref_slice %arg5[%dma_start3A_106, %dma_start3A_112] : memref<144x128xi32, #tpu.memory_space<vmem>> -> memref<1x128xi32, #tpu.memory_space<vmem>>
      %dma_start3A_114 = tpu.memref_squeeze %dma_start3A_113 : memref<1x128xi32, #tpu.memory_space<vmem>> -> memref<128xi32, #tpu.memory_space<vmem>>
      %dma_start3A_115 = arith.constant 0 : i32
      %dma_start3A_116 = arith.constant 0 : i32
      %dma_start3A_117 = tpu.memref_slice %arg11[%dma_start3A_115, %dma_start3A_116] : memref<257x128xf32, #tpu.memory_space<vmem_shared>> -> memref<257x128xf32, #tpu.memory_space<vmem_shared>>
      tpu.enqueue_indirect_dma source(%dma_start3A_117 : memref<257x128xf32, #tpu.memory_space<vmem_shared>>) target(%dma_start3A_111 : memref<128x128xf32, #tpu.memory_space<vmem>>) offsets(%dma_start3A_114 : memref<128xi32, #tpu.memory_space<vmem>>) semaphore(%arg12 : memref<!tpu.dma_semaphore, #tpu.memory_space<semaphore_mem>>)
      %scan3A = arith.constant 0 : i32
      %scan3A_118 = arith.constant 35 : i32
      %scan3A_119 = arith.addi %scan3A, %scan3A_118 : i32
      %scan3A_120 = arith.constant 1 : i32
      scf.for %scan3A_290 = %scan3A to %scan3A_119 step %scan3A_120  : i32 {
        %mul3A_291 = arith.constant 1 : i32
        %mul3A_292 = arith.muli %scan3A_290, %mul3A_291 : i32
        %add3A_293 = arith.constant 0 : i32
        %add3A_294 = arith.addi %add3A_293, %mul3A_292 : i32
        %mul3A_295 = arith.constant 4 : i32
        %mul3A_296 = arith.muli %add3A_294, %mul3A_295 : i32
        %add3A_297 = arith.constant 0 : i32
        %add3A_298 = arith.addi %mul3A_296, %add3A_297 : i32
        %mul3A_299 = arith.constant 1 : i32
        %mul3A_300 = arith.muli %add3A_298, %mul3A_299 : i32
        %add3A_301 = arith.constant 0 : i32
        %add3A_302 = arith.addi %mul3A_300, %add3A_301 : i32
        %dma_wait3A_303 = arith.constant 0 : i32
        %dma_wait3A_304 = arith.constant 0 : i32
        %dma_wait3A_305 = arith.constant 0 : i32
        %dma_wait3A_306 = tpu.memref_slice %arg6[%dma_wait3A_303, %dma_wait3A_304, %dma_wait3A_305] : memref<4x128x128xf32, #tpu.memory_space<vmem>> -> memref<1x128x128xf32, #tpu.memory_space<vmem>>
        %dma_wait3A_307 = tpu.memref_squeeze %dma_wait3A_306 : memref<1x128x128xf32, #tpu.memory_space<vmem>> -> memref<128x128xf32, #tpu.memory_space<vmem>>
        %dma_wait3A_308 = arith.constant 0 : i32
        %dma_wait3A_309 = tpu.memref_slice %arg5[%add3A_302, %dma_wait3A_308] : memref<144x128xi32, #tpu.memory_space<vmem>> -> memref<1x128xi32, #tpu.memory_space<vmem>>
        %dma_wait3A_310 = tpu.memref_squeeze %dma_wait3A_309 : memref<1x128xi32, #tpu.memory_space<vmem>> -> memref<128xi32, #tpu.memory_space<vmem>>
        %dma_wait3A_311 = arith.constant 0 : i32
        %dma_wait3A_312 = arith.constant 0 : i32
        %dma_wait3A_313 = tpu.memref_slice %arg11[%dma_wait3A_311, %dma_wait3A_312] : memref<257x128xf32, #tpu.memory_space<vmem_shared>> -> memref<257x128xf32, #tpu.memory_space<vmem_shared>>
        tpu.wait_indirect_dma semaphore(%arg12 : memref<!tpu.dma_semaphore, #tpu.memory_space<semaphore_mem>>) src(%dma_wait3A_313 : memref<257x128xf32, #tpu.memory_space<vmem_shared>>) dst(%dma_wait3A_307 : memref<128x128xf32, #tpu.memory_space<vmem>>)
        %add3A_314 = arith.constant 0 : i32
        %add3A_315 = arith.addi %mul3A_296, %add3A_314 : i32
        %mul3A_316 = arith.constant 128 : i32
        %mul3A_317 = arith.muli %add3A_315, %mul3A_316 : i32
        %add3A_318 = arith.addi %mul3A_2, %mul3A_317 : i32
        %dma_start3A_319 = arith.constant 0 : i32
        %dma_start3A_320 = arith.constant 0 : i32
        %dma_start3A_321 = arith.constant 0 : i32
        %dma_start3A_322 = tpu.memref_slice %arg6[%dma_start3A_319, %dma_start3A_320, %dma_start3A_321] : memref<4x128x128xf32, #tpu.memory_space<vmem>> -> memref<1x128x128xf32, #tpu.memory_space<vmem>>
        %dma_start3A_323 = tpu.memref_squeeze %dma_start3A_322 : memref<1x128x128xf32, #tpu.memory_space<vmem>> -> memref<128x128xf32, #tpu.memory_space<vmem>>
        %dma_start3A_324 = arith.constant 0 : i32
        %dma_start3A_325 = tpu.memref_slice %arg4[%add3A_318, %dma_start3A_324] : memref<589824x128xf32, #tpu.memory_space<hbm>> -> memref<128x128xf32, #tpu.memory_space<hbm>>
        %dma_start3A_326 = arith.constant 0 : i32
        %dma_start3A_327 = tpu.memref_slice %arg4[%add3A_318, %dma_start3A_326] : memref<589824x128xf32, #tpu.memory_space<hbm>> -> memref<128x128xf32, #tpu.memory_space<hbm>>
        %dma_start3A_328 = arith.constant 0 : i32
        %dma_start3A_329 = arith.constant 0 : i32
        %dma_start3A_330 = tpu.memref_slice %arg6[%dma_start3A_319, %dma_start3A_328, %dma_start3A_329] : memref<4x128x128xf32, #tpu.memory_space<vmem>> -> memref<1x128x128xf32, #tpu.memory_space<vmem>>
        %dma_start3A_331 = tpu.memref_squeeze %dma_start3A_330 : memref<1x128x128xf32, #tpu.memory_space<vmem>> -> memref<128x128xf32, #tpu.memory_space<vmem>>
        tpu.enqueue_dma source(%dma_start3A_331 : memref<128x128xf32, #tpu.memory_space<vmem>>) target(%dma_start3A_327 : memref<128x128xf32, #tpu.memory_space<hbm>>) target_semaphore(%arg13 : memref<!tpu.dma_semaphore, #tpu.memory_space<semaphore_mem>>)
        %add3A_332 = arith.constant 1 : i32
        %add3A_333 = arith.addi %mul3A_296, %add3A_332 : i32
        %mul3A_334 = arith.constant 1 : i32
        %mul3A_335 = arith.muli %add3A_333, %mul3A_334 : i32
        %add3A_336 = arith.constant 0 : i32
        %add3A_337 = arith.addi %mul3A_335, %add3A_336 : i32
        %dma_wait3A_338 = arith.constant 1 : i32
        %dma_wait3A_339 = arith.constant 0 : i32
        %dma_wait3A_340 = arith.constant 0 : i32
        %dma_wait3A_341 = tpu.memref_slice %arg6[%dma_wait3A_338, %dma_wait3A_339, %dma_wait3A_340] : memref<4x128x128xf32, #tpu.memory_space<vmem>> -> memref<1x128x128xf32, #tpu.memory_space<vmem>>
        %dma_wait3A_342 = tpu.memref_squeeze %dma_wait3A_341 : memref<1x128x128xf32, #tpu.memory_space<vmem>> -> memref<128x128xf32, #tpu.memory_space<vmem>>
        %dma_wait3A_343 = arith.constant 0 : i32
        %dma_wait3A_344 = tpu.memref_slice %arg5[%add3A_337, %dma_wait3A_343] : memref<144x128xi32, #tpu.memory_space<vmem>> -> memref<1x128xi32, #tpu.memory_space<vmem>>
        %dma_wait3A_345 = tpu.memref_squeeze %dma_wait3A_344 : memref<1x128xi32, #tpu.memory_space<vmem>> -> memref<128xi32, #tpu.memory_space<vmem>>
        %dma_wait3A_346 = arith.constant 0 : i32
        %dma_wait3A_347 = arith.constant 0 : i32
        %dma_wait3A_348 = tpu.memref_slice %arg11[%dma_wait3A_346, %dma_wait3A_347] : memref<257x128xf32, #tpu.memory_space<vmem_shared>> -> memref<257x128xf32, #tpu.memory_space<vmem_shared>>
        tpu.wait_indirect_dma semaphore(%arg12 : memref<!tpu.dma_semaphore, #tpu.memory_space<semaphore_mem>>) src(%dma_wait3A_348 : memref<257x128xf32, #tpu.memory_space<vmem_shared>>) dst(%dma_wait3A_342 : memref<128x128xf32, #tpu.memory_space<vmem>>)
        %add3A_349 = arith.constant 1 : i32
        %add3A_350 = arith.addi %mul3A_296, %add3A_349 : i32
        %mul3A_351 = arith.constant 128 : i32
        %mul3A_352 = arith.muli %add3A_350, %mul3A_351 : i32
        %add3A_353 = arith.addi %mul3A_2, %mul3A_352 : i32
        %dma_start3A_354 = arith.constant 1 : i32
        %dma_start3A_355 = arith.constant 0 : i32
        %dma_start3A_356 = arith.constant 0 : i32
        %dma_start3A_357 = tpu.memref_slice %arg6[%dma_start3A_354, %dma_start3A_355, %dma_start3A_356] : memref<4x128x128xf32, #tpu.memory_space<vmem>> -> memref<1x128x128xf32, #tpu.memory_space<vmem>>
        %dma_start3A_358 = tpu.memref_squeeze %dma_start3A_357 : memref<1x128x128xf32, #tpu.memory_space<vmem>> -> memref<128x128xf32, #tpu.memory_space<vmem>>
        %dma_start3A_359 = arith.constant 0 : i32
        %dma_start3A_360 = tpu.memref_slice %arg4[%add3A_353, %dma_start3A_359] : memref<589824x128xf32, #tpu.memory_space<hbm>> -> memref<128x128xf32, #tpu.memory_space<hbm>>
        %dma_start3A_361 = arith.constant 0 : i32
        %dma_start3A_362 = tpu.memref_slice %arg4[%add3A_353, %dma_start3A_361] : memref<589824x128xf32, #tpu.memory_space<hbm>> -> memref<128x128xf32, #tpu.memory_space<hbm>>
        %dma_start3A_363 = arith.constant 0 : i32
        %dma_start3A_364 = arith.constant 0 : i32
        %dma_start3A_365 = tpu.memref_slice %arg6[%dma_start3A_354, %dma_start3A_363, %dma_start3A_364] : memref<4x128x128xf32, #tpu.memory_space<vmem>> -> memref<1x128x128xf32, #tpu.memory_space<vmem>>
        %dma_start3A_366 = tpu.memref_squeeze %dma_start3A_365 : memref<1x128x128xf32, #tpu.memory_space<vmem>> -> memref<128x128xf32, #tpu.memory_space<vmem>>
        tpu.enqueue_dma source(%dma_start3A_366 : memref<128x128xf32, #tpu.memory_space<vmem>>) target(%dma_start3A_362 : memref<128x128xf32, #tpu.memory_space<hbm>>) target_semaphore(%arg13 : memref<!tpu.dma_semaphore, #tpu.memory_space<semaphore_mem>>)
        %add3A_367 = arith.constant 2 : i32
        %add3A_368 = arith.addi %mul3A_296, %add3A_367 : i32
        %mul3A_369 = arith.constant 1 : i32
        %mul3A_370 = arith.muli %add3A_368, %mul3A_369 : i32
        %add3A_371 = arith.constant 0 : i32
        %add3A_372 = arith.addi %mul3A_370, %add3A_371 : i32
        %dma_wait3A_373 = arith.constant 2 : i32
        %dma_wait3A_374 = arith.constant 0 : i32
        %dma_wait3A_375 = arith.constant 0 : i32
        %dma_wait3A_376 = tpu.memref_slice %arg6[%dma_wait3A_373, %dma_wait3A_374, %dma_wait3A_375] : memref<4x128x128xf32, #tpu.memory_space<vmem>> -> memref<1x128x128xf32, #tpu.memory_space<vmem>>
        %dma_wait3A_377 = tpu.memref_squeeze %dma_wait3A_376 : memref<1x128x128xf32, #tpu.memory_space<vmem>> -> memref<128x128xf32, #tpu.memory_space<vmem>>
        %dma_wait3A_378 = arith.constant 0 : i32
        %dma_wait3A_379 = tpu.memref_slice %arg5[%add3A_372, %dma_wait3A_378] : memref<144x128xi32, #tpu.memory_space<vmem>> -> memref<1x128xi32, #tpu.memory_space<vmem>>
        %dma_wait3A_380 = tpu.memref_squeeze %dma_wait3A_379 : memref<1x128xi32, #tpu.memory_space<vmem>> -> memref<128xi32, #tpu.memory_space<vmem>>
        %dma_wait3A_381 = arith.constant 0 : i32
        %dma_wait3A_382 = arith.constant 0 : i32
        %dma_wait3A_383 = tpu.memref_slice %arg11[%dma_wait3A_381, %dma_wait3A_382] : memref<257x128xf32, #tpu.memory_space<vmem_shared>> -> memref<257x128xf32, #tpu.memory_space<vmem_shared>>
        tpu.wait_indirect_dma semaphore(%arg12 : memref<!tpu.dma_semaphore, #tpu.memory_space<semaphore_mem>>) src(%dma_wait3A_383 : memref<257x128xf32, #tpu.memory_space<vmem_shared>>) dst(%dma_wait3A_377 : memref<128x128xf32, #tpu.memory_space<vmem>>)
        %add3A_384 = arith.constant 2 : i32
        %add3A_385 = arith.addi %mul3A_296, %add3A_384 : i32
        %mul3A_386 = arith.constant 128 : i32
        %mul3A_387 = arith.muli %add3A_385, %mul3A_386 : i32
        %add3A_388 = arith.addi %mul3A_2, %mul3A_387 : i32
        %dma_start3A_389 = arith.constant 2 : i32
        %dma_start3A_390 = arith.constant 0 : i32
        %dma_start3A_391 = arith.constant 0 : i32
        %dma_start3A_392 = tpu.memref_slice %arg6[%dma_start3A_389, %dma_start3A_390, %dma_start3A_391] : memref<4x128x128xf32, #tpu.memory_space<vmem>> -> memref<1x128x128xf32, #tpu.memory_space<vmem>>
        %dma_start3A_393 = tpu.memref_squeeze %dma_start3A_392 : memref<1x128x128xf32, #tpu.memory_space<vmem>> -> memref<128x128xf32, #tpu.memory_space<vmem>>
        %dma_start3A_394 = arith.constant 0 : i32
        %dma_start3A_395 = tpu.memref_slice %arg4[%add3A_388, %dma_start3A_394] : memref<589824x128xf32, #tpu.memory_space<hbm>> -> memref<128x128xf32, #tpu.memory_space<hbm>>
        %dma_start3A_396 = arith.constant 0 : i32
        %dma_start3A_397 = tpu.memref_slice %arg4[%add3A_388, %dma_start3A_396] : memref<589824x128xf32, #tpu.memory_space<hbm>> -> memref<128x128xf32, #tpu.memory_space<hbm>>
        %dma_start3A_398 = arith.constant 0 : i32
        %dma_start3A_399 = arith.constant 0 : i32
        %dma_start3A_400 = tpu.memref_slice %arg6[%dma_start3A_389, %dma_start3A_398, %dma_start3A_399] : memref<4x128x128xf32, #tpu.memory_space<vmem>> -> memref<1x128x128xf32, #tpu.memory_space<vmem>>
        %dma_start3A_401 = tpu.memref_squeeze %dma_start3A_400 : memref<1x128x128xf32, #tpu.memory_space<vmem>> -> memref<128x128xf32, #tpu.memory_space<vmem>>
        tpu.enqueue_dma source(%dma_start3A_401 : memref<128x128xf32, #tpu.memory_space<vmem>>) target(%dma_start3A_397 : memref<128x128xf32, #tpu.memory_space<hbm>>) target_semaphore(%arg13 : memref<!tpu.dma_semaphore, #tpu.memory_space<semaphore_mem>>)
        %add3A_402 = arith.constant 3 : i32
        %add3A_403 = arith.addi %mul3A_296, %add3A_402 : i32
        %mul3A_404 = arith.constant 1 : i32
        %mul3A_405 = arith.muli %add3A_403, %mul3A_404 : i32
        %add3A_406 = arith.constant 0 : i32
        %add3A_407 = arith.addi %mul3A_405, %add3A_406 : i32
        %dma_wait3A_408 = arith.constant 3 : i32
        %dma_wait3A_409 = arith.constant 0 : i32
        %dma_wait3A_410 = arith.constant 0 : i32
        %dma_wait3A_411 = tpu.memref_slice %arg6[%dma_wait3A_408, %dma_wait3A_409, %dma_wait3A_410] : memref<4x128x128xf32, #tpu.memory_space<vmem>> -> memref<1x128x128xf32, #tpu.memory_space<vmem>>
        %dma_wait3A_412 = tpu.memref_squeeze %dma_wait3A_411 : memref<1x128x128xf32, #tpu.memory_space<vmem>> -> memref<128x128xf32, #tpu.memory_space<vmem>>
        %dma_wait3A_413 = arith.constant 0 : i32
        %dma_wait3A_414 = tpu.memref_slice %arg5[%add3A_407, %dma_wait3A_413] : memref<144x128xi32, #tpu.memory_space<vmem>> -> memref<1x128xi32, #tpu.memory_space<vmem>>
        %dma_wait3A_415 = tpu.memref_squeeze %dma_wait3A_414 : memref<1x128xi32, #tpu.memory_space<vmem>> -> memref<128xi32, #tpu.memory_space<vmem>>
        %dma_wait3A_416 = arith.constant 0 : i32
        %dma_wait3A_417 = arith.constant 0 : i32
        %dma_wait3A_418 = tpu.memref_slice %arg11[%dma_wait3A_416, %dma_wait3A_417] : memref<257x128xf32, #tpu.memory_space<vmem_shared>> -> memref<257x128xf32, #tpu.memory_space<vmem_shared>>
        tpu.wait_indirect_dma semaphore(%arg12 : memref<!tpu.dma_semaphore, #tpu.memory_space<semaphore_mem>>) src(%dma_wait3A_418 : memref<257x128xf32, #tpu.memory_space<vmem_shared>>) dst(%dma_wait3A_412 : memref<128x128xf32, #tpu.memory_space<vmem>>)
        %add3A_419 = arith.constant 3 : i32
        %add3A_420 = arith.addi %mul3A_296, %add3A_419 : i32
        %mul3A_421 = arith.constant 128 : i32
        %mul3A_422 = arith.muli %add3A_420, %mul3A_421 : i32
        %add3A_423 = arith.addi %mul3A_2, %mul3A_422 : i32
        %dma_start3A_424 = arith.constant 3 : i32
        %dma_start3A_425 = arith.constant 0 : i32
        %dma_start3A_426 = arith.constant 0 : i32
        %dma_start3A_427 = tpu.memref_slice %arg6[%dma_start3A_424, %dma_start3A_425, %dma_start3A_426] : memref<4x128x128xf32, #tpu.memory_space<vmem>> -> memref<1x128x128xf32, #tpu.memory_space<vmem>>
        %dma_start3A_428 = tpu.memref_squeeze %dma_start3A_427 : memref<1x128x128xf32, #tpu.memory_space<vmem>> -> memref<128x128xf32, #tpu.memory_space<vmem>>
        %dma_start3A_429 = arith.constant 0 : i32
        %dma_start3A_430 = tpu.memref_slice %arg4[%add3A_423, %dma_start3A_429] : memref<589824x128xf32, #tpu.memory_space<hbm>> -> memref<128x128xf32, #tpu.memory_space<hbm>>
        %dma_start3A_431 = arith.constant 0 : i32
        %dma_start3A_432 = tpu.memref_slice %arg4[%add3A_423, %dma_start3A_431] : memref<589824x128xf32, #tpu.memory_space<hbm>> -> memref<128x128xf32, #tpu.memory_space<hbm>>
        %dma_start3A_433 = arith.constant 0 : i32
        %dma_start3A_434 = arith.constant 0 : i32
        %dma_start3A_435 = tpu.memref_slice %arg6[%dma_start3A_424, %dma_start3A_433, %dma_start3A_434] : memref<4x128x128xf32, #tpu.memory_space<vmem>> -> memref<1x128x128xf32, #tpu.memory_space<vmem>>
        %dma_start3A_436 = tpu.memref_squeeze %dma_start3A_435 : memref<1x128x128xf32, #tpu.memory_space<vmem>> -> memref<128x128xf32, #tpu.memory_space<vmem>>
        tpu.enqueue_dma source(%dma_start3A_436 : memref<128x128xf32, #tpu.memory_space<vmem>>) target(%dma_start3A_432 : memref<128x128xf32, #tpu.memory_space<hbm>>) target_semaphore(%arg13 : memref<!tpu.dma_semaphore, #tpu.memory_space<semaphore_mem>>)
        %add3A_437 = arith.constant 0 : i32
        %add3A_438 = arith.addi %mul3A_296, %add3A_437 : i32
        %mul3A_439 = arith.constant 128 : i32
        %mul3A_440 = arith.muli %add3A_438, %mul3A_439 : i32
        %add3A_441 = arith.addi %mul3A_2, %mul3A_440 : i32
        %dma_wait3A_442 = arith.constant 0 : i32
        %dma_wait3A_443 = arith.constant 0 : i32
        %dma_wait3A_444 = arith.constant 0 : i32
        %dma_wait3A_445 = tpu.memref_slice %arg6[%dma_wait3A_442, %dma_wait3A_443, %dma_wait3A_444] : memref<4x128x128xf32, #tpu.memory_space<vmem>> -> memref<1x128x128xf32, #tpu.memory_space<vmem>>
        %dma_wait3A_446 = tpu.memref_squeeze %dma_wait3A_445 : memref<1x128x128xf32, #tpu.memory_space<vmem>> -> memref<128x128xf32, #tpu.memory_space<vmem>>
        %dma_wait3A_447 = arith.constant 0 : i32
        %dma_wait3A_448 = tpu.memref_slice %arg4[%add3A_441, %dma_wait3A_447] : memref<589824x128xf32, #tpu.memory_space<hbm>> -> memref<128x128xf32, #tpu.memory_space<hbm>>
        %dma_wait3A_449 = arith.constant 0 : i32
        %dma_wait3A_450 = tpu.memref_slice %arg4[%add3A_441, %dma_wait3A_449] : memref<589824x128xf32, #tpu.memory_space<hbm>> -> memref<128x128xf32, #tpu.memory_space<hbm>>
        %dma_wait3A_451 = arith.constant 0 : i32
        %dma_wait3A_452 = arith.constant 0 : i32
        %dma_wait3A_453 = tpu.memref_slice %arg6[%dma_wait3A_442, %dma_wait3A_451, %dma_wait3A_452] : memref<4x128x128xf32, #tpu.memory_space<vmem>> -> memref<1x128x128xf32, #tpu.memory_space<vmem>>
        %dma_wait3A_454 = tpu.memref_squeeze %dma_wait3A_453 : memref<1x128x128xf32, #tpu.memory_space<vmem>> -> memref<128x128xf32, #tpu.memory_space<vmem>>
        tpu.wait_dma2 semaphore(%arg13 : memref<!tpu.dma_semaphore, #tpu.memory_space<semaphore_mem>>) src(%dma_wait3A_454 : memref<128x128xf32, #tpu.memory_space<vmem>>) dst(%dma_wait3A_450 : memref<128x128xf32, #tpu.memory_space<hbm>>)
        %add3A_455 = arith.constant 4 : i32
        %add3A_456 = arith.addi %mul3A_296, %add3A_455 : i32
        %add3A_457 = arith.constant 0 : i32
        %add3A_458 = arith.addi %add3A_456, %add3A_457 : i32
        %mul3A_459 = arith.constant 1 : i32
        %mul3A_460 = arith.muli %add3A_458, %mul3A_459 : i32
        %add3A_461 = arith.constant 0 : i32
        %add3A_462 = arith.addi %mul3A_460, %add3A_461 : i32
        %dma_start3A_463 = arith.constant 0 : i32
        %dma_start3A_464 = arith.constant 0 : i32
        %dma_start3A_465 = arith.constant 0 : i32
        %dma_start3A_466 = tpu.memref_slice %arg6[%dma_start3A_463, %dma_start3A_464, %dma_start3A_465] : memref<4x128x128xf32, #tpu.memory_space<vmem>> -> memref<1x128x128xf32, #tpu.memory_space<vmem>>
        %dma_start3A_467 = tpu.memref_squeeze %dma_start3A_466 : memref<1x128x128xf32, #tpu.memory_space<vmem>> -> memref<128x128xf32, #tpu.memory_space<vmem>>
        %dma_start3A_468 = arith.constant 0 : i32
        %dma_start3A_469 = tpu.memref_slice %arg5[%add3A_462, %dma_start3A_468] : memref<144x128xi32, #tpu.memory_space<vmem>> -> memref<1x128xi32, #tpu.memory_space<vmem>>
        %dma_start3A_470 = tpu.memref_squeeze %dma_start3A_469 : memref<1x128xi32, #tpu.memory_space<vmem>> -> memref<128xi32, #tpu.memory_space<vmem>>
        %dma_start3A_471 = arith.constant 0 : i32
        %dma_start3A_472 = arith.constant 0 : i32
        %dma_start3A_473 = tpu.memref_slice %arg11[%dma_start3A_471, %dma_start3A_472] : memref<257x128xf32, #tpu.memory_space<vmem_shared>> -> memref<257x128xf32, #tpu.memory_space<vmem_shared>>
        tpu.enqueue_indirect_dma source(%dma_start3A_473 : memref<257x128xf32, #tpu.memory_space<vmem_shared>>) target(%dma_start3A_467 : memref<128x128xf32, #tpu.memory_space<vmem>>) offsets(%dma_start3A_470 : memref<128xi32, #tpu.memory_space<vmem>>) semaphore(%arg12 : memref<!tpu.dma_semaphore, #tpu.memory_space<semaphore_mem>>)
        %add3A_474 = arith.constant 1 : i32
        %add3A_475 = arith.addi %mul3A_296, %add3A_474 : i32
        %mul3A_476 = arith.constant 128 : i32
        %mul3A_477 = arith.muli %add3A_475, %mul3A_476 : i32
        %add3A_478 = arith.addi %mul3A_2, %mul3A_477 : i32
        %dma_wait3A_479 = arith.constant 1 : i32
        %dma_wait3A_480 = arith.constant 0 : i32
        %dma_wait3A_481 = arith.constant 0 : i32
        %dma_wait3A_482 = tpu.memref_slice %arg6[%dma_wait3A_479, %dma_wait3A_480, %dma_wait3A_481] : memref<4x128x128xf32, #tpu.memory_space<vmem>> -> memref<1x128x128xf32, #tpu.memory_space<vmem>>
        %dma_wait3A_483 = tpu.memref_squeeze %dma_wait3A_482 : memref<1x128x128xf32, #tpu.memory_space<vmem>> -> memref<128x128xf32, #tpu.memory_space<vmem>>
        %dma_wait3A_484 = arith.constant 0 : i32
        %dma_wait3A_485 = tpu.memref_slice %arg4[%add3A_478, %dma_wait3A_484] : memref<589824x128xf32, #tpu.memory_space<hbm>> -> memref<128x128xf32, #tpu.memory_space<hbm>>
        %dma_wait3A_486 = arith.constant 0 : i32
        %dma_wait3A_487 = tpu.memref_slice %arg4[%add3A_478, %dma_wait3A_486] : memref<589824x128xf32, #tpu.memory_space<hbm>> -> memref<128x128xf32, #tpu.memory_space<hbm>>
        %dma_wait3A_488 = arith.constant 0 : i32
        %dma_wait3A_489 = arith.constant 0 : i32
        %dma_wait3A_490 = tpu.memref_slice %arg6[%dma_wait3A_479, %dma_wait3A_488, %dma_wait3A_489] : memref<4x128x128xf32, #tpu.memory_space<vmem>> -> memref<1x128x128xf32, #tpu.memory_space<vmem>>
        %dma_wait3A_491 = tpu.memref_squeeze %dma_wait3A_490 : memref<1x128x128xf32, #tpu.memory_space<vmem>> -> memref<128x128xf32, #tpu.memory_space<vmem>>
        tpu.wait_dma2 semaphore(%arg13 : memref<!tpu.dma_semaphore, #tpu.memory_space<semaphore_mem>>) src(%dma_wait3A_491 : memref<128x128xf32, #tpu.memory_space<vmem>>) dst(%dma_wait3A_487 : memref<128x128xf32, #tpu.memory_space<hbm>>)
        %add3A_492 = arith.constant 4 : i32
        %add3A_493 = arith.addi %mul3A_296, %add3A_492 : i32
        %add3A_494 = arith.constant 1 : i32
        %add3A_495 = arith.addi %add3A_493, %add3A_494 : i32
        %mul3A_496 = arith.constant 1 : i32
        %mul3A_497 = arith.muli %add3A_495, %mul3A_496 : i32
        %add3A_498 = arith.constant 0 : i32
        %add3A_499 = arith.addi %mul3A_497, %add3A_498 : i32
        %dma_start3A_500 = arith.constant 1 : i32
        %dma_start3A_501 = arith.constant 0 : i32
        %dma_start3A_502 = arith.constant 0 : i32
        %dma_start3A_503 = tpu.memref_slice %arg6[%dma_start3A_500, %dma_start3A_501, %dma_start3A_502] : memref<4x128x128xf32, #tpu.memory_space<vmem>> -> memref<1x128x128xf32, #tpu.memory_space<vmem>>
        %dma_start3A_504 = tpu.memref_squeeze %dma_start3A_503 : memref<1x128x128xf32, #tpu.memory_space<vmem>> -> memref<128x128xf32, #tpu.memory_space<vmem>>
        %dma_start3A_505 = arith.constant 0 : i32
        %dma_start3A_506 = tpu.memref_slice %arg5[%add3A_499, %dma_start3A_505] : memref<144x128xi32, #tpu.memory_space<vmem>> -> memref<1x128xi32, #tpu.memory_space<vmem>>
        %dma_start3A_507 = tpu.memref_squeeze %dma_start3A_506 : memref<1x128xi32, #tpu.memory_space<vmem>> -> memref<128xi32, #tpu.memory_space<vmem>>
        %dma_start3A_508 = arith.constant 0 : i32
        %dma_start3A_509 = arith.constant 0 : i32
        %dma_start3A_510 = tpu.memref_slice %arg11[%dma_start3A_508, %dma_start3A_509] : memref<257x128xf32, #tpu.memory_space<vmem_shared>> -> memref<257x128xf32, #tpu.memory_space<vmem_shared>>
        tpu.enqueue_indirect_dma source(%dma_start3A_510 : memref<257x128xf32, #tpu.memory_space<vmem_shared>>) target(%dma_start3A_504 : memref<128x128xf32, #tpu.memory_space<vmem>>) offsets(%dma_start3A_507 : memref<128xi32, #tpu.memory_space<vmem>>) semaphore(%arg12 : memref<!tpu.dma_semaphore, #tpu.memory_space<semaphore_mem>>)
        %add3A_511 = arith.constant 2 : i32
        %add3A_512 = arith.addi %mul3A_296, %add3A_511 : i32
        %mul3A_513 = arith.constant 128 : i32
        %mul3A_514 = arith.muli %add3A_512, %mul3A_513 : i32
        %add3A_515 = arith.addi %mul3A_2, %mul3A_514 : i32
        %dma_wait3A_516 = arith.constant 2 : i32
        %dma_wait3A_517 = arith.constant 0 : i32
        %dma_wait3A_518 = arith.constant 0 : i32
        %dma_wait3A_519 = tpu.memref_slice %arg6[%dma_wait3A_516, %dma_wait3A_517, %dma_wait3A_518] : memref<4x128x128xf32, #tpu.memory_space<vmem>> -> memref<1x128x128xf32, #tpu.memory_space<vmem>>
        %dma_wait3A_520 = tpu.memref_squeeze %dma_wait3A_519 : memref<1x128x128xf32, #tpu.memory_space<vmem>> -> memref<128x128xf32, #tpu.memory_space<vmem>>
        %dma_wait3A_521 = arith.constant 0 : i32
        %dma_wait3A_522 = tpu.memref_slice %arg4[%add3A_515, %dma_wait3A_521] : memref<589824x128xf32, #tpu.memory_space<hbm>> -> memref<128x128xf32, #tpu.memory_space<hbm>>
        %dma_wait3A_523 = arith.constant 0 : i32
        %dma_wait3A_524 = tpu.memref_slice %arg4[%add3A_515, %dma_wait3A_523] : memref<589824x128xf32, #tpu.memory_space<hbm>> -> memref<128x128xf32, #tpu.memory_space<hbm>>
        %dma_wait3A_525 = arith.constant 0 : i32
        %dma_wait3A_526 = arith.constant 0 : i32
        %dma_wait3A_527 = tpu.memref_slice %arg6[%dma_wait3A_516, %dma_wait3A_525, %dma_wait3A_526] : memref<4x128x128xf32, #tpu.memory_space<vmem>> -> memref<1x128x128xf32, #tpu.memory_space<vmem>>
        %dma_wait3A_528 = tpu.memref_squeeze %dma_wait3A_527 : memref<1x128x128xf32, #tpu.memory_space<vmem>> -> memref<128x128xf32, #tpu.memory_space<vmem>>
        tpu.wait_dma2 semaphore(%arg13 : memref<!tpu.dma_semaphore, #tpu.memory_space<semaphore_mem>>) src(%dma_wait3A_528 : memref<128x128xf32, #tpu.memory_space<vmem>>) dst(%dma_wait3A_524 : memref<128x128xf32, #tpu.memory_space<hbm>>)
        %add3A_529 = arith.constant 4 : i32
        %add3A_530 = arith.addi %mul3A_296, %add3A_529 : i32
        %add3A_531 = arith.constant 2 : i32
        %add3A_532 = arith.addi %add3A_530, %add3A_531 : i32
        %mul3A_533 = arith.constant 1 : i32
        %mul3A_534 = arith.muli %add3A_532, %mul3A_533 : i32
        %add3A_535 = arith.constant 0 : i32
        %add3A_536 = arith.addi %mul3A_534, %add3A_535 : i32
        %dma_start3A_537 = arith.constant 2 : i32
        %dma_start3A_538 = arith.constant 0 : i32
        %dma_start3A_539 = arith.constant 0 : i32
        %dma_start3A_540 = tpu.memref_slice %arg6[%dma_start3A_537, %dma_start3A_538, %dma_start3A_539] : memref<4x128x128xf32, #tpu.memory_space<vmem>> -> memref<1x128x128xf32, #tpu.memory_space<vmem>>
        %dma_start3A_541 = tpu.memref_squeeze %dma_start3A_540 : memref<1x128x128xf32, #tpu.memory_space<vmem>> -> memref<128x128xf32, #tpu.memory_space<vmem>>
        %dma_start3A_542 = arith.constant 0 : i32
        %dma_start3A_543 = tpu.memref_slice %arg5[%add3A_536, %dma_start3A_542] : memref<144x128xi32, #tpu.memory_space<vmem>> -> memref<1x128xi32, #tpu.memory_space<vmem>>
        %dma_start3A_544 = tpu.memref_squeeze %dma_start3A_543 : memref<1x128xi32, #tpu.memory_space<vmem>> -> memref<128xi32, #tpu.memory_space<vmem>>
        %dma_start3A_545 = arith.constant 0 : i32
        %dma_start3A_546 = arith.constant 0 : i32
        %dma_start3A_547 = tpu.memref_slice %arg11[%dma_start3A_545, %dma_start3A_546] : memref<257x128xf32, #tpu.memory_space<vmem_shared>> -> memref<257x128xf32, #tpu.memory_space<vmem_shared>>
        tpu.enqueue_indirect_dma source(%dma_start3A_547 : memref<257x128xf32, #tpu.memory_space<vmem_shared>>) target(%dma_start3A_541 : memref<128x128xf32, #tpu.memory_space<vmem>>) offsets(%dma_start3A_544 : memref<128xi32, #tpu.memory_space<vmem>>) semaphore(%arg12 : memref<!tpu.dma_semaphore, #tpu.memory_space<semaphore_mem>>)
        %add3A_548 = arith.constant 3 : i32
        %add3A_549 = arith.addi %mul3A_296, %add3A_548 : i32
        %mul3A_550 = arith.constant 128 : i32
        %mul3A_551 = arith.muli %add3A_549, %mul3A_550 : i32
        %add3A_552 = arith.addi %mul3A_2, %mul3A_551 : i32
        %dma_wait3A_553 = arith.constant 3 : i32
        %dma_wait3A_554 = arith.constant 0 : i32
        %dma_wait3A_555 = arith.constant 0 : i32
        %dma_wait3A_556 = tpu.memref_slice %arg6[%dma_wait3A_553, %dma_wait3A_554, %dma_wait3A_555] : memref<4x128x128xf32, #tpu.memory_space<vmem>> -> memref<1x128x128xf32, #tpu.memory_space<vmem>>
        %dma_wait3A_557 = tpu.memref_squeeze %dma_wait3A_556 : memref<1x128x128xf32, #tpu.memory_space<vmem>> -> memref<128x128xf32, #tpu.memory_space<vmem>>
        %dma_wait3A_558 = arith.constant 0 : i32
        %dma_wait3A_559 = tpu.memref_slice %arg4[%add3A_552, %dma_wait3A_558] : memref<589824x128xf32, #tpu.memory_space<hbm>> -> memref<128x128xf32, #tpu.memory_space<hbm>>
        %dma_wait3A_560 = arith.constant 0 : i32
        %dma_wait3A_561 = tpu.memref_slice %arg4[%add3A_552, %dma_wait3A_560] : memref<589824x128xf32, #tpu.memory_space<hbm>> -> memref<128x128xf32, #tpu.memory_space<hbm>>
        %dma_wait3A_562 = arith.constant 0 : i32
        %dma_wait3A_563 = arith.constant 0 : i32
        %dma_wait3A_564 = tpu.memref_slice %arg6[%dma_wait3A_553, %dma_wait3A_562, %dma_wait3A_563] : memref<4x128x128xf32, #tpu.memory_space<vmem>> -> memref<1x128x128xf32, #tpu.memory_space<vmem>>
        %dma_wait3A_565 = tpu.memref_squeeze %dma_wait3A_564 : memref<1x128x128xf32, #tpu.memory_space<vmem>> -> memref<128x128xf32, #tpu.memory_space<vmem>>
        tpu.wait_dma2 semaphore(%arg13 : memref<!tpu.dma_semaphore, #tpu.memory_space<semaphore_mem>>) src(%dma_wait3A_565 : memref<128x128xf32, #tpu.memory_space<vmem>>) dst(%dma_wait3A_561 : memref<128x128xf32, #tpu.memory_space<hbm>>)
        %add3A_566 = arith.constant 4 : i32
        %add3A_567 = arith.addi %mul3A_296, %add3A_566 : i32
        %add3A_568 = arith.constant 3 : i32
        %add3A_569 = arith.addi %add3A_567, %add3A_568 : i32
        %mul3A_570 = arith.constant 1 : i32
        %mul3A_571 = arith.muli %add3A_569, %mul3A_570 : i32
        %add3A_572 = arith.constant 0 : i32
        %add3A_573 = arith.addi %mul3A_571, %add3A_572 : i32
        %dma_start3A_574 = arith.constant 3 : i32
        %dma_start3A_575 = arith.constant 0 : i32
        %dma_start3A_576 = arith.constant 0 : i32
        %dma_start3A_577 = tpu.memref_slice %arg6[%dma_start3A_574, %dma_start3A_575, %dma_start3A_576] : memref<4x128x128xf32, #tpu.memory_space<vmem>> -> memref<1x128x128xf32, #tpu.memory_space<vmem>>
        %dma_start3A_578 = tpu.memref_squeeze %dma_start3A_577 : memref<1x128x128xf32, #tpu.memory_space<vmem>> -> memref<128x128xf32, #tpu.memory_space<vmem>>
        %dma_start3A_579 = arith.constant 0 : i32
        %dma_start3A_580 = tpu.memref_slice %arg5[%add3A_573, %dma_start3A_579] : memref<144x128xi32, #tpu.memory_space<vmem>> -> memref<1x128xi32, #tpu.memory_space<vmem>>
        %dma_start3A_581 = tpu.memref_squeeze %dma_start3A_580 : memref<1x128xi32, #tpu.memory_space<vmem>> -> memref<128xi32, #tpu.memory_space<vmem>>
        %dma_start3A_582 = arith.constant 0 : i32
        %dma_start3A_583 = arith.constant 0 : i32
        %dma_start3A_584 = tpu.memref_slice %arg11[%dma_start3A_582, %dma_start3A_583] : memref<257x128xf32, #tpu.memory_space<vmem_shared>> -> memref<257x128xf32, #tpu.memory_space<vmem_shared>>
        tpu.enqueue_indirect_dma source(%dma_start3A_584 : memref<257x128xf32, #tpu.memory_space<vmem_shared>>) target(%dma_start3A_578 : memref<128x128xf32, #tpu.memory_space<vmem>>) offsets(%dma_start3A_581 : memref<128xi32, #tpu.memory_space<vmem>>) semaphore(%arg12 : memref<!tpu.dma_semaphore, #tpu.memory_space<semaphore_mem>>)
      }
      %scan3A_121 = arith.constant 35 : i32
      %dma_wait3A_122 = arith.constant 140 : i32
      %dma_wait3A_123 = arith.constant 0 : i32
      %dma_wait3A_124 = arith.constant 0 : i32
      %dma_wait3A_125 = arith.constant 0 : i32
      %dma_wait3A_126 = tpu.memref_slice %arg6[%dma_wait3A_123, %dma_wait3A_124, %dma_wait3A_125] : memref<4x128x128xf32, #tpu.memory_space<vmem>> -> memref<1x128x128xf32, #tpu.memory_space<vmem>>
      %dma_wait3A_127 = tpu.memref_squeeze %dma_wait3A_126 : memref<1x128x128xf32, #tpu.memory_space<vmem>> -> memref<128x128xf32, #tpu.memory_space<vmem>>
      %dma_wait3A_128 = arith.constant 0 : i32
      %dma_wait3A_129 = tpu.memref_slice %arg5[%dma_wait3A_122, %dma_wait3A_128] : memref<144x128xi32, #tpu.memory_space<vmem>> -> memref<1x128xi32, #tpu.memory_space<vmem>>
      %dma_wait3A_130 = tpu.memref_squeeze %dma_wait3A_129 : memref<1x128xi32, #tpu.memory_space<vmem>> -> memref<128xi32, #tpu.memory_space<vmem>>
      %dma_wait3A_131 = arith.constant 0 : i32
      %dma_wait3A_132 = arith.constant 0 : i32
      %dma_wait3A_133 = tpu.memref_slice %arg11[%dma_wait3A_131, %dma_wait3A_132] : memref<257x128xf32, #tpu.memory_space<vmem_shared>> -> memref<257x128xf32, #tpu.memory_space<vmem_shared>>
      tpu.wait_indirect_dma semaphore(%arg12 : memref<!tpu.dma_semaphore, #tpu.memory_space<semaphore_mem>>) src(%dma_wait3A_133 : memref<257x128xf32, #tpu.memory_space<vmem_shared>>) dst(%dma_wait3A_127 : memref<128x128xf32, #tpu.memory_space<vmem>>)
      %add3A_134 = arith.constant 17920 : i32
      %add3A_135 = arith.addi %mul3A_2, %add3A_134 : i32
      %dma_start3A_136 = arith.constant 0 : i32
      %dma_start3A_137 = arith.constant 0 : i32
      %dma_start3A_138 = arith.constant 0 : i32
      %dma_start3A_139 = tpu.memref_slice %arg6[%dma_start3A_136, %dma_start3A_137, %dma_start3A_138] : memref<4x128x128xf32, #tpu.memory_space<vmem>> -> memref<1x128x128xf32, #tpu.memory_space<vmem>>
      %dma_start3A_140 = tpu.memref_squeeze %dma_start3A_139 : memref<1x128x128xf32, #tpu.memory_space<vmem>> -> memref<128x128xf32, #tpu.memory_space<vmem>>
      %dma_start3A_141 = arith.constant 0 : i32
      %dma_start3A_142 = tpu.memref_slice %arg4[%add3A_135, %dma_start3A_141] : memref<589824x128xf32, #tpu.memory_space<hbm>> -> memref<128x128xf32, #tpu.memory_space<hbm>>
      %dma_start3A_143 = arith.constant 0 : i32
      %dma_start3A_144 = tpu.memref_slice %arg4[%add3A_135, %dma_start3A_143] : memref<589824x128xf32, #tpu.memory_space<hbm>> -> memref<128x128xf32, #tpu.memory_space<hbm>>
      %dma_start3A_145 = arith.constant 0 : i32
      %dma_start3A_146 = arith.constant 0 : i32
      %dma_start3A_147 = tpu.memref_slice %arg6[%dma_start3A_136, %dma_start3A_145, %dma_start3A_146] : memref<4x128x128xf32, #tpu.memory_space<vmem>> -> memref<1x128x128xf32, #tpu.memory_space<vmem>>
      %dma_start3A_148 = tpu.memref_squeeze %dma_start3A_147 : memref<1x128x128xf32, #tpu.memory_space<vmem>> -> memref<128x128xf32, #tpu.memory_space<vmem>>
      tpu.enqueue_dma source(%dma_start3A_148 : memref<128x128xf32, #tpu.memory_space<vmem>>) target(%dma_start3A_144 : memref<128x128xf32, #tpu.memory_space<hbm>>) target_semaphore(%arg13 : memref<!tpu.dma_semaphore, #tpu.memory_space<semaphore_mem>>)
      %dma_wait3A_149 = arith.constant 141 : i32
      %dma_wait3A_150 = arith.constant 1 : i32
      %dma_wait3A_151 = arith.constant 0 : i32
      %dma_wait3A_152 = arith.constant 0 : i32
      %dma_wait3A_153 = tpu.memref_slice %arg6[%dma_wait3A_150, %dma_wait3A_151, %dma_wait3A_152] : memref<4x128x128xf32, #tpu.memory_space<vmem>> -> memref<1x128x128xf32, #tpu.memory_space<vmem>>
      %dma_wait3A_154 = tpu.memref_squeeze %dma_wait3A_153 : memref<1x128x128xf32, #tpu.memory_space<vmem>> -> memref<128x128xf32, #tpu.memory_space<vmem>>
      %dma_wait3A_155 = arith.constant 0 : i32
      %dma_wait3A_156 = tpu.memref_slice %arg5[%dma_wait3A_149, %dma_wait3A_155] : memref<144x128xi32, #tpu.memory_space<vmem>> -> memref<1x128xi32, #tpu.memory_space<vmem>>
      %dma_wait3A_157 = tpu.memref_squeeze %dma_wait3A_156 : memref<1x128xi32, #tpu.memory_space<vmem>> -> memref<128xi32, #tpu.memory_space<vmem>>
      %dma_wait3A_158 = arith.constant 0 : i32
      %dma_wait3A_159 = arith.constant 0 : i32
      %dma_wait3A_160 = tpu.memref_slice %arg11[%dma_wait3A_158, %dma_wait3A_159] : memref<257x128xf32, #tpu.memory_space<vmem_shared>> -> memref<257x128xf32, #tpu.memory_space<vmem_shared>>
      tpu.wait_indirect_dma semaphore(%arg12 : memref<!tpu.dma_semaphore, #tpu.memory_space<semaphore_mem>>) src(%dma_wait3A_160 : memref<257x128xf32, #tpu.memory_space<vmem_shared>>) dst(%dma_wait3A_154 : memref<128x128xf32, #tpu.memory_space<vmem>>)
      %add3A_161 = arith.constant 18048 : i32
      %add3A_162 = arith.addi %mul3A_2, %add3A_161 : i32
      %dma_start3A_163 = arith.constant 1 : i32
      %dma_start3A_164 = arith.constant 0 : i32
      %dma_start3A_165 = arith.constant 0 : i32
      %dma_start3A_166 = tpu.memref_slice %arg6[%dma_start3A_163, %dma_start3A_164, %dma_start3A_165] : memref<4x128x128xf32, #tpu.memory_space<vmem>> -> memref<1x128x128xf32, #tpu.memory_space<vmem>>
      %dma_start3A_167 = tpu.memref_squeeze %dma_start3A_166 : memref<1x128x128xf32, #tpu.memory_space<vmem>> -> memref<128x128xf32, #tpu.memory_space<vmem>>
      %dma_start3A_168 = arith.constant 0 : i32
      %dma_start3A_169 = tpu.memref_slice %arg4[%add3A_162, %dma_start3A_168] : memref<589824x128xf32, #tpu.memory_space<hbm>> -> memref<128x128xf32, #tpu.memory_space<hbm>>
      %dma_start3A_170 = arith.constant 0 : i32
      %dma_start3A_171 = tpu.memref_slice %arg4[%add3A_162, %dma_start3A_170] : memref<589824x128xf32, #tpu.memory_space<hbm>> -> memref<128x128xf32, #tpu.memory_space<hbm>>
      %dma_start3A_172 = arith.constant 0 : i32
      %dma_start3A_173 = arith.constant 0 : i32
      %dma_start3A_174 = tpu.memref_slice %arg6[%dma_start3A_163, %dma_start3A_172, %dma_start3A_173] : memref<4x128x128xf32, #tpu.memory_space<vmem>> -> memref<1x128x128xf32, #tpu.memory_space<vmem>>
      %dma_start3A_175 = tpu.memref_squeeze %dma_start3A_174 : memref<1x128x128xf32, #tpu.memory_space<vmem>> -> memref<128x128xf32, #tpu.memory_space<vmem>>
      tpu.enqueue_dma source(%dma_start3A_175 : memref<128x128xf32, #tpu.memory_space<vmem>>) target(%dma_start3A_171 : memref<128x128xf32, #tpu.memory_space<hbm>>) target_semaphore(%arg13 : memref<!tpu.dma_semaphore, #tpu.memory_space<semaphore_mem>>)
      %dma_wait3A_176 = arith.constant 142 : i32
      %dma_wait3A_177 = arith.constant 2 : i32
      %dma_wait3A_178 = arith.constant 0 : i32
      %dma_wait3A_179 = arith.constant 0 : i32
      %dma_wait3A_180 = tpu.memref_slice %arg6[%dma_wait3A_177, %dma_wait3A_178, %dma_wait3A_179] : memref<4x128x128xf32, #tpu.memory_space<vmem>> -> memref<1x128x128xf32, #tpu.memory_space<vmem>>
      %dma_wait3A_181 = tpu.memref_squeeze %dma_wait3A_180 : memref<1x128x128xf32, #tpu.memory_space<vmem>> -> memref<128x128xf32, #tpu.memory_space<vmem>>
      %dma_wait3A_182 = arith.constant 0 : i32
      %dma_wait3A_183 = tpu.memref_slice %arg5[%dma_wait3A_176, %dma_wait3A_182] : memref<144x128xi32, #tpu.memory_space<vmem>> -> memref<1x128xi32, #tpu.memory_space<vmem>>
      %dma_wait3A_184 = tpu.memref_squeeze %dma_wait3A_183 : memref<1x128xi32, #tpu.memory_space<vmem>> -> memref<128xi32, #tpu.memory_space<vmem>>
      %dma_wait3A_185 = arith.constant 0 : i32
      %dma_wait3A_186 = arith.constant 0 : i32
      %dma_wait3A_187 = tpu.memref_slice %arg11[%dma_wait3A_185, %dma_wait3A_186] : memref<257x128xf32, #tpu.memory_space<vmem_shared>> -> memref<257x128xf32, #tpu.memory_space<vmem_shared>>
      tpu.wait_indirect_dma semaphore(%arg12 : memref<!tpu.dma_semaphore, #tpu.memory_space<semaphore_mem>>) src(%dma_wait3A_187 : memref<257x128xf32, #tpu.memory_space<vmem_shared>>) dst(%dma_wait3A_181 : memref<128x128xf32, #tpu.memory_space<vmem>>)
      %add3A_188 = arith.constant 18176 : i32
      %add3A_189 = arith.addi %mul3A_2, %add3A_188 : i32
      %dma_start3A_190 = arith.constant 2 : i32
      %dma_start3A_191 = arith.constant 0 : i32
      %dma_start3A_192 = arith.constant 0 : i32
      %dma_start3A_193 = tpu.memref_slice %arg6[%dma_start3A_190, %dma_start3A_191, %dma_start3A_192] : memref<4x128x128xf32, #tpu.memory_space<vmem>> -> memref<1x128x128xf32, #tpu.memory_space<vmem>>
      %dma_start3A_194 = tpu.memref_squeeze %dma_start3A_193 : memref<1x128x128xf32, #tpu.memory_space<vmem>> -> memref<128x128xf32, #tpu.memory_space<vmem>>
      %dma_start3A_195 = arith.constant 0 : i32
      %dma_start3A_196 = tpu.memref_slice %arg4[%add3A_189, %dma_start3A_195] : memref<589824x128xf32, #tpu.memory_space<hbm>> -> memref<128x128xf32, #tpu.memory_space<hbm>>
      %dma_start3A_197 = arith.constant 0 : i32
      %dma_start3A_198 = tpu.memref_slice %arg4[%add3A_189, %dma_start3A_197] : memref<589824x128xf32, #tpu.memory_space<hbm>> -> memref<128x128xf32, #tpu.memory_space<hbm>>
      %dma_start3A_199 = arith.constant 0 : i32
      %dma_start3A_200 = arith.constant 0 : i32
      %dma_start3A_201 = tpu.memref_slice %arg6[%dma_start3A_190, %dma_start3A_199, %dma_start3A_200] : memref<4x128x128xf32, #tpu.memory_space<vmem>> -> memref<1x128x128xf32, #tpu.memory_space<vmem>>
      %dma_start3A_202 = tpu.memref_squeeze %dma_start3A_201 : memref<1x128x128xf32, #tpu.memory_space<vmem>> -> memref<128x128xf32, #tpu.memory_space<vmem>>
      tpu.enqueue_dma source(%dma_start3A_202 : memref<128x128xf32, #tpu.memory_space<vmem>>) target(%dma_start3A_198 : memref<128x128xf32, #tpu.memory_space<hbm>>) target_semaphore(%arg13 : memref<!tpu.dma_semaphore, #tpu.memory_space<semaphore_mem>>)
      %dma_wait3A_203 = arith.constant 143 : i32
      %dma_wait3A_204 = arith.constant 3 : i32
      %dma_wait3A_205 = arith.constant 0 : i32
      %dma_wait3A_206 = arith.constant 0 : i32
      %dma_wait3A_207 = tpu.memref_slice %arg6[%dma_wait3A_204, %dma_wait3A_205, %dma_wait3A_206] : memref<4x128x128xf32, #tpu.memory_space<vmem>> -> memref<1x128x128xf32, #tpu.memory_space<vmem>>
      %dma_wait3A_208 = tpu.memref_squeeze %dma_wait3A_207 : memref<1x128x128xf32, #tpu.memory_space<vmem>> -> memref<128x128xf32, #tpu.memory_space<vmem>>
      %dma_wait3A_209 = arith.constant 0 : i32
      %dma_wait3A_210 = tpu.memref_slice %arg5[%dma_wait3A_203, %dma_wait3A_209] : memref<144x128xi32, #tpu.memory_space<vmem>> -> memref<1x128xi32, #tpu.memory_space<vmem>>
      %dma_wait3A_211 = tpu.memref_squeeze %dma_wait3A_210 : memref<1x128xi32, #tpu.memory_space<vmem>> -> memref<128xi32, #tpu.memory_space<vmem>>
      %dma_wait3A_212 = arith.constant 0 : i32
      %dma_wait3A_213 = arith.constant 0 : i32
      %dma_wait3A_214 = tpu.memref_slice %arg11[%dma_wait3A_212, %dma_wait3A_213] : memref<257x128xf32, #tpu.memory_space<vmem_shared>> -> memref<257x128xf32, #tpu.memory_space<vmem_shared>>
      tpu.wait_indirect_dma semaphore(%arg12 : memref<!tpu.dma_semaphore, #tpu.memory_space<semaphore_mem>>) src(%dma_wait3A_214 : memref<257x128xf32, #tpu.memory_space<vmem_shared>>) dst(%dma_wait3A_208 : memref<128x128xf32, #tpu.memory_space<vmem>>)
      %add3A_215 = arith.constant 18304 : i32
      %add3A_216 = arith.addi %mul3A_2, %add3A_215 : i32
      %dma_start3A_217 = arith.constant 3 : i32
      %dma_start3A_218 = arith.constant 0 : i32
      %dma_start3A_219 = arith.constant 0 : i32
      %dma_start3A_220 = tpu.memref_slice %arg6[%dma_start3A_217, %dma_start3A_218, %dma_start3A_219] : memref<4x128x128xf32, #tpu.memory_space<vmem>> -> memref<1x128x128xf32, #tpu.memory_space<vmem>>
      %dma_start3A_221 = tpu.memref_squeeze %dma_start3A_220 : memref<1x128x128xf32, #tpu.memory_space<vmem>> -> memref<128x128xf32, #tpu.memory_space<vmem>>
      %dma_start3A_222 = arith.constant 0 : i32
      %dma_start3A_223 = tpu.memref_slice %arg4[%add3A_216, %dma_start3A_222] : memref<589824x128xf32, #tpu.memory_space<hbm>> -> memref<128x128xf32, #tpu.memory_space<hbm>>
      %dma_start3A_224 = arith.constant 0 : i32
      %dma_start3A_225 = tpu.memref_slice %arg4[%add3A_216, %dma_start3A_224] : memref<589824x128xf32, #tpu.memory_space<hbm>> -> memref<128x128xf32, #tpu.memory_space<hbm>>
      %dma_start3A_226 = arith.constant 0 : i32
      %dma_start3A_227 = arith.constant 0 : i32
      %dma_start3A_228 = tpu.memref_slice %arg6[%dma_start3A_217, %dma_start3A_226, %dma_start3A_227] : memref<4x128x128xf32, #tpu.memory_space<vmem>> -> memref<1x128x128xf32, #tpu.memory_space<vmem>>
      %dma_start3A_229 = tpu.memref_squeeze %dma_start3A_228 : memref<1x128x128xf32, #tpu.memory_space<vmem>> -> memref<128x128xf32, #tpu.memory_space<vmem>>
      tpu.enqueue_dma source(%dma_start3A_229 : memref<128x128xf32, #tpu.memory_space<vmem>>) target(%dma_start3A_225 : memref<128x128xf32, #tpu.memory_space<hbm>>) target_semaphore(%arg13 : memref<!tpu.dma_semaphore, #tpu.memory_space<semaphore_mem>>)
      %add3A_230 = arith.constant 17920 : i32
      %add3A_231 = arith.addi %mul3A_2, %add3A_230 : i32
      %dma_wait3A_232 = arith.constant 0 : i32
      %dma_wait3A_233 = arith.constant 0 : i32
      %dma_wait3A_234 = arith.constant 0 : i32
      %dma_wait3A_235 = tpu.memref_slice %arg6[%dma_wait3A_232, %dma_wait3A_233, %dma_wait3A_234] : memref<4x128x128xf32, #tpu.memory_space<vmem>> -> memref<1x128x128xf32, #tpu.memory_space<vmem>>
      %dma_wait3A_236 = tpu.memref_squeeze %dma_wait3A_235 : memref<1x128x128xf32, #tpu.memory_space<vmem>> -> memref<128x128xf32, #tpu.memory_space<vmem>>
      %dma_wait3A_237 = arith.constant 0 : i32
      %dma_wait3A_238 = tpu.memref_slice %arg4[%add3A_231, %dma_wait3A_237] : memref<589824x128xf32, #tpu.memory_space<hbm>> -> memref<128x128xf32, #tpu.memory_space<hbm>>
      %dma_wait3A_239 = arith.constant 0 : i32
      %dma_wait3A_240 = tpu.memref_slice %arg4[%add3A_231, %dma_wait3A_239] : memref<589824x128xf32, #tpu.memory_space<hbm>> -> memref<128x128xf32, #tpu.memory_space<hbm>>
      %dma_wait3A_241 = arith.constant 0 : i32
      %dma_wait3A_242 = arith.constant 0 : i32
      %dma_wait3A_243 = tpu.memref_slice %arg6[%dma_wait3A_232, %dma_wait3A_241, %dma_wait3A_242] : memref<4x128x128xf32, #tpu.memory_space<vmem>> -> memref<1x128x128xf32, #tpu.memory_space<vmem>>
      %dma_wait3A_244 = tpu.memref_squeeze %dma_wait3A_243 : memref<1x128x128xf32, #tpu.memory_space<vmem>> -> memref<128x128xf32, #tpu.memory_space<vmem>>
      tpu.wait_dma2 semaphore(%arg13 : memref<!tpu.dma_semaphore, #tpu.memory_space<semaphore_mem>>) src(%dma_wait3A_244 : memref<128x128xf32, #tpu.memory_space<vmem>>) dst(%dma_wait3A_240 : memref<128x128xf32, #tpu.memory_space<hbm>>)
      %add3A_245 = arith.constant 18048 : i32
      %add3A_246 = arith.addi %mul3A_2, %add3A_245 : i32
      %dma_wait3A_247 = arith.constant 1 : i32
      %dma_wait3A_248 = arith.constant 0 : i32
      %dma_wait3A_249 = arith.constant 0 : i32
      %dma_wait3A_250 = tpu.memref_slice %arg6[%dma_wait3A_247, %dma_wait3A_248, %dma_wait3A_249] : memref<4x128x128xf32, #tpu.memory_space<vmem>> -> memref<1x128x128xf32, #tpu.memory_space<vmem>>
      %dma_wait3A_251 = tpu.memref_squeeze %dma_wait3A_250 : memref<1x128x128xf32, #tpu.memory_space<vmem>> -> memref<128x128xf32, #tpu.memory_space<vmem>>
      %dma_wait3A_252 = arith.constant 0 : i32
      %dma_wait3A_253 = tpu.memref_slice %arg4[%add3A_246, %dma_wait3A_252] : memref<589824x128xf32, #tpu.memory_space<hbm>> -> memref<128x128xf32, #tpu.memory_space<hbm>>
      %dma_wait3A_254 = arith.constant 0 : i32
      %dma_wait3A_255 = tpu.memref_slice %arg4[%add3A_246, %dma_wait3A_254] : memref<589824x128xf32, #tpu.memory_space<hbm>> -> memref<128x128xf32, #tpu.memory_space<hbm>>
      %dma_wait3A_256 = arith.constant 0 : i32
      %dma_wait3A_257 = arith.constant 0 : i32
      %dma_wait3A_258 = tpu.memref_slice %arg6[%dma_wait3A_247, %dma_wait3A_256, %dma_wait3A_257] : memref<4x128x128xf32, #tpu.memory_space<vmem>> -> memref<1x128x128xf32, #tpu.memory_space<vmem>>
      %dma_wait3A_259 = tpu.memref_squeeze %dma_wait3A_258 : memref<1x128x128xf32, #tpu.memory_space<vmem>> -> memref<128x128xf32, #tpu.memory_space<vmem>>
      tpu.wait_dma2 semaphore(%arg13 : memref<!tpu.dma_semaphore, #tpu.memory_space<semaphore_mem>>) src(%dma_wait3A_259 : memref<128x128xf32, #tpu.memory_space<vmem>>) dst(%dma_wait3A_255 : memref<128x128xf32, #tpu.memory_space<hbm>>)
      %add3A_260 = arith.constant 18176 : i32
      %add3A_261 = arith.addi %mul3A_2, %add3A_260 : i32
      %dma_wait3A_262 = arith.constant 2 : i32
      %dma_wait3A_263 = arith.constant 0 : i32
      %dma_wait3A_264 = arith.constant 0 : i32
      %dma_wait3A_265 = tpu.memref_slice %arg6[%dma_wait3A_262, %dma_wait3A_263, %dma_wait3A_264] : memref<4x128x128xf32, #tpu.memory_space<vmem>> -> memref<1x128x128xf32, #tpu.memory_space<vmem>>
      %dma_wait3A_266 = tpu.memref_squeeze %dma_wait3A_265 : memref<1x128x128xf32, #tpu.memory_space<vmem>> -> memref<128x128xf32, #tpu.memory_space<vmem>>
      %dma_wait3A_267 = arith.constant 0 : i32
      %dma_wait3A_268 = tpu.memref_slice %arg4[%add3A_261, %dma_wait3A_267] : memref<589824x128xf32, #tpu.memory_space<hbm>> -> memref<128x128xf32, #tpu.memory_space<hbm>>
      %dma_wait3A_269 = arith.constant 0 : i32
      %dma_wait3A_270 = tpu.memref_slice %arg4[%add3A_261, %dma_wait3A_269] : memref<589824x128xf32, #tpu.memory_space<hbm>> -> memref<128x128xf32, #tpu.memory_space<hbm>>
      %dma_wait3A_271 = arith.constant 0 : i32
      %dma_wait3A_272 = arith.constant 0 : i32
      %dma_wait3A_273 = tpu.memref_slice %arg6[%dma_wait3A_262, %dma_wait3A_271, %dma_wait3A_272] : memref<4x128x128xf32, #tpu.memory_space<vmem>> -> memref<1x128x128xf32, #tpu.memory_space<vmem>>
      %dma_wait3A_274 = tpu.memref_squeeze %dma_wait3A_273 : memref<1x128x128xf32, #tpu.memory_space<vmem>> -> memref<128x128xf32, #tpu.memory_space<vmem>>
      tpu.wait_dma2 semaphore(%arg13 : memref<!tpu.dma_semaphore, #tpu.memory_space<semaphore_mem>>) src(%dma_wait3A_274 : memref<128x128xf32, #tpu.memory_space<vmem>>) dst(%dma_wait3A_270 : memref<128x128xf32, #tpu.memory_space<hbm>>)
      %add3A_275 = arith.constant 18304 : i32
      %add3A_276 = arith.addi %mul3A_2, %add3A_275 : i32
      %dma_wait3A_277 = arith.constant 3 : i32
      %dma_wait3A_278 = arith.constant 0 : i32
      %dma_wait3A_279 = arith.constant 0 : i32
      %dma_wait3A_280 = tpu.memref_slice %arg6[%dma_wait3A_277, %dma_wait3A_278, %dma_wait3A_279] : memref<4x128x128xf32, #tpu.memory_space<vmem>> -> memref<1x128x128xf32, #tpu.memory_space<vmem>>
      %dma_wait3A_281 = tpu.memref_squeeze %dma_wait3A_280 : memref<1x128x128xf32, #tpu.memory_space<vmem>> -> memref<128x128xf32, #tpu.memory_space<vmem>>
      %dma_wait3A_282 = arith.constant 0 : i32
      %dma_wait3A_283 = tpu.memref_slice %arg4[%add3A_276, %dma_wait3A_282] : memref<589824x128xf32, #tpu.memory_space<hbm>> -> memref<128x128xf32, #tpu.memory_space<hbm>>
      %dma_wait3A_284 = arith.constant 0 : i32
      %dma_wait3A_285 = tpu.memref_slice %arg4[%add3A_276, %dma_wait3A_284] : memref<589824x128xf32, #tpu.memory_space<hbm>> -> memref<128x128xf32, #tpu.memory_space<hbm>>
      %dma_wait3A_286 = arith.constant 0 : i32
      %dma_wait3A_287 = arith.constant 0 : i32
      %dma_wait3A_288 = tpu.memref_slice %arg6[%dma_wait3A_277, %dma_wait3A_286, %dma_wait3A_287] : memref<4x128x128xf32, #tpu.memory_space<vmem>> -> memref<1x128x128xf32, #tpu.memory_space<vmem>>
      %dma_wait3A_289 = tpu.memref_squeeze %dma_wait3A_288 : memref<1x128x128xf32, #tpu.memory_space<vmem>> -> memref<128x128xf32, #tpu.memory_space<vmem>>
      tpu.wait_dma2 semaphore(%arg13 : memref<!tpu.dma_semaphore, #tpu.memory_space<semaphore_mem>>) src(%dma_wait3A_289 : memref<128x128xf32, #tpu.memory_space<vmem>>) dst(%dma_wait3A_285 : memref<128x128xf32, #tpu.memory_space<hbm>>)
    } else {
    }
    return
  }
}

</mosaic_0001>

<sc_bundles>
// kernel: kernel.3.cloned.1.call-start
scs
__scs_entry_jumppad:
0x0: {  	(pc) =	sbr.rel $0x88, $3  }
0x1: {  	(tag) =	ssettag $0x0;
	lr =	simm.s32 $0x1  }
0x2: {  	[smem:$0x3F9F] =	sst lr;
	_ =	strace $0xD0000000  }
0x3: {  	_ = 	snop  }
0x4: {  	_ = 	snop  }
0x5: {  	_ = 	snop  }
0x6: {  	_ = 	snop  }
0x7: {  	_ = 	snop  }
__scs_overlays_trampoline_lowered:
0x8: {  	[smem:$0x3FAE] =	sst s0  }
0x9: {  	[smem:$0x3FAF] =	sst s1  }
0xa: {  	[smem:$0x3FB0] =	sst s2  }
0xb: {  	[smem:$0x3FB1] =	sst s3  }
0xc: {  	[smem:$0x3FB2] =	sst s4  }
0xd: {  	[smem:$0x3FB3] =	sst s5  }
0xe: {  	[smem:$0x3FB4] =	sst s6  }
0xf: {  	[smem:$0x3FB5] =	sst s7  }
0x10: {  	[smem:$0x3FB6] =	sst s8  }
0x11: {  	[smem:$0x3FB7] =	sst s9;
	s0 =	simm.s32 @!p0 $0x0  }
0x12: {  	s1 =	sld [smem:$0x3F9D];
	s0 =	simm.s32 @p0 $0x1  }
0x13: {  	[smem:$0x3FB8] =	sst s0;
	s0 =	simm.s32 @!p1 $0x0  }
0x14: {  	s2 =	sld [smem:$0x3F9C];
	s0 =	simm.s32 @p1 $0x1  }
0x15: {  	[smem:$0x3FB9] =	sst s0;
	s0 =	simm.s32 @!p2 $0x0  }
0x16: {  	s3 =	sld [smem:$0x3FDB];
	s0 =	simm.s32 @p2 $0x1  }
0x17: {  	s4 =	simm.s32 $0x1BF5;
	[smem:$0x3FBB] =	sst s0  }
0x18: {  	s0 =	sld [smem:$0x3F9E];
	_ =	swait.ge [sflag:s4], $0x0  }
0x19: {  	s7 =	sld [smem:$0x3F9F]  }
0x1a: {  	s8 =	sadd.s32 $0xFFFFE003, lr  }
0x1b: {  	s9 =	sadd.s32 $0xFFFFFEF7, lr;
	s5 =	simm.s32 $0xFFFFFFFF;
	p2 =	slt.u32 s8, $0xFFFFF086  }
0x1c: {  	p1 =	slt.u32 s9, $0xF7A;
	s5 =	simm.s32 @!p2 $0x0  }
0x1d: {  	s5 =	simm.s32 @p1 $0x1;
	p0 =	seq.s32 s7, s2  }
0x1e: {  	s7 =	smul.u32 @!p0 $0xF7A, s2;
	p2 =	seq.s32 @!p0 s5, $0x0  }
0x1f: {  	s9 =	smul.u32 $0xF7A, s1;
	s8 =	simm.s32 @!p0 $0x1BF5;
	p2 =	por !p2, p0  }
0x20: {  	[sflag:s8] =	ssyncset.s32 @!p0 $0xFFFFF086;
	s6 =	sadd.s32 @!p0 s3, s7;
	s7 =	simm.s32 @!p0 $0x108  }
0x21: {  	s3 =	sadd.s32 s3, s9;
	s6 =	sadd.s32 @!p0 $0x88, s6;
	s7 =	simm.s32 @p2 $0x1082  }
0x22: {  	[simem:s7], [sflag:s8] =	dma.local @!p0 [hbm:s6], $0xF7A  }
0x23: {  	s9 =	sor.u32 $0xD0000000, s2;
	s6 =	simm.s32 $0x108;
	_ =	swait.ge @!p0 [sflag:s8], $0x0  }
0x24: {  	s3 =	sadd.s32 $0x88, s3;
	s6 =	simm.s32 @!p1 $0x1082;
	[sflag:s4] =	ssyncset.s32 $0xFFFFF086  }
0x25: {  	[simem:s6], [sflag:s4] =	dma.local [hbm:s3], $0xF7A  }
0x26: {  	[smem:$0x3F9F] =	sst s1;
	(tag) =	ssettag s2;
	_ =	strace s9  }
0x27: {  	s1 =	sld [smem:$0x3FAF]  }
0x28: {  	s2 =	sld [smem:$0x3FB0]  }
0x29: {  	s4 =	sld [smem:$0x3FB2]  }
0x2a: {  	p0 =	seq.s32 s5, $0x0;
	s5 =	sld [smem:$0x3FB3]  }
0x2b: {  	s6 =	sld [smem:$0x3FB4]  }
0x2c: {  	s7 =	sld [smem:$0x3FB5]  }
0x2d: {  	s3 =	simm.s32 $0x108;
	s8 =	sld [smem:$0x3FB6]  }
0x2e: {  	s3 =	simm.s32 @!p0 $0x1082;
	s9 =	sld [smem:$0x3FB7]  }
0x2f: {  	lr =	sadd.s32 s0, s3;
	s0 =	sld [smem:$0x3FAE]  }
0x30: {  	s3 =	sld [smem:$0x3FB1]  }
0x31: {  	[smem:$0x3FBA] =	sst s10  }
0x32: {  	s10 =	sld [smem:$0x3FB8];
	_ =	sdelay $0x3  }
0x33: {  	p0 =	seq.s32 s10, $0x1;
	s10 =	sld [smem:$0x3FBA];
	_ =	sdelay $0x3  }
0x34: {  	[smem:$0x3FBA] =	sst s10  }
0x35: {  	s10 =	sld [smem:$0x3FB9];
	_ =	sdelay $0x3  }
0x36: {  	p1 =	seq.s32 s10, $0x1;
	s10 =	sld [smem:$0x3FBA];
	_ =	sdelay $0x3  }
0x37: {  	[smem:$0x3FBA] =	sst s10  }
0x38: {  	s10 =	sld [smem:$0x3FBB]  }
0x39: {  	_ = 	snop;
	(pc) =	sbr.ind lr, $3  }
0x3a: {  	_ = 	snop  }
0x3b: {  	_ = 	snop  }
0x3c: {  	p2 =	seq.s32 s10, $0x1;
	s10 =	sld [smem:$0x3FBA]  }
0x3d: {  	_ =	shalt  }
0x3e: {  	_ =	shalt  }
0x3f: {  	_ =	shalt  }
0x40: {  	_ =	shalt  }
0x41: {  	_ =	shalt  }
0x42: {  	_ =	shalt  }
0x43: {  	_ =	shalt  }
0x44: {  	_ =	shalt  }
0x45: {  	_ =	shalt  }
0x46: {  	_ =	shalt  }
0x47: {  	_ =	shalt  }
0x48: {  	_ =	shalt  }
0x49: {  	_ =	shalt  }
0x4a: {  	_ =	shalt  }
0x4b: {  	_ =	shalt  }
0x4c: {  	_ =	shalt  }
0x4d: {  	_ =	shalt  }
0x4e: {  	_ =	shalt  }
0x4f: {  	_ =	shalt  }
0x50: {  	_ =	shalt  }
0x51: {  	_ =	shalt  }
0x52: {  	_ =	shalt  }
0x53: {  	_ =	shalt  }
0x54: {  	_ =	shalt  }
0x55: {  	_ =	shalt  }
0x56: {  	_ =	shalt  }
0x57: {  	_ =	shalt  }
0x58: {  	_ =	shalt  }
0x59: {  	_ =	shalt  }
0x5a: {  	_ =	shalt  }
0x5b: {  	_ =	shalt  }
0x5c: {  	_ =	shalt  }
0x5d: {  	_ =	shalt  }
0x5e: {  	_ =	shalt  }
0x5f: {  	_ =	shalt  }
0x60: {  	_ =	shalt  }
0x61: {  	_ =	shalt  }
0x62: {  	_ =	shalt  }
0x63: {  	_ =	shalt  }
0x64: {  	_ =	shalt  }
0x65: {  	_ =	shalt  }
0x66: {  	_ =	shalt  }
0x67: {  	_ =	shalt  }
0x68: {  	_ =	shalt  }
0x69: {  	_ =	shalt  }
0x6a: {  	_ =	shalt  }
0x6b: {  	_ =	shalt  }
0x6c: {  	_ =	shalt  }
0x6d: {  	_ =	shalt  }
0x6e: {  	_ =	shalt  }
0x6f: {  	_ =	shalt  }
0x70: {  	_ =	shalt  }
0x71: {  	_ =	shalt  }
0x72: {  	_ =	shalt  }
0x73: {  	_ =	shalt  }
0x74: {  	_ =	shalt  }
0x75: {  	_ =	shalt  }
0x76: {  	_ =	shalt  }
0x77: {  	_ =	shalt  }
0x78: {  	_ =	shalt  }
0x79: {  	_ =	shalt  }
0x7a: {  	_ =	shalt  }
0x7b: {  	_ =	shalt  }
0x7c: {  	_ =	shalt  }
0x7d: {  	_ =	shalt  }
0x7e: {  	_ =	shalt  }
0x7f: {  	_ =	shalt  }
0x80: {  	_ =	shalt  }
0x81: {  	_ =	shalt  }
0x82: {  	_ =	shalt  }
0x83: {  	_ =	shalt  }
0x84: {  	_ =	shalt  }
0x85: {  	_ =	shalt  }
0x86: {  	_ =	shalt  }
0x87: {  	_ =	shalt  }
.Lfunc_end0:
.L_simem_size_0:
called_computation_lowered:
.L_overlay_start_0:
0x88: {  	s2 =	sld [smem:$0x3FD9]  }
0x89: {  	s3 =	sld [smem:$0x3FFE];
	_ =	sdelay $0x1  }
0x8a: {  	s1 =	srdreg.scid  }
0x8b: {  	s0 =	sand.u32 $0x1, s1  }
0x8c: {  	s17 =	sshll.u32 s0, $0xA;
	s2 =	sadd.s32 s3, s2  }
0x8d: {  	s2 =	sadd.s32 s2, s17  }
0x8e: {  	[smem:$0x3FC6] =	sst s2  }
0x8f: {  	_ = 	snop  }
0x90: {  	s2 =	sld [smem:$0x3FC9]  }
0x91: {  	s18 =	sld [smem:$0x3FD0];
	(tm) =	ssettm $0x1  }
0x92: {  	s4 =	sld [smem:$0x3FFB];
	_ =	sdelay $0x3  }
0x93: {  	_ =	strace s4  }
0x94: {  	s4 =	sld [smem:$0x3FFC];
	_ =	sdelay $0x3  }
0x95: {  	_ =	strace s4  }
0x96: {  	s4 =	sld [smem:$0x3FFD];
	_ =	sdelay $0x3  }
0x97: {  	_ =	strace s4  }
0x98: {  	_ =	strace $0x8FFFFFFF  }
0x99: {  	s19 =	sld [smem:$0x3FDB];
	_ =	sdelay $0x1  }
0x9a: {  	s5 =	simm.s32 $_scs_section_size  }
0x9b: {  	s6 =	simm.s32 $_size__tile_overlayer_lowered;
	s7 =	simm.s32 $_tile_overlayer_lowered  }
0x9c: {  	s22 =	simm.s32 $0x1BFF;
	s21 =	sshll.u32 s7, $0x1;
	s4 =	sadd.s32 s5, s19  }
0x9d: {  	s8 =	simm.s32 $0x0;
	s20 =	sshll.u32 s6, $0x1;
	s6 =	sadd.s32 s21, s4  }
0x9e: {  	[timem:s8], [sflag:s22] =	dma.local [hbm:s6], s20  }
0x9f: {  	_ =	swait.ge [sflag:s22], s20  }
0xa0: {  	s5 =	ssub.s32 $0x0, s20;
	[sflag:s22] =	ssyncset.done $0x0  }
0xa1: {  	[sflag:s22] =	ssyncadd.s32 s5;
	_ =	sdelay $0x1  }
0xa2: {  	s23 =	simm.s32 $0x1B8B  }
0xa3: {  	_ =	swait.ge [sflag:s23], $0x1  }
0xa4: {  	[sflag:s23] =	ssyncset.done $0x0  }
0xa5: {  	s25 =	simm.s32 $0x1B8E;
	s24 =	sld [smem:$0x3FFE];
	[sflag:s23] =	ssyncadd.s32 $0xFFFFFFFF  }
0xa6: {  	s26 =	simm.s32 $execute0_lowered;
	[smem:$0x3FD2] =	sst s25  }
0xa7: {  	s6 =	sshll.u32 s26, $0x1;
	_ =	strace $0x80000046;
	[dreg:$0x1] =	wrdreg $0xFFFFFFFF  }
0xa8: {  	s28 =	simm.s32 $_size_execute0_lowered;
	s4 =	sadd.s32 s4, s6;
	[dreg:$0x0] =	wrdreg $0x0  }
0xa9: {  	s6 =	sshll.u32 s28, $0x1;
	[dreg:$0x2] =	wrdreg s4  }
0xaa: {  	[dreg:$0x3] =	wrdreg s6  }
0xab: {  	[dreg:$0x4] =	wrdreg $0xC0  }
0xac: {  	_ =	task [dreg:s8], $0x5FFFF  }
0xad: {  	[dreg:$0x1] =	wrdreg $0xFFFFFFFF  }
0xae: {  	[dreg:$0x0] =	wrdreg $0x60  }
0xaf: {  	[dreg:$0x2] =	wrdreg s2  }
0xb0: {  	[dreg:$0x3] =	wrdreg s24  }
0xb1: {  	[dreg:$0x4] =	wrdreg s18  }
0xb2: {  	[dreg:$0x5] =	wrdreg $0x148800  }
0xb3: {  	[dreg:$0x6] =	wrdreg $0x150880  }
0xb4: {  	[dreg:$0x7] =	wrdreg $0x158900  }
0xb5: {  	[dreg:$0x8] =	wrdreg $0x160980  }
0xb6: {  	[dreg:$0x9] =	wrdreg $0x9  }
0xb7: {  	_ =	task.clear_ibuf [dreg:s8], $0xAFFFF;
	_ =	strace $0x90000046  }
0xb8: {  	s29 =	simm.s32 $0x9;
	_ =	strace $0x80000048  }
0xb9: {  	_ =	swait.ge [sflag:s29], $0x1  }
0xba: {  	[sflag:s29] =	ssyncadd.s32 $0xFFFFFFFF  }
0xbb: {  	_ =	strace $0x90000048  }
0xbc: {  	_ =	sfence  }
0xbd: {  	s30 =	sld [smem:$0x0];
	_ =	sdelay $0x2  }
0xbe: {  	s31 =	sshll.u32 s1, $0xD;
	s1 =	sshrl.u32 s1, $0x2  }
0xbf: {  	s3 =	sand.u32 $0x4000, s31;
	s1 =	sadd.s32 s1, s30  }
0xc0: {  	s0 =	sor.u32 s3, s0;
	s1 =	sshll.u32 s1, $0x11  }
0xc1: {  	s0 =	sor.u32 s1, s0  }
0xc2: {  	s0 =	sadd.s32 $0x8F2B, s0  }
0xc3: {  	[sflag:s0] =	ssyncadd.remote.s32 $0x1  }
0xc4: {  	_ =	sfence.sel $0xFFFF  }
0xc5: {  	[dreg:$0x0] =	wrdreg $0xFFFFFFFF;
	(pc) =	sbr.abs _section_cstart, $3  }
0xc6: {  	[dreg:$0x1] =	wrdreg $0xFFFFFFFF  }
0xc7: {  	_ =	task.clear_ibuf [dreg:s8], $0x2FFFF;
	_ =	strace $0x9FFFFFFF  }
0xc8: {  	(tm) =	ssettm $0x7FFFFFFF  }
0xc9: {  	_ =	shalt  }
tec
execute0_lowered:
.L_overlay_start_1:
0x0: {  	(tag) =	ssettag $0x1  }
0x1: {  	s12 =	rddreg [dreg:$0x0]  }
0x2: {  	s0 =	rddreg [dreg:$0x1]  }
0x3: {  	s1 =	rddreg [dreg:$0x2]  }
0x4: {  	s2 =	rddreg [dreg:$0x3]  }
0x5: {  	s4 =	srdreg.scid;
	s3 =	rddreg [dreg:$0x4]  }
0x6: {  	s22 =	stileid.u32;
	s5 =	rddreg [dreg:$0x5];
	s7 =	simm.s32 $0x0  }
0x7: {  	s28 =	simm.s32 $0x1;
	s29 =	simm.s32 $0x80;
	s30 =	simm.s32 $0x4800  }
0x8: {  	s31 =	simm.s32 $0x8800;
	s4 =	sand.u32 $0x1, s4;
	s6 =	sshll.u32 s22, $0x1  }
0x9: {  	[smem:$0x7FF] =	sst s7;
	s13 =	sadd.s32 $0x3000, s12;
	s19 =	sadd.s32 $0x80, s5  }
0xa: {  	s25 =	sadd.s32 $0x2000, s12;
	s14 =	smul.u32 $0x480000, s22;
	s20 =	sadd.s32 $0x80, s3  }
0xb: {  	s12 =	sadd.s32 $0x1000, s12;
	s21 =	sadd.s32 $0x80, s2;
	s18 =	smul.u32 $0x90000, s22  }
0xc: {  	p0 =	sgt.s32 s22, $0x1;
	s9 =	sor.u32 s4, s6;
	s6 =	rddreg [dreg:$0x6]  }
0xd: {  	p1 =	seq.s32 s22, $0x0;
	_ =	strace $0x80000047;
	[dreg:$0x8] =	wrdreg s13  }
0xe: {  	p2 =	seq.s32 s22, $0x1;
	p6 =	seq.s32 s22, $0x2;
	[dreg:$0x9] =	wrdreg s25  }
0xf: {  	s10 =	ssub.s32 $0x2, s4;
	s15 =	smul.u32 $0x240000, s4;
	[dreg:$0xa] =	wrdreg s12  }
0x10: {  	s26 =	smul.u32 $0x48000, s4;
	s25 =	sshrl.u32 s20, $0x3;
	s4 =	simm.s32 $0x100  }
0x11: {  	s20 =	simm.s32 $0xC800;
	s8 =	smul.u32 $0x4800, s9;
	s11 =	sshrl.u32 s10, $0x1  }
0x12: {  	s24 =	smul.u32 $0x240000, s9;
	s9 =	sadd.s32 $0x80, s6;
	s23 =	sadd.s32 s18, s1  }
0x13: {  	[dreg:$0xc] =	wrdreg s25;
	s10 =	ssub.s32 s10, s11;
	s11 =	sshrl.u32 s22, $0x2  }
0x14: {  	s17 =	sadd.s32 s15, s14;
	s18 =	sadd.s32 s26, s23;
	s23 =	simm.s32 $0x14800  }
0x15: {  	s26 =	sshrl.u32 s19, $0x3;
	s25 =	sshrl.u32 s9, $0x3;
	s9 =	simm.s32 $0x0  }
0x16: {  	s8 =	sshrl.u32 s8, $0x3;
	s16 =	smax.u32 s10, $0x1;
	s17 =	sshrl.u32 s17, $0x3  }
0x17: {  	p3 =	sgt.s32 s11, $0x1;
	p4 =	seq.s32 s11, $0x0;
	s0 =	sadd.s32 s8, s0  }
0x18: {  	[dreg:$0xd] =	wrdreg s26;
	s8 =	sadd.s32 $0x400, s0;
	s0 =	sshrl.u32 s24, $0x3  }
0x19: {  	s26 =	simm.s32 $0x3;
	s24 =	sshrl.u32 s21, $0x3;
	s0 =	sadd.s32 s1, s0  }
0x1a: {  	s12 =	sadd.s32 $0x46000, s0;
	s13 =	sadd.s32 $0x46800, s0;
	s14 =	sadd.s32 $0x47000, s0  }
.Ltmp0:
0x1b: {  	s15 =	sadd.s32 $0x47800, s0;
	s0 =	simm.s32 @!p4 $0x0;
	(pc) =	sbr.rel .LBB2_1-.Ltmp0, $4  }
0x1c: {  	[dreg:$0xb] =	wrdreg s24;
	s0 =	simm.s32 @p4 $0x1;
	p4 =	seq.s32 s11, $0x2  }
0x1d: {  	s17 =	sadd.s32 s17, s1;
	[smem:$0x7FC] =	sst s0;
	s0 =	simm.s32 @!p4 $0x0  }
0x1e: {  	s1 =	simm.s32 $0x2;
	s0 =	simm.s32 @p4 $0x1;
	p4 =	seq.s32 s22, $0x3  }
0x1f: {  	v0 =	vimm.f32 $0.0e+00;
	s22 =	simm.s32 $0x180;
	[smem:$0x7FD] =	sst s0;
	s0 =	simm.s32 $0x10800  }
.LBB2_26:
0x20: {  	_ =	swait.ge [sflag:s28], $0x4000  }
0x21: {  	[sflag:s28] =	ssyncset.done $0x0  }
0x22: {  	[sflag:s28] =	ssyncadd.s32 $0xFFFFC000  }
0x23: {  	[hbm4b:s12+s7] =	stream.linear.scatter [tilespmem:s30], [sflag:$0x2], $0x4000, $0x38;
	[tilespmem:$0x168A0] =	vst v63  }
0x24: {  	_ =	swait.ge [sflag:s28], $0x4000  }
0x25: {  	[sflag:s28] =	ssyncset.done $0x0  }
0x26: {  	[sflag:s28] =	ssyncadd.s32 $0xFFFFC000  }
0x27: {  	[hbm4b:s13+s7] =	stream.linear.scatter [tilespmem:s31], [sflag:$0x2], $0x4000, $0x38;
	[tilespmem:$0x168A0] =	vst v63  }
0x28: {  	_ =	swait.ge [sflag:s28], $0x4000  }
0x29: {  	[sflag:s28] =	ssyncset.done $0x0  }
0x2a: {  	[sflag:s28] =	ssyncadd.s32 $0xFFFFC000  }
0x2b: {  	[hbm4b:s14+s7] =	stream.linear.scatter [tilespmem:s20], [sflag:$0x2], $0x4000, $0x38;
	[tilespmem:$0x168A0] =	vst v63  }
0x2c: {  	_ =	swait.ge [sflag:s28], $0x4000  }
0x2d: {  	[sflag:s28] =	ssyncset.done $0x0  }
0x2e: {  	[sflag:s28] =	ssyncadd.s32 $0xFFFFC000  }
0x2f: {  	[hbm4b:s15+s7] =	stream.linear.scatter [tilespmem:s0], [sflag:$0x2], $0x4000, $0x38;
	[tilespmem:$0x168A0] =	vst v63  }
0x30: {  	_ =	swait.ge [sflag:s1], $0x4000  }
0x31: {  	[sflag:s1] =	ssyncset.done $0x0  }
0x32: {  	[sflag:s1] =	ssyncadd.s32 $0xFFFFC000  }
0x33: {  	_ =	swait.ge [sflag:s1], $0x4000  }
0x34: {  	[sflag:s1] =	ssyncset.done $0x0  }
0x35: {  	s9 =	sadd.s32 $0x1, s9;
	[sflag:s1] =	ssyncadd.s32 $0xFFFFC000  }
0x36: {  	p5 =	sne.s32 s9, s16;
	_ =	swait.ge [sflag:s1], $0x4000  }
.Ltmp1:
0x37: {  	[sflag:s1] =	ssyncset.done $0x0;
	(pc) =	sbr.rel @!p5 .LBB2_27-.Ltmp1, $4  }
0x38: {  	[sflag:s1] =	ssyncadd.s32 $0xFFFFC000  }
0x39: {  	_ =	swait.ge [sflag:s1], $0x4000  }
0x3a: {  	[sflag:s1] =	ssyncset.done $0x0  }
0x3b: {  	[sflag:s1] =	ssyncadd.s32 $0xFFFFC000  }
.LBB2_1:
.Ltmp2:
0x3c: {  	(pc) =	sbr.rel @p0 .LBB2_5-.Ltmp2, $2  }
0x3d: {  	_ =	sdelay $0x2  }
0x3e: {  	[tilespmem:s7], [sflag:$0x1] =	stream.linear.gather [hbm4b:s8+s7], $0x4800, $0x38;
	[tilespmem:$0x168A0] =	vst v63  }
.Ltmp3:
0x3f: {  	(pc) =	sbr.rel @p1 .LBB2_8-.Ltmp3, $1  }
0x40: {  	_ =	sdelay $0x3  }
.Ltmp4:
0x41: {  	(pc) =	sbr.rel @!p2 .LBB2_11-.Ltmp4, $1  }
0x42: {  	_ =	sdelay $0x3  }
0x43: {  	[tilespmem:$0x14800] =	vst v0  }
0x44: {  	[tilespmem:$0x14810] =	vst v0  }
0x45: {  	[tilespmem:$0x14820] =	vst v0  }
0x46: {  	[tilespmem:$0x14830] =	vst v0  }
0x47: {  	[tilespmem:$0x14840] =	vst v0  }
.Ltmp5:
0x48: {  	[tilespmem:$0x14850] =	vst v0;
	(pc) =	sbr.rel .LBB2_10-.Ltmp5, $4  }
0x49: {  	[tilespmem:$0x14860] =	vst v0;
	s10 =	rddreg [dreg:$0xa]  }
0x4a: {  	[tilespmem:$0x14870] =	vst v0;
	s11 =	rddreg [dreg:$0xc];
	s19 =	simm.s32 $0x1C43  }
0x4b: {  	[spmem:s11], [sflag:s19] =	dma.local [hbm:s10], $0x1000  }
0x4c: {  	s10 =	smov.u32 s3  }
.LBB2_5:
.Ltmp6:
0x4d: {  	(pc) =	sbr.rel @p6 .LBB2_9-.Ltmp6, $1  }
0x4e: {  	_ =	sdelay $0x3  }
.Ltmp7:
0x4f: {  	(pc) =	sbr.rel @!p4 .LBB2_11-.Ltmp7, $1  }
0x50: {  	_ =	sdelay $0x3  }
0x51: {  	[tilespmem:$0x14800] =	vst v0  }
0x52: {  	[tilespmem:$0x14810] =	vst v0  }
0x53: {  	[tilespmem:$0x14820] =	vst v0  }
0x54: {  	[tilespmem:$0x14830] =	vst v0  }
0x55: {  	[tilespmem:$0x14840] =	vst v0  }
.Ltmp8:
0x56: {  	[tilespmem:$0x14850] =	vst v0;
	(pc) =	sbr.rel .LBB2_10-.Ltmp8, $4  }
0x57: {  	[tilespmem:$0x14860] =	vst v0  }
0x58: {  	[tilespmem:$0x14870] =	vst v0;
	s10 =	rddreg [dreg:$0x8];
	s11 =	simm.s32 $0x1CC3  }
0x59: {  	[spmem:s25], [sflag:s11] =	dma.local [hbm:s10], $0x1000  }
0x5a: {  	s10 =	smov.u32 s6  }
.LBB2_11:
.Ltmp9:
0x5b: {  	_ =	swait.ge [sflag:s28], $0x4800;
	(pc) =	sbr.rel @p3 .LBB2_22-.Ltmp9, $3  }
0x5c: {  	[sflag:s28] =	ssyncset.done $0x0  }
0x5d: {  	[sflag:s28] =	ssyncadd.s32 $0xFFFFB800  }
0x5e: {  	[bflag:$0x0] =	sbarrier.arrive $0xFFFF;
	_ =	sdelay $0x1  }
0x5f: {  	s10 =	sld [smem:$0x7FC];
	_ =	sdelay $0x2  }
0x60: {  	p5 =	seq.s32 s10, $0x1  }
.Ltmp10:
0x61: {  	_ = 	snop;
	(pc) =	sbr.rel @p5 .LBB2_13-.Ltmp10, $1  }
0x62: {  	_ =	sdelay $0x3  }
0x63: {  	s10 =	simm.s32 $0x0  }
0x64: {  	[tilespmem:s30], [sflag:$0x1] =	stream.indirect.gather [spmem:s3], $0x80, s10, s29, $0xb8;
	[tilespmem:$0x168A0] =	vst v63  }
0x65: {  	_ = 	snop  }
0x66: {  	[tilespmem:s31], [sflag:$0x1] =	stream.indirect.gather [spmem:s3], $0x80, s29, s29, $0xb8;
	[tilespmem:$0x168A0] =	vst v63  }
0x67: {  	_ = 	snop  }
0x68: {  	[tilespmem:s20], [sflag:$0x1] =	stream.indirect.gather [spmem:s3], $0x80, s4, s29, $0xb8;
	[tilespmem:$0x168A0] =	vst v63  }
0x69: {  	_ = 	snop  }
0x6a: {  	[tilespmem:s0], [sflag:$0x1] =	stream.indirect.gather [spmem:s3], $0x80, s22, s29, $0xb8;
	[tilespmem:$0x168A0] =	vst v63  }
0x6b: {  	_ =	swait.ge [sflag:s28], $0x4000  }
0x6c: {  	[sflag:s28] =	ssyncset.done $0x0  }
0x6d: {  	s19 =	sadd.s32 $0x0, s17;
	[sflag:s28] =	ssyncadd.s32 $0xFFFFC000  }
0x6e: {  	[hbm4b:s19+s7] =	stream.linear.scatter [tilespmem:s30], [sflag:$0x2], $0x4000, $0x38;
	[tilespmem:$0x168A0] =	vst v63  }
0x6f: {  	_ =	swait.ge [sflag:s28], $0x4000  }
0x70: {  	s21 =	sadd.s32 $0x0, s18;
	[sflag:s28] =	ssyncset.done $0x0  }
0x71: {  	s11 =	sadd.s32 $0x800, s21;
	[sflag:s28] =	ssyncadd.s32 $0xFFFFC000  }
0x72: {  	[hbm4b:s11+s7] =	stream.linear.scatter [tilespmem:s31], [sflag:$0x2], $0x4000, $0x38;
	[tilespmem:$0x168A0] =	vst v63  }
0x73: {  	_ =	swait.ge [sflag:s28], $0x4000  }
0x74: {  	[sflag:s28] =	ssyncset.done $0x0  }
0x75: {  	s24 =	sadd.s32 $0x1000, s21;
	[sflag:s28] =	ssyncadd.s32 $0xFFFFC000  }
0x76: {  	[hbm4b:s24+s7] =	stream.linear.scatter [tilespmem:s20], [sflag:$0x2], $0x4000, $0x38;
	[tilespmem:$0x168A0] =	vst v63  }
0x77: {  	_ =	swait.ge [sflag:s28], $0x4000  }
0x78: {  	[sflag:s28] =	ssyncset.done $0x0  }
0x79: {  	s10 =	sadd.s32 $0x1800, s21;
	[sflag:s28] =	ssyncadd.s32 $0xFFFFC000  }
0x7a: {  	[hbm4b:s10+s7] =	stream.linear.scatter [tilespmem:s0], [sflag:$0x2], $0x4000, $0x38;
	[tilespmem:$0x168A0] =	vst v63  }
0x7b: {  	_ =	swait.ge [sflag:s1], $0x4000  }
0x7c: {  	[sflag:s1] =	ssyncset.done $0x0  }
0x7d: {  	s19 =	simm.s32 $0x200;
	[sflag:s1] =	ssyncadd.s32 $0xFFFFC000  }
0x7e: {  	[tilespmem:s30], [sflag:$0x1] =	stream.indirect.gather [spmem:s3], $0x80, s19, s29, $0xb8;
	[tilespmem:$0x168A0] =	vst v63  }
0x7f: {  	_ =	swait.ge [sflag:s1], $0x4000  }
0x80: {  	[sflag:s1] =	ssyncset.done $0x0  }
0x81: {  	s21 =	simm.s32 $0x280;
	[sflag:s1] =	ssyncadd.s32 $0xFFFFC000  }
0x82: {  	[tilespmem:s31], [sflag:$0x1] =	stream.indirect.gather [spmem:s3], $0x80, s21, s29, $0xb8;
	[tilespmem:$0x168A0] =	vst v63  }
0x83: {  	_ =	swait.ge [sflag:s1], $0x4000  }
0x84: {  	[sflag:s1] =	ssyncset.done $0x0  }
0x85: {  	s24 =	simm.s32 $0x300;
	[sflag:s1] =	ssyncadd.s32 $0xFFFFC000  }
0x86: {  	[tilespmem:s20], [sflag:$0x1] =	stream.indirect.gather [spmem:s3], $0x80, s24, s29, $0xb8;
	[tilespmem:$0x168A0] =	vst v63  }
0x87: {  	_ =	swait.ge [sflag:s1], $0x4000  }
0x88: {  	s11 =	simm.s32 $0x2000;
	[sflag:s1] =	ssyncset.done $0x0  }
0x89: {  	s10 =	simm.s32 $0x380;
	s19 =	simm.s32 $0x580;
	[sflag:s1] =	ssyncadd.s32 $0xFFFFC000  }
.LBB2_17:
0x8a: {  	[tilespmem:s0], [sflag:$0x1] =	stream.indirect.gather [spmem:s3], $0x80, s10, s29, $0xb8;
	[tilespmem:$0x168A0] =	vst v63  }
0x8b: {  	s21 =	smov.u32 s11;
	s10 =	smov.u32 s19  }
0x8c: {  	p5 =	seq.s32 s11, $0x44000;
	s11 =	sadd.s32 $0x2000, s11;
	_ =	swait.ge [sflag:s28], $0x4000  }
0x8d: {  	[sflag:s28] =	ssyncset.done $0x0  }
0x8e: {  	s24 =	sadd.s32 s21, s17;
	[sflag:s28] =	ssyncadd.s32 $0xFFFFC000  }
0x8f: {  	[hbm4b:s24+s7] =	stream.linear.scatter [tilespmem:s30], [sflag:$0x2], $0x4000, $0x38;
	[tilespmem:$0x168A0] =	vst v63  }
0x90: {  	_ =	swait.ge [sflag:s28], $0x4000  }
0x91: {  	s21 =	sadd.s32 s21, s18;
	[sflag:s28] =	ssyncset.done $0x0  }
0x92: {  	s24 =	sadd.s32 $0x800, s21;
	[sflag:s28] =	ssyncadd.s32 $0xFFFFC000  }
0x93: {  	[hbm4b:s24+s7] =	stream.linear.scatter [tilespmem:s31], [sflag:$0x2], $0x4000, $0x38;
	[tilespmem:$0x168A0] =	vst v63  }
0x94: {  	_ =	swait.ge [sflag:s28], $0x4000  }
0x95: {  	[sflag:s28] =	ssyncset.done $0x0  }
0x96: {  	s24 =	sadd.s32 $0x1000, s21;
	[sflag:s28] =	ssyncadd.s32 $0xFFFFC000  }
0x97: {  	[hbm4b:s24+s7] =	stream.linear.scatter [tilespmem:s20], [sflag:$0x2], $0x4000, $0x38;
	[tilespmem:$0x168A0] =	vst v63  }
0x98: {  	_ =	swait.ge [sflag:s28], $0x4000  }
0x99: {  	[sflag:s28] =	ssyncset.done $0x0  }
0x9a: {  	s21 =	sadd.s32 $0x1800, s21;
	[sflag:s28] =	ssyncadd.s32 $0xFFFFC000  }
0x9b: {  	[hbm4b:s21+s7] =	stream.linear.scatter [tilespmem:s0], [sflag:$0x2], $0x4000, $0x38;
	[tilespmem:$0x168A0] =	vst v63  }
0x9c: {  	_ =	swait.ge [sflag:s1], $0x4000  }
0x9d: {  	[sflag:s1] =	ssyncset.done $0x0  }
0x9e: {  	s21 =	sadd.s32 $0xFFFFFE80, s19;
	[sflag:s1] =	ssyncadd.s32 $0xFFFFC000  }
0x9f: {  	[tilespmem:s30], [sflag:$0x1] =	stream.indirect.gather [spmem:s3], $0x80, s21, s29, $0xb8;
	[tilespmem:$0x168A0] =	vst v63  }
0xa0: {  	_ =	swait.ge [sflag:s1], $0x4000  }
0xa1: {  	[sflag:s1] =	ssyncset.done $0x0  }
0xa2: {  	s21 =	sadd.s32 $0xFFFFFF00, s19;
	[sflag:s1] =	ssyncadd.s32 $0xFFFFC000  }
0xa3: {  	[tilespmem:s31], [sflag:$0x1] =	stream.indirect.gather [spmem:s3], $0x80, s21, s29, $0xb8;
	[tilespmem:$0x168A0] =	vst v63  }
0xa4: {  	_ =	swait.ge [sflag:s1], $0x4000  }
0xa5: {  	[sflag:s1] =	ssyncset.done $0x0  }
.Ltmp11:
0xa6: {  	s21 =	sadd.s32 $0xFFFFFF80, s19;
	[sflag:s1] =	ssyncadd.s32 $0xFFFFC000;
	(pc) =	sbr.rel @!p5 .LBB2_17-.Ltmp11, $4  }
0xa7: {  	[tilespmem:s20], [sflag:$0x1] =	stream.indirect.gather [spmem:s3], $0x80, s21, s29, $0xb8;
	[tilespmem:$0x168A0] =	vst v63  }
0xa8: {  	_ =	swait.ge [sflag:s1], $0x4000  }
0xa9: {  	[sflag:s1] =	ssyncset.done $0x0  }
0xaa: {  	s19 =	sadd.s32 $0x200, s19;
	[sflag:s1] =	ssyncadd.s32 $0xFFFFC000  }
.Ltmp12:
0xab: {  	(pc) =	sbr.rel .LBB2_26-.Ltmp12, $2  }
0xac: {  	_ =	sdelay $0x2  }
0xad: {  	[tilespmem:s0], [sflag:$0x1] =	stream.indirect.gather [spmem:s3], $0x80, s10, s29, $0xb8;
	[tilespmem:$0x168A0] =	vst v63  }
.LBB2_8:
0xae: {  	[tilespmem:$0x14800] =	vst v0  }
0xaf: {  	[tilespmem:$0x14810] =	vst v0  }
0xb0: {  	[tilespmem:$0x14820] =	vst v0  }
0xb1: {  	[tilespmem:$0x14830] =	vst v0  }
0xb2: {  	[tilespmem:$0x14840] =	vst v0  }
.Ltmp13:
0xb3: {  	[tilespmem:$0x14850] =	vst v0;
	(pc) =	sbr.rel .LBB2_10-.Ltmp13, $4  }
0xb4: {  	[tilespmem:$0x14860] =	vst v0;
	s10 =	rddreg [dreg:$0x0]  }
0xb5: {  	[tilespmem:$0x14870] =	vst v0;
	s11 =	rddreg [dreg:$0xb];
	s19 =	simm.s32 $0x1C03  }
0xb6: {  	[spmem:s11], [sflag:s19] =	dma.local [hbm:s10], $0x1000  }
0xb7: {  	s10 =	smov.u32 s2  }
.LBB2_9:
0xb8: {  	[tilespmem:$0x14800] =	vst v0  }
0xb9: {  	[tilespmem:$0x14810] =	vst v0  }
0xba: {  	[tilespmem:$0x14820] =	vst v0  }
0xbb: {  	[tilespmem:$0x14830] =	vst v0  }
0xbc: {  	[tilespmem:$0x14840] =	vst v0  }
0xbd: {  	[tilespmem:$0x14850] =	vst v0  }
0xbe: {  	[tilespmem:$0x14860] =	vst v0;
	s10 =	rddreg [dreg:$0x9]  }
0xbf: {  	[tilespmem:$0x14870] =	vst v0;
	s11 =	rddreg [dreg:$0xd];
	s19 =	simm.s32 $0x1C83  }
0xc0: {  	[spmem:s11], [sflag:s19] =	dma.local [hbm:s10], $0x1000  }
0xc1: {  	s10 =	smov.u32 s5  }
.LBB2_10:
0xc2: {  	[spmem:s10] =	stream.linear.scatter [tilespmem:s23], [sflag:$0x3], $0x80, $0x38;
	[tilespmem:$0x168A0] =	vst v63  }
0xc3: {  	_ =	swait.ge [sflag:s26], $0x1000  }
0xc4: {  	[sflag:s26] =	ssyncset.done $0x0  }
0xc5: {  	[sflag:s26] =	ssyncadd.s32 $0xFFFFF000  }
0xc6: {  	_ =	swait.ge [sflag:s26], $0x80  }
0xc7: {  	[sflag:s26] =	ssyncset.done $0x0  }
0xc8: {  	[sflag:s26] =	ssyncadd.s32 $0xFFFFFF80  }
0xc9: {  	_ =	swait.ge [sflag:s28], $0x4800  }
0xca: {  	[sflag:s28] =	ssyncset.done $0x0  }
0xcb: {  	[sflag:s28] =	ssyncadd.s32 $0xFFFFB800  }
0xcc: {  	[bflag:$0x0] =	sbarrier.arrive $0xFFFF  }
.LBB2_13:
0xcd: {  	s10 =	simm.s32 $0x0  }
0xce: {  	[tilespmem:s30], [sflag:$0x1] =	stream.indirect.gather [spmem:s2], $0x80, s10, s29, $0xb8;
	[tilespmem:$0x168A0] =	vst v63  }
0xcf: {  	_ = 	snop  }
0xd0: {  	[tilespmem:s31], [sflag:$0x1] =	stream.indirect.gather [spmem:s2], $0x80, s29, s29, $0xb8;
	[tilespmem:$0x168A0] =	vst v63  }
0xd1: {  	_ = 	snop  }
0xd2: {  	[tilespmem:s20], [sflag:$0x1] =	stream.indirect.gather [spmem:s2], $0x80, s4, s29, $0xb8;
	[tilespmem:$0x168A0] =	vst v63  }
0xd3: {  	_ = 	snop  }
0xd4: {  	[tilespmem:s0], [sflag:$0x1] =	stream.indirect.gather [spmem:s2], $0x80, s22, s29, $0xb8;
	[tilespmem:$0x168A0] =	vst v63  }
0xd5: {  	_ =	swait.ge [sflag:s28], $0x4000  }
0xd6: {  	[sflag:s28] =	ssyncset.done $0x0  }
0xd7: {  	s19 =	sadd.s32 $0x0, s17;
	[sflag:s28] =	ssyncadd.s32 $0xFFFFC000  }
0xd8: {  	[hbm4b:s19+s7] =	stream.linear.scatter [tilespmem:s30], [sflag:$0x2], $0x4000, $0x38;
	[tilespmem:$0x168A0] =	vst v63  }
0xd9: {  	_ =	swait.ge [sflag:s28], $0x4000  }
0xda: {  	s21 =	sadd.s32 $0x0, s18;
	[sflag:s28] =	ssyncset.done $0x0  }
0xdb: {  	s11 =	sadd.s32 $0x800, s21;
	[sflag:s28] =	ssyncadd.s32 $0xFFFFC000  }
0xdc: {  	[hbm4b:s11+s7] =	stream.linear.scatter [tilespmem:s31], [sflag:$0x2], $0x4000, $0x38;
	[tilespmem:$0x168A0] =	vst v63  }
0xdd: {  	_ =	swait.ge [sflag:s28], $0x4000  }
0xde: {  	[sflag:s28] =	ssyncset.done $0x0  }
0xdf: {  	s24 =	sadd.s32 $0x1000, s21;
	[sflag:s28] =	ssyncadd.s32 $0xFFFFC000  }
0xe0: {  	[hbm4b:s24+s7] =	stream.linear.scatter [tilespmem:s20], [sflag:$0x2], $0x4000, $0x38;
	[tilespmem:$0x168A0] =	vst v63  }
0xe1: {  	_ =	swait.ge [sflag:s28], $0x4000  }
0xe2: {  	[sflag:s28] =	ssyncset.done $0x0  }
0xe3: {  	s10 =	sadd.s32 $0x1800, s21;
	[sflag:s28] =	ssyncadd.s32 $0xFFFFC000  }
0xe4: {  	[hbm4b:s10+s7] =	stream.linear.scatter [tilespmem:s0], [sflag:$0x2], $0x4000, $0x38;
	[tilespmem:$0x168A0] =	vst v63  }
0xe5: {  	_ =	swait.ge [sflag:s1], $0x4000  }
0xe6: {  	[sflag:s1] =	ssyncset.done $0x0  }
0xe7: {  	s19 =	simm.s32 $0x200;
	[sflag:s1] =	ssyncadd.s32 $0xFFFFC000  }
0xe8: {  	[tilespmem:s30], [sflag:$0x1] =	stream.indirect.gather [spmem:s2], $0x80, s19, s29, $0xb8;
	[tilespmem:$0x168A0] =	vst v63  }
0xe9: {  	_ =	swait.ge [sflag:s1], $0x4000  }
0xea: {  	[sflag:s1] =	ssyncset.done $0x0  }
0xeb: {  	s21 =	simm.s32 $0x280;
	[sflag:s1] =	ssyncadd.s32 $0xFFFFC000  }
0xec: {  	[tilespmem:s31], [sflag:$0x1] =	stream.indirect.gather [spmem:s2], $0x80, s21, s29, $0xb8;
	[tilespmem:$0x168A0] =	vst v63  }
0xed: {  	_ =	swait.ge [sflag:s1], $0x4000  }
0xee: {  	[sflag:s1] =	ssyncset.done $0x0  }
0xef: {  	s24 =	simm.s32 $0x300;
	[sflag:s1] =	ssyncadd.s32 $0xFFFFC000  }
0xf0: {  	[tilespmem:s20], [sflag:$0x1] =	stream.indirect.gather [spmem:s2], $0x80, s24, s29, $0xb8;
	[tilespmem:$0x168A0] =	vst v63  }
0xf1: {  	_ =	swait.ge [sflag:s1], $0x4000  }
0xf2: {  	s11 =	simm.s32 $0x2000;
	[sflag:s1] =	ssyncset.done $0x0  }
0xf3: {  	s10 =	simm.s32 $0x380;
	s19 =	simm.s32 $0x580;
	[sflag:s1] =	ssyncadd.s32 $0xFFFFC000  }
.LBB2_14:
0xf4: {  	[tilespmem:s0], [sflag:$0x1] =	stream.indirect.gather [spmem:s2], $0x80, s10, s29, $0xb8;
	[tilespmem:$0x168A0] =	vst v63  }
0xf5: {  	s21 =	smov.u32 s11;
	s10 =	smov.u32 s19  }
0xf6: {  	p5 =	seq.s32 s11, $0x44000;
	s11 =	sadd.s32 $0x2000, s11;
	_ =	swait.ge [sflag:s28], $0x4000  }
0xf7: {  	[sflag:s28] =	ssyncset.done $0x0  }
0xf8: {  	s24 =	sadd.s32 s21, s17;
	[sflag:s28] =	ssyncadd.s32 $0xFFFFC000  }
0xf9: {  	[hbm4b:s24+s7] =	stream.linear.scatter [tilespmem:s30], [sflag:$0x2], $0x4000, $0x38;
	[tilespmem:$0x168A0] =	vst v63  }
0xfa: {  	_ =	swait.ge [sflag:s28], $0x4000  }
0xfb: {  	s21 =	sadd.s32 s21, s18;
	[sflag:s28] =	ssyncset.done $0x0  }
0xfc: {  	s24 =	sadd.s32 $0x800, s21;
	[sflag:s28] =	ssyncadd.s32 $0xFFFFC000  }
0xfd: {  	[hbm4b:s24+s7] =	stream.linear.scatter [tilespmem:s31], [sflag:$0x2], $0x4000, $0x38;
	[tilespmem:$0x168A0] =	vst v63  }
0xfe: {  	_ =	swait.ge [sflag:s28], $0x4000  }
0xff: {  	[sflag:s28] =	ssyncset.done $0x0  }
0x100: {  	s24 =	sadd.s32 $0x1000, s21;
	[sflag:s28] =	ssyncadd.s32 $0xFFFFC000  }
0x101: {  	[hbm4b:s24+s7] =	stream.linear.scatter [tilespmem:s20], [sflag:$0x2], $0x4000, $0x38;
	[tilespmem:$0x168A0] =	vst v63  }
0x102: {  	_ =	swait.ge [sflag:s28], $0x4000  }
0x103: {  	[sflag:s28] =	ssyncset.done $0x0  }
0x104: {  	s21 =	sadd.s32 $0x1800, s21;
	[sflag:s28] =	ssyncadd.s32 $0xFFFFC000  }
0x105: {  	[hbm4b:s21+s7] =	stream.linear.scatter [tilespmem:s0], [sflag:$0x2], $0x4000, $0x38;
	[tilespmem:$0x168A0] =	vst v63  }
0x106: {  	_ =	swait.ge [sflag:s1], $0x4000  }
0x107: {  	[sflag:s1] =	ssyncset.done $0x0  }
0x108: {  	s21 =	sadd.s32 $0xFFFFFE80, s19;
	[sflag:s1] =	ssyncadd.s32 $0xFFFFC000  }
0x109: {  	[tilespmem:s30], [sflag:$0x1] =	stream.indirect.gather [spmem:s2], $0x80, s21, s29, $0xb8;
	[tilespmem:$0x168A0] =	vst v63  }
0x10a: {  	_ =	swait.ge [sflag:s1], $0x4000  }
0x10b: {  	[sflag:s1] =	ssyncset.done $0x0  }
0x10c: {  	s21 =	sadd.s32 $0xFFFFFF00, s19;
	[sflag:s1] =	ssyncadd.s32 $0xFFFFC000  }
0x10d: {  	[tilespmem:s31], [sflag:$0x1] =	stream.indirect.gather [spmem:s2], $0x80, s21, s29, $0xb8;
	[tilespmem:$0x168A0] =	vst v63  }
0x10e: {  	_ =	swait.ge [sflag:s1], $0x4000  }
0x10f: {  	[sflag:s1] =	ssyncset.done $0x0  }
.Ltmp14:
0x110: {  	s21 =	sadd.s32 $0xFFFFFF80, s19;
	[sflag:s1] =	ssyncadd.s32 $0xFFFFC000;
	(pc) =	sbr.rel @!p5 .LBB2_14-.Ltmp14, $4  }
0x111: {  	[tilespmem:s20], [sflag:$0x1] =	stream.indirect.gather [spmem:s2], $0x80, s21, s29, $0xb8;
	[tilespmem:$0x168A0] =	vst v63  }
0x112: {  	_ =	swait.ge [sflag:s1], $0x4000  }
0x113: {  	[sflag:s1] =	ssyncset.done $0x0  }
0x114: {  	s19 =	sadd.s32 $0x200, s19;
	[sflag:s1] =	ssyncadd.s32 $0xFFFFC000  }
.Ltmp15:
0x115: {  	(pc) =	sbr.rel .LBB2_26-.Ltmp15, $2  }
0x116: {  	_ =	sdelay $0x2  }
0x117: {  	[tilespmem:s0], [sflag:$0x1] =	stream.indirect.gather [spmem:s2], $0x80, s10, s29, $0xb8;
	[tilespmem:$0x168A0] =	vst v63  }
.LBB2_22:
0x118: {  	s10 =	sld [smem:$0x7FD];
	_ =	sdelay $0x2  }
0x119: {  	p5 =	seq.s32 s10, $0x1  }
.Ltmp16:
0x11a: {  	_ = 	snop;
	(pc) =	sbr.rel @!p5 .LBB2_23-.Ltmp16, $1  }
0x11b: {  	_ =	sdelay $0x3  }
0x11c: {  	s10 =	simm.s32 $0x0  }
0x11d: {  	[tilespmem:s30], [sflag:$0x1] =	stream.indirect.gather [spmem:s5], $0x80, s10, s29, $0xb8;
	[tilespmem:$0x168A0] =	vst v63  }
0x11e: {  	_ = 	snop  }
0x11f: {  	[tilespmem:s31], [sflag:$0x1] =	stream.indirect.gather [spmem:s5], $0x80, s29, s29, $0xb8;
	[tilespmem:$0x168A0] =	vst v63  }
0x120: {  	_ = 	snop  }
0x121: {  	[tilespmem:s20], [sflag:$0x1] =	stream.indirect.gather [spmem:s5], $0x80, s4, s29, $0xb8;
	[tilespmem:$0x168A0] =	vst v63  }
0x122: {  	_ = 	snop  }
0x123: {  	[tilespmem:s0], [sflag:$0x1] =	stream.indirect.gather [spmem:s5], $0x80, s22, s29, $0xb8;
	[tilespmem:$0x168A0] =	vst v63  }
0x124: {  	_ =	swait.ge [sflag:s28], $0x4000  }
0x125: {  	[sflag:s28] =	ssyncset.done $0x0  }
0x126: {  	s19 =	sadd.s32 $0x0, s17;
	[sflag:s28] =	ssyncadd.s32 $0xFFFFC000  }
0x127: {  	[hbm4b:s19+s7] =	stream.linear.scatter [tilespmem:s30], [sflag:$0x2], $0x4000, $0x38;
	[tilespmem:$0x168A0] =	vst v63  }
0x128: {  	_ =	swait.ge [sflag:s28], $0x4000  }
0x129: {  	s21 =	sadd.s32 $0x0, s18;
	[sflag:s28] =	ssyncset.done $0x0  }
0x12a: {  	s11 =	sadd.s32 $0x800, s21;
	[sflag:s28] =	ssyncadd.s32 $0xFFFFC000  }
0x12b: {  	[hbm4b:s11+s7] =	stream.linear.scatter [tilespmem:s31], [sflag:$0x2], $0x4000, $0x38;
	[tilespmem:$0x168A0] =	vst v63  }
0x12c: {  	_ =	swait.ge [sflag:s28], $0x4000  }
0x12d: {  	[sflag:s28] =	ssyncset.done $0x0  }
0x12e: {  	s24 =	sadd.s32 $0x1000, s21;
	[sflag:s28] =	ssyncadd.s32 $0xFFFFC000  }
0x12f: {  	[hbm4b:s24+s7] =	stream.linear.scatter [tilespmem:s20], [sflag:$0x2], $0x4000, $0x38;
	[tilespmem:$0x168A0] =	vst v63  }
0x130: {  	_ =	swait.ge [sflag:s28], $0x4000  }
0x131: {  	[sflag:s28] =	ssyncset.done $0x0  }
0x132: {  	s10 =	sadd.s32 $0x1800, s21;
	[sflag:s28] =	ssyncadd.s32 $0xFFFFC000  }
0x133: {  	[hbm4b:s10+s7] =	stream.linear.scatter [tilespmem:s0], [sflag:$0x2], $0x4000, $0x38;
	[tilespmem:$0x168A0] =	vst v63  }
0x134: {  	_ =	swait.ge [sflag:s1], $0x4000  }
0x135: {  	[sflag:s1] =	ssyncset.done $0x0  }
0x136: {  	s19 =	simm.s32 $0x200;
	[sflag:s1] =	ssyncadd.s32 $0xFFFFC000  }
0x137: {  	[tilespmem:s30], [sflag:$0x1] =	stream.indirect.gather [spmem:s5], $0x80, s19, s29, $0xb8;
	[tilespmem:$0x168A0] =	vst v63  }
0x138: {  	_ =	swait.ge [sflag:s1], $0x4000  }
0x139: {  	[sflag:s1] =	ssyncset.done $0x0  }
0x13a: {  	s21 =	simm.s32 $0x280;
	[sflag:s1] =	ssyncadd.s32 $0xFFFFC000  }
0x13b: {  	[tilespmem:s31], [sflag:$0x1] =	stream.indirect.gather [spmem:s5], $0x80, s21, s29, $0xb8;
	[tilespmem:$0x168A0] =	vst v63  }
0x13c: {  	_ =	swait.ge [sflag:s1], $0x4000  }
0x13d: {  	[sflag:s1] =	ssyncset.done $0x0  }
0x13e: {  	s24 =	simm.s32 $0x300;
	[sflag:s1] =	ssyncadd.s32 $0xFFFFC000  }
0x13f: {  	[tilespmem:s20], [sflag:$0x1] =	stream.indirect.gather [spmem:s5], $0x80, s24, s29, $0xb8;
	[tilespmem:$0x168A0] =	vst v63  }
0x140: {  	_ =	swait.ge [sflag:s1], $0x4000  }
0x141: {  	s11 =	simm.s32 $0x2000;
	[sflag:s1] =	ssyncset.done $0x0  }
0x142: {  	s10 =	simm.s32 $0x380;
	s19 =	simm.s32 $0x580;
	[sflag:s1] =	ssyncadd.s32 $0xFFFFC000  }
.LBB2_20:
0x143: {  	[tilespmem:s0], [sflag:$0x1] =	stream.indirect.gather [spmem:s5], $0x80, s10, s29, $0xb8;
	[tilespmem:$0x168A0] =	vst v63  }
0x144: {  	s21 =	smov.u32 s11;
	s10 =	smov.u32 s19  }
0x145: {  	p5 =	seq.s32 s11, $0x44000;
	s11 =	sadd.s32 $0x2000, s11;
	_ =	swait.ge [sflag:s28], $0x4000  }
0x146: {  	[sflag:s28] =	ssyncset.done $0x0  }
0x147: {  	s24 =	sadd.s32 s21, s17;
	[sflag:s28] =	ssyncadd.s32 $0xFFFFC000  }
0x148: {  	[hbm4b:s24+s7] =	stream.linear.scatter [tilespmem:s30], [sflag:$0x2], $0x4000, $0x38;
	[tilespmem:$0x168A0] =	vst v63  }
0x149: {  	_ =	swait.ge [sflag:s28], $0x4000  }
0x14a: {  	s21 =	sadd.s32 s21, s18;
	[sflag:s28] =	ssyncset.done $0x0  }
0x14b: {  	s24 =	sadd.s32 $0x800, s21;
	[sflag:s28] =	ssyncadd.s32 $0xFFFFC000  }
0x14c: {  	[hbm4b:s24+s7] =	stream.linear.scatter [tilespmem:s31], [sflag:$0x2], $0x4000, $0x38;
	[tilespmem:$0x168A0] =	vst v63  }
0x14d: {  	_ =	swait.ge [sflag:s28], $0x4000  }
0x14e: {  	[sflag:s28] =	ssyncset.done $0x0  }
0x14f: {  	s24 =	sadd.s32 $0x1000, s21;
	[sflag:s28] =	ssyncadd.s32 $0xFFFFC000  }
0x150: {  	[hbm4b:s24+s7] =	stream.linear.scatter [tilespmem:s20], [sflag:$0x2], $0x4000, $0x38;
	[tilespmem:$0x168A0] =	vst v63  }
0x151: {  	_ =	swait.ge [sflag:s28], $0x4000  }
0x152: {  	[sflag:s28] =	ssyncset.done $0x0  }
0x153: {  	s21 =	sadd.s32 $0x1800, s21;
	[sflag:s28] =	ssyncadd.s32 $0xFFFFC000  }
0x154: {  	[hbm4b:s21+s7] =	stream.linear.scatter [tilespmem:s0], [sflag:$0x2], $0x4000, $0x38;
	[tilespmem:$0x168A0] =	vst v63  }
0x155: {  	_ =	swait.ge [sflag:s1], $0x4000  }
0x156: {  	[sflag:s1] =	ssyncset.done $0x0  }
0x157: {  	s21 =	sadd.s32 $0xFFFFFE80, s19;
	[sflag:s1] =	ssyncadd.s32 $0xFFFFC000  }
0x158: {  	[tilespmem:s30], [sflag:$0x1] =	stream.indirect.gather [spmem:s5], $0x80, s21, s29, $0xb8;
	[tilespmem:$0x168A0] =	vst v63  }
0x159: {  	_ =	swait.ge [sflag:s1], $0x4000  }
0x15a: {  	[sflag:s1] =	ssyncset.done $0x0  }
0x15b: {  	s21 =	sadd.s32 $0xFFFFFF00, s19;
	[sflag:s1] =	ssyncadd.s32 $0xFFFFC000  }
0x15c: {  	[tilespmem:s31], [sflag:$0x1] =	stream.indirect.gather [spmem:s5], $0x80, s21, s29, $0xb8;
	[tilespmem:$0x168A0] =	vst v63  }
0x15d: {  	_ =	swait.ge [sflag:s1], $0x4000  }
0x15e: {  	[sflag:s1] =	ssyncset.done $0x0  }
.Ltmp17:
0x15f: {  	s21 =	sadd.s32 $0xFFFFFF80, s19;
	[sflag:s1] =	ssyncadd.s32 $0xFFFFC000;
	(pc) =	sbr.rel @!p5 .LBB2_20-.Ltmp17, $4  }
0x160: {  	[tilespmem:s20], [sflag:$0x1] =	stream.indirect.gather [spmem:s5], $0x80, s21, s29, $0xb8;
	[tilespmem:$0x168A0] =	vst v63  }
0x161: {  	_ =	swait.ge [sflag:s1], $0x4000  }
0x162: {  	[sflag:s1] =	ssyncset.done $0x0  }
0x163: {  	s19 =	sadd.s32 $0x200, s19;
	[sflag:s1] =	ssyncadd.s32 $0xFFFFC000  }
.Ltmp18:
0x164: {  	(pc) =	sbr.rel .LBB2_26-.Ltmp18, $2  }
0x165: {  	_ =	sdelay $0x2  }
0x166: {  	[tilespmem:s0], [sflag:$0x1] =	stream.indirect.gather [spmem:s5], $0x80, s10, s29, $0xb8;
	[tilespmem:$0x168A0] =	vst v63  }
.LBB2_23:
0x167: {  	s10 =	simm.s32 $0x0  }
0x168: {  	[tilespmem:s30], [sflag:$0x1] =	stream.indirect.gather [spmem:s6], $0x80, s10, s29, $0xb8;
	[tilespmem:$0x168A0] =	vst v63  }
0x169: {  	_ = 	snop  }
0x16a: {  	[tilespmem:s31], [sflag:$0x1] =	stream.indirect.gather [spmem:s6], $0x80, s29, s29, $0xb8;
	[tilespmem:$0x168A0] =	vst v63  }
0x16b: {  	_ = 	snop  }
0x16c: {  	[tilespmem:s20], [sflag:$0x1] =	stream.indirect.gather [spmem:s6], $0x80, s4, s29, $0xb8;
	[tilespmem:$0x168A0] =	vst v63  }
0x16d: {  	_ = 	snop  }
0x16e: {  	[tilespmem:s0], [sflag:$0x1] =	stream.indirect.gather [spmem:s6], $0x80, s22, s29, $0xb8;
	[tilespmem:$0x168A0] =	vst v63  }
0x16f: {  	_ =	swait.ge [sflag:s28], $0x4000  }
0x170: {  	[sflag:s28] =	ssyncset.done $0x0  }
0x171: {  	s19 =	sadd.s32 $0x0, s17;
	[sflag:s28] =	ssyncadd.s32 $0xFFFFC000  }
0x172: {  	[hbm4b:s19+s7] =	stream.linear.scatter [tilespmem:s30], [sflag:$0x2], $0x4000, $0x38;
	[tilespmem:$0x168A0] =	vst v63  }
0x173: {  	_ =	swait.ge [sflag:s28], $0x4000  }
0x174: {  	s21 =	sadd.s32 $0x0, s18;
	[sflag:s28] =	ssyncset.done $0x0  }
0x175: {  	s11 =	sadd.s32 $0x800, s21;
	[sflag:s28] =	ssyncadd.s32 $0xFFFFC000  }
0x176: {  	[hbm4b:s11+s7] =	stream.linear.scatter [tilespmem:s31], [sflag:$0x2], $0x4000, $0x38;
	[tilespmem:$0x168A0] =	vst v63  }
0x177: {  	_ =	swait.ge [sflag:s28], $0x4000  }
0x178: {  	[sflag:s28] =	ssyncset.done $0x0  }
0x179: {  	s24 =	sadd.s32 $0x1000, s21;
	[sflag:s28] =	ssyncadd.s32 $0xFFFFC000  }
0x17a: {  	[hbm4b:s24+s7] =	stream.linear.scatter [tilespmem:s20], [sflag:$0x2], $0x4000, $0x38;
	[tilespmem:$0x168A0] =	vst v63  }
0x17b: {  	_ =	swait.ge [sflag:s28], $0x4000  }
0x17c: {  	[sflag:s28] =	ssyncset.done $0x0  }
0x17d: {  	s10 =	sadd.s32 $0x1800, s21;
	[sflag:s28] =	ssyncadd.s32 $0xFFFFC000  }
0x17e: {  	[hbm4b:s10+s7] =	stream.linear.scatter [tilespmem:s0], [sflag:$0x2], $0x4000, $0x38;
	[tilespmem:$0x168A0] =	vst v63  }
0x17f: {  	_ =	swait.ge [sflag:s1], $0x4000  }
0x180: {  	[sflag:s1] =	ssyncset.done $0x0  }
0x181: {  	s19 =	simm.s32 $0x200;
	[sflag:s1] =	ssyncadd.s32 $0xFFFFC000  }
0x182: {  	[tilespmem:s30], [sflag:$0x1] =	stream.indirect.gather [spmem:s6], $0x80, s19, s29, $0xb8;
	[tilespmem:$0x168A0] =	vst v63  }
0x183: {  	_ =	swait.ge [sflag:s1], $0x4000  }
0x184: {  	[sflag:s1] =	ssyncset.done $0x0  }
0x185: {  	s21 =	simm.s32 $0x280;
	[sflag:s1] =	ssyncadd.s32 $0xFFFFC000  }
0x186: {  	[tilespmem:s31], [sflag:$0x1] =	stream.indirect.gather [spmem:s6], $0x80, s21, s29, $0xb8;
	[tilespmem:$0x168A0] =	vst v63  }
0x187: {  	_ =	swait.ge [sflag:s1], $0x4000  }
0x188: {  	[sflag:s1] =	ssyncset.done $0x0  }
0x189: {  	s24 =	simm.s32 $0x300;
	[sflag:s1] =	ssyncadd.s32 $0xFFFFC000  }
0x18a: {  	[tilespmem:s20], [sflag:$0x1] =	stream.indirect.gather [spmem:s6], $0x80, s24, s29, $0xb8;
	[tilespmem:$0x168A0] =	vst v63  }
0x18b: {  	_ =	swait.ge [sflag:s1], $0x4000  }
0x18c: {  	s11 =	simm.s32 $0x2000;
	[sflag:s1] =	ssyncset.done $0x0  }
0x18d: {  	s10 =	simm.s32 $0x380;
	s19 =	simm.s32 $0x580;
	[sflag:s1] =	ssyncadd.s32 $0xFFFFC000  }
.LBB2_24:
0x18e: {  	[tilespmem:s0], [sflag:$0x1] =	stream.indirect.gather [spmem:s6], $0x80, s10, s29, $0xb8;
	[tilespmem:$0x168A0] =	vst v63  }
0x18f: {  	s21 =	smov.u32 s11;
	s10 =	smov.u32 s19  }
0x190: {  	p5 =	seq.s32 s11, $0x44000;
	s11 =	sadd.s32 $0x2000, s11;
	_ =	swait.ge [sflag:s28], $0x4000  }
0x191: {  	[sflag:s28] =	ssyncset.done $0x0  }
0x192: {  	s24 =	sadd.s32 s21, s17;
	[sflag:s28] =	ssyncadd.s32 $0xFFFFC000  }
0x193: {  	[hbm4b:s24+s7] =	stream.linear.scatter [tilespmem:s30], [sflag:$0x2], $0x4000, $0x38;
	[tilespmem:$0x168A0] =	vst v63  }
0x194: {  	_ =	swait.ge [sflag:s28], $0x4000  }
0x195: {  	s21 =	sadd.s32 s21, s18;
	[sflag:s28] =	ssyncset.done $0x0  }
0x196: {  	s24 =	sadd.s32 $0x800, s21;
	[sflag:s28] =	ssyncadd.s32 $0xFFFFC000  }
0x197: {  	[hbm4b:s24+s7] =	stream.linear.scatter [tilespmem:s31], [sflag:$0x2], $0x4000, $0x38;
	[tilespmem:$0x168A0] =	vst v63  }
0x198: {  	_ =	swait.ge [sflag:s28], $0x4000  }
0x199: {  	[sflag:s28] =	ssyncset.done $0x0  }
0x19a: {  	s24 =	sadd.s32 $0x1000, s21;
	[sflag:s28] =	ssyncadd.s32 $0xFFFFC000  }
0x19b: {  	[hbm4b:s24+s7] =	stream.linear.scatter [tilespmem:s20], [sflag:$0x2], $0x4000, $0x38;
	[tilespmem:$0x168A0] =	vst v63  }
0x19c: {  	_ =	swait.ge [sflag:s28], $0x4000  }
0x19d: {  	[sflag:s28] =	ssyncset.done $0x0  }
0x19e: {  	s21 =	sadd.s32 $0x1800, s21;
	[sflag:s28] =	ssyncadd.s32 $0xFFFFC000  }
0x19f: {  	[hbm4b:s21+s7] =	stream.linear.scatter [tilespmem:s0], [sflag:$0x2], $0x4000, $0x38;
	[tilespmem:$0x168A0] =	vst v63  }
0x1a0: {  	_ =	swait.ge [sflag:s1], $0x4000  }
0x1a1: {  	[sflag:s1] =	ssyncset.done $0x0  }
0x1a2: {  	s21 =	sadd.s32 $0xFFFFFE80, s19;
	[sflag:s1] =	ssyncadd.s32 $0xFFFFC000  }
0x1a3: {  	[tilespmem:s30], [sflag:$0x1] =	stream.indirect.gather [spmem:s6], $0x80, s21, s29, $0xb8;
	[tilespmem:$0x168A0] =	vst v63  }
0x1a4: {  	_ =	swait.ge [sflag:s1], $0x4000  }
0x1a5: {  	[sflag:s1] =	ssyncset.done $0x0  }
0x1a6: {  	s21 =	sadd.s32 $0xFFFFFF00, s19;
	[sflag:s1] =	ssyncadd.s32 $0xFFFFC000  }
0x1a7: {  	[tilespmem:s31], [sflag:$0x1] =	stream.indirect.gather [spmem:s6], $0x80, s21, s29, $0xb8;
	[tilespmem:$0x168A0] =	vst v63  }
0x1a8: {  	_ =	swait.ge [sflag:s1], $0x4000  }
0x1a9: {  	[sflag:s1] =	ssyncset.done $0x0  }
.Ltmp19:
0x1aa: {  	s21 =	sadd.s32 $0xFFFFFF80, s19;
	[sflag:s1] =	ssyncadd.s32 $0xFFFFC000;
	(pc) =	sbr.rel @!p5 .LBB2_24-.Ltmp19, $4  }
0x1ab: {  	[tilespmem:s20], [sflag:$0x1] =	stream.indirect.gather [spmem:s6], $0x80, s21, s29, $0xb8;
	[tilespmem:$0x168A0] =	vst v63  }
0x1ac: {  	_ =	swait.ge [sflag:s1], $0x4000  }
0x1ad: {  	[sflag:s1] =	ssyncset.done $0x0  }
0x1ae: {  	s19 =	sadd.s32 $0x200, s19;
	[sflag:s1] =	ssyncadd.s32 $0xFFFFC000  }
.Ltmp20:
0x1af: {  	(pc) =	sbr.rel .LBB2_26-.Ltmp20, $2  }
0x1b0: {  	_ =	sdelay $0x2  }
0x1b1: {  	[tilespmem:s0], [sflag:$0x1] =	stream.indirect.gather [spmem:s6], $0x80, s10, s29, $0xb8;
	[tilespmem:$0x168A0] =	vst v63  }
.LBB2_27:
0x1b2: {  	_ =	sfence.sel $0x180000  }
0x1b3: {  	[bflag:$0x0] =	sbarrier.arrive $0xFFFF  }
0x1b4: {  	_ =	strace $0x90000047  }
0x1b5: {  	s0 =	stileid.u32;
	[bflag:$0x2] =	sbarrier.arrive $0xFFFF  }
0x1b6: {  	p0 =	sne.s32 s0, $0x0;
	s0 =	rddreg [dreg:$0x7]  }
0x1b7: {  	s0 =	sadd.s32 @!p0 $0x100000, s0  }
0x1b8: {  	[sflag:s0] =	ssyncadd.tile.s32 @!p0 $0x1;
	_ =	shalt  }
.Lfunc_end2:
_tile_overlayer_lowered:
.L_overlay_start_2:
0x1b9: {  	(tag) =	ssettag $0x2  }
0x1ba: {  	s0 =	rddreg [dreg:$0x0];
	s2 =	stileid.u32  }
0x1bb: {  	s1 =	rddreg [dreg:$0x1];
	p0 =	sne.s32 s2, $0x0  }
0x1bc: {  	s3 =	rddreg [dreg:$0x2];
	[bflag:$0x3] =	sbarrier.arrive $0xFFFF;
	s2 =	simm.s32 @!p0 $0x1C04  }
0x1bd: {  	[timem:s3], [sflag:s2] =	dma.local @!p0 [hbm:s0], s1  }
0x1be: {  	s0 =	simm.s32 @!p0 $0x4  }
0x1bf: {  	_ =	swait.ge @!p0 [sflag:s0], s1  }
0x1c0: {  	s1 =	ssub.s32 @!p0 $0x0, s1;
	[sflag:s0] =	ssyncset.done @!p0 $0x0  }
0x1c1: {  	[sflag:s0] =	ssyncadd.s32 @!p0 s1  }
0x1c2: {  	[bflag:$0x3] =	sbarrier.arrive $0xFFFF  }
0x1c3: {  	_ =	shalt  }

</sc_bundles>
